<compile_context>
chip_gen: v7x
topology: tpu7x:2x2x1
jax: 0.10.2.dev20260603
libtpu: 0.0.44.dev20260713+nightly
codegen_flags: <defaults>
</compile_context>

<pallas_src>
import functools

import jax
import jax.numpy as jnp
from jax import lax
from jax.experimental import pallas as pl
from jax.experimental.pallas import tpu as pltpu
from jax.experimental.pallas import tpu_sc as plsc

N = 10000
E = 320000
H = 128
FH = 128
OUT = 16

NP = 10240

NUM_CORES = 2
NUM_SUBCORES = 16
NUM_TILES = NUM_CORES * NUM_SUBCORES
EDGES_PER_TILE = E // NUM_TILES
ACHUNK = 128
ANCHUNKS = 80
EPT_PAD = ACHUNK * ANCHUNKS
APAIRS = ANCHUNKS // 2
CHUNK = 80
NCHUNKS = EDGES_PER_TILE // CHUNK
ROWS_PER_SUB = NP // NUM_SUBCORES


def _sc_mesh():
    return plsc.VectorSubcoreMesh(core_axis_name="c", subcore_axis_name="s")


@functools.partial(
    pl.kernel,
    out_type=jax.ShapeDtypeStruct((NUM_CORES, 2, NP, 16), jnp.float32),
    mesh=_sc_mesh(),
    compiler_params=pltpu.CompilerParams(use_tc_tiling_on_sc=False),
    scratch_types=[
        pltpu.VMEM((CHUNK,), jnp.int32),
        pltpu.VMEM((CHUNK,), jnp.int32),
        pltpu.VMEM((CHUNK,), jnp.int32),
        pltpu.VMEM((CHUNK,), jnp.int32),
        pltpu.VMEM((CHUNK, 16), jnp.float32),
        pltpu.SemaphoreType.DMA,
        pltpu.SemaphoreType.DMA,
        pltpu.VMEM_SHARED((NP, 16), jnp.float32),
        pltpu.VMEM_SHARED((NP, 16), jnp.float32),
    ],
)
def _deg_kernel(src_hbm, dst_hbm, zeros_hbm, out_hbm, srcv0, dstv0, srcv1,
                dstv1, ones_v, ix0, ix1, ho_sh, hi_sh):
    c = lax.axis_index("c")
    s = lax.axis_index("s")
    wid = s * NUM_CORES + c
    row0 = s * ROWS_PER_SUB
    base = wid * EDGES_PER_TILE
    pltpu.sync_copy(zeros_hbm.at[pl.ds(row0, ROWS_PER_SUB)],
                    ho_sh.at[pl.ds(row0, ROWS_PER_SUB)])
    pltpu.sync_copy(zeros_hbm.at[pl.ds(row0, ROWS_PER_SUB)],
                    hi_sh.at[pl.ds(row0, ROWS_PER_SUB)])
    for j in range(CHUNK):
        ones_v[j, :] = jnp.ones((16,), jnp.float32)
    plsc.subcore_barrier()

    pltpu.sync_copy(src_hbm.at[pl.ds(base, CHUNK)], srcv0)
    pltpu.sync_copy(dst_hbm.at[pl.ds(base, CHUNK)], dstv0)
    pltpu.sync_copy(src_hbm.at[pl.ds(base + CHUNK, CHUNK)], srcv1)
    pltpu.sync_copy(dst_hbm.at[pl.ds(base + CHUNK, CHUNK)], dstv1)

    def body(j, carry):
        i0 = 2 * j
        pltpu.sync_copy(ones_v, ho_sh.at[srcv0], add=True)
        pltpu.sync_copy(ones_v, hi_sh.at[dstv0], add=True)
        pltpu.async_copy(src_hbm.at[pl.ds(base + (i0 + 2) * CHUNK, CHUNK)],
                         srcv0, ix0)
        pltpu.async_copy(dst_hbm.at[pl.ds(base + (i0 + 2) * CHUNK, CHUNK)],
                         dstv0, ix0)

        pltpu.sync_copy(ones_v, ho_sh.at[srcv1], add=True)
        pltpu.sync_copy(ones_v, hi_sh.at[dstv1], add=True)

        @pl.when(j < NCHUNKS // 2 - 1)
        def _():
            pltpu.async_copy(
                src_hbm.at[pl.ds(base + (i0 + 3) * CHUNK, CHUNK)], srcv1, ix1)
            pltpu.async_copy(
                dst_hbm.at[pl.ds(base + (i0 + 3) * CHUNK, CHUNK)], dstv1, ix1)

        pltpu.make_async_copy(
            src_hbm.at[pl.ds(base + (i0 + 2) * CHUNK, CHUNK)], srcv0,
            ix0).wait()
        pltpu.make_async_copy(
            dst_hbm.at[pl.ds(base + (i0 + 2) * CHUNK, CHUNK)], dstv0,
            ix0).wait()

        @pl.when(j < NCHUNKS // 2 - 1)
        def _():
            pltpu.make_async_copy(
                src_hbm.at[pl.ds(base + (i0 + 3) * CHUNK, CHUNK)], srcv1,
                ix1).wait()
            pltpu.make_async_copy(
                dst_hbm.at[pl.ds(base + (i0 + 3) * CHUNK, CHUNK)], dstv1,
                ix1).wait()

        return carry

    lax.fori_loop(0, NCHUNKS // 2, body, 0)
    pltpu.sync_copy(ones_v, ho_sh.at[srcv0], add=True)
    pltpu.sync_copy(ones_v, hi_sh.at[dstv0], add=True)
    plsc.subcore_barrier()
    pltpu.sync_copy(ho_sh.at[pl.ds(row0, ROWS_PER_SUB)],
                    out_hbm.at[c, 0, pl.ds(row0, ROWS_PER_SUB)])
    pltpu.sync_copy(hi_sh.at[pl.ds(row0, ROWS_PER_SUB)],
                    out_hbm.at[c, 1, pl.ds(row0, ROWS_PER_SUB)])


@functools.partial(
    pl.kernel,
    out_type=jax.ShapeDtypeStruct((NUM_CORES, NP, H), jnp.bfloat16),
    mesh=_sc_mesh(),
    compiler_params=pltpu.CompilerParams(use_tc_tiling_on_sc=False),
    scratch_types=[
        pltpu.VMEM((CHUNK,), jnp.int32),
        pltpu.VMEM((CHUNK,), jnp.int32),
        pltpu.VMEM((CHUNK,), jnp.int32),
        pltpu.VMEM((CHUNK,), jnp.int32),
        pltpu.VMEM((CHUNK, H), jnp.bfloat16),
        pltpu.VMEM((CHUNK, H), jnp.bfloat16),
        pltpu.SemaphoreType.DMA,
        pltpu.SemaphoreType.DMA,
        pltpu.SemaphoreType.DMA,
        pltpu.SemaphoreType.DMA,
        pltpu.VMEM_SHARED((NP, H), jnp.bfloat16),
    ],
)
def _agg_kernel(y_hbm, src_hbm, dst_hbm, zeros_hbm, out_hbm,
                srcv0, dstv0, srcv1, dstv1, rows0, rows1,
                ix0, ix1, g0, g1, acc_sh):
    c = lax.axis_index("c")
    s = lax.axis_index("s")
    wid = s * NUM_CORES + c
    row0 = s * ROWS_PER_SUB
    base = wid * EDGES_PER_TILE
    pltpu.sync_copy(zeros_hbm.at[pl.ds(row0, ROWS_PER_SUB)],
                    acc_sh.at[pl.ds(row0, ROWS_PER_SUB)])
    plsc.subcore_barrier()

    pltpu.sync_copy(src_hbm.at[pl.ds(base, CHUNK)], srcv0)
    pltpu.sync_copy(dst_hbm.at[pl.ds(base, CHUNK)], dstv0)
    pltpu.async_copy(y_hbm.at[srcv0], rows0, g0)
    pltpu.sync_copy(src_hbm.at[pl.ds(base + CHUNK, CHUNK)], srcv1)
    pltpu.sync_copy(dst_hbm.at[pl.ds(base + CHUNK, CHUNK)], dstv1)
    pltpu.async_copy(y_hbm.at[srcv1], rows1, g1)

    def body(j, carry):
        i0 = 2 * j
        pltpu.make_async_copy(y_hbm.at[srcv0], rows0, g0).wait()
        pltpu.sync_copy(rows0, acc_sh.at[dstv0], add=True)
        pltpu.async_copy(src_hbm.at[pl.ds(base + (i0 + 2) * CHUNK, CHUNK)],
                         srcv0, ix0)
        pltpu.async_copy(dst_hbm.at[pl.ds(base + (i0 + 2) * CHUNK, CHUNK)],
                         dstv0, ix0)

        pltpu.make_async_copy(y_hbm.at[srcv1], rows1, g1).wait()
        pltpu.sync_copy(rows1, acc_sh.at[dstv1], add=True)

        @pl.when(j < NCHUNKS // 2 - 1)
        def _():
            pltpu.async_copy(
                src_hbm.at[pl.ds(base + (i0 + 3) * CHUNK, CHUNK)], srcv1, ix1)
            pltpu.async_copy(
                dst_hbm.at[pl.ds(base + (i0 + 3) * CHUNK, CHUNK)], dstv1, ix1)

        pltpu.make_async_copy(
            src_hbm.at[pl.ds(base + (i0 + 2) * CHUNK, CHUNK)], srcv0,
            ix0).wait()
        pltpu.make_async_copy(
            dst_hbm.at[pl.ds(base + (i0 + 2) * CHUNK, CHUNK)], dstv0,
            ix0).wait()
        pltpu.async_copy(y_hbm.at[srcv0], rows0, g0)

        @pl.when(j < NCHUNKS // 2 - 1)
        def _():
            pltpu.make_async_copy(
                src_hbm.at[pl.ds(base + (i0 + 3) * CHUNK, CHUNK)], srcv1,
                ix1).wait()
            pltpu.make_async_copy(
                dst_hbm.at[pl.ds(base + (i0 + 3) * CHUNK, CHUNK)], dstv1,
                ix1).wait()
            pltpu.async_copy(y_hbm.at[srcv1], rows1, g1)

        return carry

    lax.fori_loop(0, NCHUNKS // 2, body, 0)
    pltpu.make_async_copy(y_hbm.at[srcv0], rows0, g0).wait()
    pltpu.sync_copy(rows0, acc_sh.at[dstv0], add=True)
    plsc.subcore_barrier()
    pltpu.sync_copy(acc_sh.at[pl.ds(row0, ROWS_PER_SUB)],
                    out_hbm.at[c, pl.ds(row0, ROWS_PER_SUB)])


_BM = 1000


def _norm(deg):
    return jnp.where(deg > 0, lax.rsqrt(jnp.maximum(deg, 1.0)), 0.0)


def _deg_specs(which):
    return [
        pl.BlockSpec((1, 1, _BM, 16), lambda i, w=which: (0, w, i, 0)),
        pl.BlockSpec((1, 1, _BM, 16), lambda i, w=which: (1, w, i, 0)),
    ]


def _deg_col(d0_ref, d1_ref):
    return (d0_ref[0, 0] + d1_ref[0, 0])[:, :1]


def _scaled_mm(a, degp, w):

    def body(a_ref, d0_ref, d1_ref, w_ref, o_ref):
        scale = _norm(_deg_col(d0_ref, d1_ref))
        o_ref[...] = jnp.dot(a_ref[...] * scale, w_ref[...],
                             preferred_element_type=jnp.float32
                             ).astype(jnp.bfloat16)

    return pl.pallas_call(
        body,
        grid=(N // _BM,),
        in_specs=[
            pl.BlockSpec((_BM, H), lambda i: (i, 0)),
            *_deg_specs(0),
            pl.BlockSpec((H, H), lambda i: (0, 0)),
        ],
        out_specs=pl.BlockSpec((_BM, H), lambda i: (i, 0)),
        out_shape=jax.ShapeDtypeStruct((N, H), jnp.bfloat16),
    )(a, degp, degp, w)


def _agg_specs():
    return [
        pl.BlockSpec((1, _BM, H), lambda i: (0, i, 0)),
        pl.BlockSpec((1, _BM, H), lambda i: (1, i, 0)),
    ]


def _mid_layer(aggp, degp, b, w):

    def body(p0_ref, p1_ref, di0_ref, di1_ref, do0_ref, do1_ref, b_ref, w_ref,
             o_ref):
        ni = _norm(_deg_col(di0_ref, di1_ref))
        no = _norm(_deg_col(do0_ref, do1_ref))
        p = p0_ref[0].astype(jnp.float32) + p1_ref[0].astype(jnp.float32)
        h = jnp.maximum(p * ni + b_ref[...], 0.0)
        o_ref[...] = jnp.dot(h * no, w_ref[...],
                             preferred_element_type=jnp.float32
                             ).astype(jnp.bfloat16)

    return pl.pallas_call(
        body,
        grid=(N // _BM,),
        in_specs=[
            *_agg_specs(),
            *_deg_specs(1),
            *_deg_specs(0),
            pl.BlockSpec((1, H), lambda i: (0, 0)),
            pl.BlockSpec((H, H), lambda i: (0, 0)),
        ],
        out_specs=pl.BlockSpec((_BM, H), lambda i: (i, 0)),
        out_shape=jax.ShapeDtypeStruct((N, H), jnp.bfloat16),
    )(aggp, aggp, degp, degp, degp, degp, b, w)


def _pool_mlp(aggp, degp, b, fw1, fb1, fw2, fb2, fw3, fb3):

    nblk = N // _BM

    def body(p0_ref, p1_ref, di0_ref, di1_ref, b_ref, w1_ref, b1_ref, w2_ref,
             b2_ref, w3_ref, b3_ref, o_ref, acc_ref):
        i = pl.program_id(0)
        ni = _norm(_deg_col(di0_ref, di1_ref))
        p = p0_ref[0].astype(jnp.float32) + p1_ref[0].astype(jnp.float32)
        h = jnp.maximum(p * ni + b_ref[...], 0.0)
        part = jnp.sum(h, axis=0, keepdims=True)

        @pl.when(i == 0)
        def _():
            acc_ref[...] = part

        @pl.when(i > 0)
        def _():
            acc_ref[...] += part

        @pl.when(i == nblk - 1)
        def _():
            hg = acc_ref[...] * (1.0 / N)
            hg = jnp.maximum(
                jnp.dot(hg, w1_ref[...], preferred_element_type=jnp.float32)
                + b1_ref[...], 0.0)
            hg = jnp.maximum(
                jnp.dot(hg, w2_ref[...], preferred_element_type=jnp.float32)
                + b2_ref[...], 0.0)
            o_ref[...] = jnp.dot(
                hg, w3_ref[...],
                preferred_element_type=jnp.float32) + b3_ref[...]

    return pl.pallas_call(
        body,
        grid=(nblk,),
        in_specs=[
            *_agg_specs(),
            *_deg_specs(1),
            pl.BlockSpec((1, H), lambda i: (0, 0)),
            pl.BlockSpec((H, FH), lambda i: (0, 0)),
            pl.BlockSpec((1, FH), lambda i: (0, 0)),
            pl.BlockSpec((FH, FH), lambda i: (0, 0)),
            pl.BlockSpec((1, FH), lambda i: (0, 0)),
            pl.BlockSpec((FH, OUT), lambda i: (0, 0)),
            pl.BlockSpec((1, OUT), lambda i: (0, 0)),
        ],
        out_specs=pl.BlockSpec((1, OUT), lambda i: (0, 0)),
        out_shape=jax.ShapeDtypeStruct((1, OUT), jnp.float32),
        scratch_shapes=[pltpu.VMEM((1, H), jnp.float32)],
    )(aggp, aggp, degp, degp, b, fw1, fb1, fw2, fb2, fw3, fb3)


def kernel(x, edge_index, W1, b1, W2, b2, FW1, Fb1, FW2, Fb2, FW3, Fb3):
    src = edge_index[0]
    dst = edge_index[1]
    zeros_h = jnp.zeros((NP, H), jnp.bfloat16)
    zeros16 = jnp.zeros((NP, 16), jnp.float32)

    degp = _deg_kernel(src, dst, zeros16)

    y1 = _scaled_mm(x, degp, W1)
    aggp1 = _agg_kernel(y1, src, dst, zeros_h)
    y2 = _mid_layer(aggp1, degp, b1.reshape(1, H), W2)
    aggp2 = _agg_kernel(y2, src, dst, zeros_h)
    return _pool_mlp(aggp2, degp, b2.reshape(1, H), FW1, Fb1.reshape(1, FH),
                     FW2, Fb2.reshape(1, FH), FW3, Fb3.reshape(1, OUT))

# --- scband reference (transcript-rebuilt; emitter-appended) ---
"""Pipeline reference for scband-gnn-6554120093878 (READ-ONLY COPY).

The authoritative reference and input builder live on the scoring server;
editing this copy changes nothing except your own understanding.
"""

import jax, jax.numpy as jnp
import numpy as np

N = 10000
E = 320000
D_IN = 128
H = 128
FH = 128
OUT = 16


def setup_inputs(seed: int = 0) -> dict:
    key = jax.random.key(seed)
    ks = jax.random.split(key, 12)
    x = jax.random.normal(ks[0], (N, D_IN), dtype=jnp.float32)
    edge_index = jax.random.randint(ks[1], (2, E), 0, N, dtype=jnp.int32)
    # GraphConv layer params (glorot-ish init)
    W1 = jax.random.normal(ks[2], (D_IN, H), dtype=jnp.float32) * (1.0 / np.sqrt(D_IN))
    b1 = jnp.zeros((H,), dtype=jnp.float32)
    W2 = jax.random.normal(ks[3], (H, H), dtype=jnp.float32) * (1.0 / np.sqrt(H))
    b2 = jnp.zeros((H,), dtype=jnp.float32)
    # FCN classifier params
    FW1 = jax.random.normal(ks[4], (H, FH), dtype=jnp.float32) * (1.0 / np.sqrt(H))
    Fb1 = jnp.zeros((FH,), dtype=jnp.float32)
    FW2 = jax.random.normal(ks[5], (FH, FH), dtype=jnp.float32) * (1.0 / np.sqrt(FH))
    Fb2 = jnp.zeros((FH,), dtype=jnp.float32)
    FW3 = jax.random.normal(ks[6], (FH, OUT), dtype=jnp.float32) * (1.0 / np.sqrt(FH))
    Fb3 = jnp.zeros((OUT,), dtype=jnp.float32)
    return {"x": x, "edge_index": edge_index, "W1": W1, "b1": b1, "W2": W2, "b2": b2,
            "FW1": FW1, "Fb1": Fb1, "FW2": FW2, "Fb2": Fb2, "FW3": FW3, "Fb3": Fb3}


def _graph_conv(h, src, dst, W, b):
    # DGL GraphConv with norm='both': h' = D_in^{-1/2} * A^T * (D_out^{-1/2} * h W) + b
    n = h.shape[0]
    deg_out = jnp.zeros((n,), dtype=h.dtype).at[src].add(1.0)
    deg_in = jnp.zeros((n,), dtype=h.dtype).at[dst].add(1.0)
    norm_out = jnp.where(deg_out > 0, jax.lax.rsqrt(jnp.maximum(deg_out, 1.0)), 0.0)
    norm_in = jnp.where(deg_in > 0, jax.lax.rsqrt(jnp.maximum(deg_in, 1.0)), 0.0)
    hw = h @ W
    msg = hw[src] * norm_out[src][:, None]
    agg = jnp.zeros((n, hw.shape[1]), dtype=h.dtype).at[dst].add(msg)
    return agg * norm_in[:, None] + b


def reference(x, edge_index, W1, b1, W2, b2, FW1, Fb1, FW2, Fb2, FW3, Fb3):
    src = edge_index[0]
    dst = edge_index[1]
    h = jax.nn.relu(_graph_conv(x, src, dst, W1, b1))
    h = jax.nn.relu(_graph_conv(h, src, dst, W2, b2))
    # dgl.mean_nodes with a single graph in the batch -> [1, H]
    hg = jnp.mean(h, axis=0, keepdims=True)
    hg = jax.nn.relu(hg @ FW1 + Fb1)
    hg = jax.nn.relu(hg @ FW2 + Fb2)
    out = hg @ FW3 + Fb3
    return out

if __name__ == "__main__":
    import jax
    _d = setup_inputs()
    print(jax.jit(kernel)(*tuple(_d.values())))

</pallas_src>

<mosaic_0001>
#map = affine_map<(d0, d1) -> (0)>
#map1 = affine_map<(d0, d1) -> (0, 0)>
#map2 = affine_map<(d0, d1) -> (0, 0, 0, 0)>
module attributes {stable_mosaic.version = 14 : i64} {
  func.func @_deg_kernel(%arg0: i32, %arg1: i32, %arg2: memref<320000xi32, #tpu.memory_space<hbm>>, %arg3: memref<320000xi32, #tpu.memory_space<hbm>>, %arg4: memref<10240x16xf32, #tpu.memory_space<hbm>>, %arg5: memref<2x2x10240x16xf32, #tpu.memory_space<hbm>>, %arg6: memref<80xi32, #tpu.memory_space<vmem>>, %arg7: memref<80xi32, #tpu.memory_space<vmem>>, %arg8: memref<80xi32, #tpu.memory_space<vmem>>, %arg9: memref<80xi32, #tpu.memory_space<vmem>>, %arg10: memref<80x16xf32, #tpu.memory_space<vmem>>, %arg11: memref<!tpu.dma_semaphore, #tpu.memory_space<semaphore_mem>>, %arg12: memref<!tpu.dma_semaphore, #tpu.memory_space<semaphore_mem>>, %arg13: memref<10240x16xf32, #tpu.memory_space<vmem_shared>>, %arg14: memref<10240x16xf32, #tpu.memory_space<vmem_shared>>) attributes {dimension_semantics = [#tpu.dimension_semantics<core_parallel>, #tpu.dimension_semantics<subcore_parallel>], iteration_bounds = array<i64: 2, 16>, scalar_prefetch = 0 : i64, scratch_operands = 9 : i64, tpu.core_type = #tpu.core_type<sc_vector_subcore>, window_params = [{transform_indices = #map}, {transform_indices = #map}, {transform_indices = #map1}, {transform_indices = #map2}]} {
    %mul3A = arith.constant 2 : i32
    %mul3A_0 = arith.muli %arg1, %mul3A : i32
    %add3A = arith.addi %mul3A_0, %arg0 : i32
    %mul3A_1 = arith.constant 640 : i32
    %mul3A_2 = arith.muli %arg1, %mul3A_1 : i32
    %mul3A_3 = arith.constant 10000 : i32
    %mul3A_4 = arith.muli %add3A, %mul3A_3 : i32
    "tpu.region"() ({
      %run_scoped3A_654 = tpu.sem_alloc : memref<!tpu.dma_semaphore, #tpu.memory_space<semaphore_mem>>
      %dma_start3A = arith.constant 0 : i32
      %dma_start3A_655 = tpu.memref_slice %arg13[%mul3A_2, %dma_start3A] : memref<10240x16xf32, #tpu.memory_space<vmem_shared>> -> memref<640x16xf32, #tpu.memory_space<vmem_shared>>
      %dma_start3A_656 = arith.constant 0 : i32
      %dma_start3A_657 = tpu.memref_slice %arg4[%mul3A_2, %dma_start3A_656] : memref<10240x16xf32, #tpu.memory_space<hbm>> -> memref<640x16xf32, #tpu.memory_space<hbm>>
      tpu.enqueue_dma source(%dma_start3A_657 : memref<640x16xf32, #tpu.memory_space<hbm>>) target(%dma_start3A_655 : memref<640x16xf32, #tpu.memory_space<vmem_shared>>) target_semaphore(%run_scoped3A_654 : memref<!tpu.dma_semaphore, #tpu.memory_space<semaphore_mem>>)
      %dma_wait3A = arith.constant 0 : i32
      %dma_wait3A_658 = tpu.memref_slice %arg13[%mul3A_2, %dma_wait3A] : memref<10240x16xf32, #tpu.memory_space<vmem_shared>> -> memref<640x16xf32, #tpu.memory_space<vmem_shared>>
      %dma_wait3A_659 = arith.constant 0 : i32
      %dma_wait3A_660 = tpu.memref_slice %arg4[%mul3A_2, %dma_wait3A_659] : memref<10240x16xf32, #tpu.memory_space<hbm>> -> memref<640x16xf32, #tpu.memory_space<hbm>>
      tpu.wait_dma2 semaphore(%run_scoped3A_654 : memref<!tpu.dma_semaphore, #tpu.memory_space<semaphore_mem>>) src(%dma_wait3A_660 : memref<640x16xf32, #tpu.memory_space<hbm>>) dst(%dma_wait3A_658 : memref<640x16xf32, #tpu.memory_space<vmem_shared>>)
      tpu.yield
    }) : () -> ()
    "tpu.region"() ({
      %run_scoped3A_654 = tpu.sem_alloc : memref<!tpu.dma_semaphore, #tpu.memory_space<semaphore_mem>>
      %dma_start3A = arith.constant 0 : i32
      %dma_start3A_655 = tpu.memref_slice %arg14[%mul3A_2, %dma_start3A] : memref<10240x16xf32, #tpu.memory_space<vmem_shared>> -> memref<640x16xf32, #tpu.memory_space<vmem_shared>>
      %dma_start3A_656 = arith.constant 0 : i32
      %dma_start3A_657 = tpu.memref_slice %arg4[%mul3A_2, %dma_start3A_656] : memref<10240x16xf32, #tpu.memory_space<hbm>> -> memref<640x16xf32, #tpu.memory_space<hbm>>
      tpu.enqueue_dma source(%dma_start3A_657 : memref<640x16xf32, #tpu.memory_space<hbm>>) target(%dma_start3A_655 : memref<640x16xf32, #tpu.memory_space<vmem_shared>>) target_semaphore(%run_scoped3A_654 : memref<!tpu.dma_semaphore, #tpu.memory_space<semaphore_mem>>)
      %dma_wait3A = arith.constant 0 : i32
      %dma_wait3A_658 = tpu.memref_slice %arg14[%mul3A_2, %dma_wait3A] : memref<10240x16xf32, #tpu.memory_space<vmem_shared>> -> memref<640x16xf32, #tpu.memory_space<vmem_shared>>
      %dma_wait3A_659 = arith.constant 0 : i32
      %dma_wait3A_660 = tpu.memref_slice %arg4[%mul3A_2, %dma_wait3A_659] : memref<10240x16xf32, #tpu.memory_space<hbm>> -> memref<640x16xf32, #tpu.memory_space<hbm>>
      tpu.wait_dma2 semaphore(%run_scoped3A_654 : memref<!tpu.dma_semaphore, #tpu.memory_space<semaphore_mem>>) src(%dma_wait3A_660 : memref<640x16xf32, #tpu.memory_space<hbm>>) dst(%dma_wait3A_658 : memref<640x16xf32, #tpu.memory_space<vmem_shared>>)
      tpu.yield
    }) : () -> ()
    %broadcast_in_dim3A = arith.constant 1.000000e+00 : f32
    %broadcast_in_dim3A_5 = vector.broadcast %broadcast_in_dim3A : f32 to vector<16xf32>
    %swap3A = arith.constant 0 : i32
    %swap3A_6 = arith.index_cast %swap3A : i32 to index
    %swap3A_7 = arith.constant 0 : index
    %swap3A_8 = tpu.vector_load %arg10[%swap3A_6, %swap3A_7] {strides = array<i32>} : memref<80x16xf32, #tpu.memory_space<vmem>>, vector<1x16xf32>,
    %swap3A_9 = vector.shape_cast %swap3A_8 : vector<1x16xf32> to vector<16xf32>
    %swap3A_10 = vector.shape_cast %broadcast_in_dim3A_5 : vector<16xf32> to vector<1x16xf32>
    tpu.vector_store %arg10[%swap3A_6, %swap3A_7], %swap3A_10 {strides = array<i32>} : memref<80x16xf32, #tpu.memory_space<vmem>>, vector<1x16xf32>,
    %broadcast_in_dim3A_11 = arith.constant 1.000000e+00 : f32
    %broadcast_in_dim3A_12 = vector.broadcast %broadcast_in_dim3A_11 : f32 to vector<16xf32>
    %swap3A_13 = arith.constant 1 : i32
    %swap3A_14 = arith.index_cast %swap3A_13 : i32 to index
    %swap3A_15 = arith.constant 0 : index
    %swap3A_16 = tpu.vector_load %arg10[%swap3A_14, %swap3A_15] {strides = array<i32>} : memref<80x16xf32, #tpu.memory_space<vmem>>, vector<1x16xf32>,
    %swap3A_17 = vector.shape_cast %swap3A_16 : vector<1x16xf32> to vector<16xf32>
    %swap3A_18 = vector.shape_cast %broadcast_in_dim3A_12 : vector<16xf32> to vector<1x16xf32>
    tpu.vector_store %arg10[%swap3A_14, %swap3A_15], %swap3A_18 {strides = array<i32>} : memref<80x16xf32, #tpu.memory_space<vmem>>, vector<1x16xf32>,
    %broadcast_in_dim3A_19 = arith.constant 1.000000e+00 : f32
    %broadcast_in_dim3A_20 = vector.broadcast %broadcast_in_dim3A_19 : f32 to vector<16xf32>
    %swap3A_21 = arith.constant 2 : i32
    %swap3A_22 = arith.index_cast %swap3A_21 : i32 to index
    %swap3A_23 = arith.constant 0 : index
    %swap3A_24 = tpu.vector_load %arg10[%swap3A_22, %swap3A_23] {strides = array<i32>} : memref<80x16xf32, #tpu.memory_space<vmem>>, vector<1x16xf32>,
    %swap3A_25 = vector.shape_cast %swap3A_24 : vector<1x16xf32> to vector<16xf32>
    %swap3A_26 = vector.shape_cast %broadcast_in_dim3A_20 : vector<16xf32> to vector<1x16xf32>
    tpu.vector_store %arg10[%swap3A_22, %swap3A_23], %swap3A_26 {strides = array<i32>} : memref<80x16xf32, #tpu.memory_space<vmem>>, vector<1x16xf32>,
    %broadcast_in_dim3A_27 = arith.constant 1.000000e+00 : f32
    %broadcast_in_dim3A_28 = vector.broadcast %broadcast_in_dim3A_27 : f32 to vector<16xf32>
    %swap3A_29 = arith.constant 3 : i32
    %swap3A_30 = arith.index_cast %swap3A_29 : i32 to index
    %swap3A_31 = arith.constant 0 : index
    %swap3A_32 = tpu.vector_load %arg10[%swap3A_30, %swap3A_31] {strides = array<i32>} : memref<80x16xf32, #tpu.memory_space<vmem>>, vector<1x16xf32>,
    %swap3A_33 = vector.shape_cast %swap3A_32 : vector<1x16xf32> to vector<16xf32>
    %swap3A_34 = vector.shape_cast %broadcast_in_dim3A_28 : vector<16xf32> to vector<1x16xf32>
    tpu.vector_store %arg10[%swap3A_30, %swap3A_31], %swap3A_34 {strides = array<i32>} : memref<80x16xf32, #tpu.memory_space<vmem>>, vector<1x16xf32>,
    %broadcast_in_dim3A_35 = arith.constant 1.000000e+00 : f32
    %broadcast_in_dim3A_36 = vector.broadcast %broadcast_in_dim3A_35 : f32 to vector<16xf32>
    %swap3A_37 = arith.constant 4 : i32
    %swap3A_38 = arith.index_cast %swap3A_37 : i32 to index
    %swap3A_39 = arith.constant 0 : index
    %swap3A_40 = tpu.vector_load %arg10[%swap3A_38, %swap3A_39] {strides = array<i32>} : memref<80x16xf32, #tpu.memory_space<vmem>>, vector<1x16xf32>,
    %swap3A_41 = vector.shape_cast %swap3A_40 : vector<1x16xf32> to vector<16xf32>
    %swap3A_42 = vector.shape_cast %broadcast_in_dim3A_36 : vector<16xf32> to vector<1x16xf32>
    tpu.vector_store %arg10[%swap3A_38, %swap3A_39], %swap3A_42 {strides = array<i32>} : memref<80x16xf32, #tpu.memory_space<vmem>>, vector<1x16xf32>,
    %broadcast_in_dim3A_43 = arith.constant 1.000000e+00 : f32
    %broadcast_in_dim3A_44 = vector.broadcast %broadcast_in_dim3A_43 : f32 to vector<16xf32>
    %swap3A_45 = arith.constant 5 : i32
    %swap3A_46 = arith.index_cast %swap3A_45 : i32 to index
    %swap3A_47 = arith.constant 0 : index
    %swap3A_48 = tpu.vector_load %arg10[%swap3A_46, %swap3A_47] {strides = array<i32>} : memref<80x16xf32, #tpu.memory_space<vmem>>, vector<1x16xf32>,
    %swap3A_49 = vector.shape_cast %swap3A_48 : vector<1x16xf32> to vector<16xf32>
    %swap3A_50 = vector.shape_cast %broadcast_in_dim3A_44 : vector<16xf32> to vector<1x16xf32>
    tpu.vector_store %arg10[%swap3A_46, %swap3A_47], %swap3A_50 {strides = array<i32>} : memref<80x16xf32, #tpu.memory_space<vmem>>, vector<1x16xf32>,
    %broadcast_in_dim3A_51 = arith.constant 1.000000e+00 : f32
    %broadcast_in_dim3A_52 = vector.broadcast %broadcast_in_dim3A_51 : f32 to vector<16xf32>
    %swap3A_53 = arith.constant 6 : i32
    %swap3A_54 = arith.index_cast %swap3A_53 : i32 to index
    %swap3A_55 = arith.constant 0 : index
    %swap3A_56 = tpu.vector_load %arg10[%swap3A_54, %swap3A_55] {strides = array<i32>} : memref<80x16xf32, #tpu.memory_space<vmem>>, vector<1x16xf32>,
    %swap3A_57 = vector.shape_cast %swap3A_56 : vector<1x16xf32> to vector<16xf32>
    %swap3A_58 = vector.shape_cast %broadcast_in_dim3A_52 : vector<16xf32> to vector<1x16xf32>
    tpu.vector_store %arg10[%swap3A_54, %swap3A_55], %swap3A_58 {strides = array<i32>} : memref<80x16xf32, #tpu.memory_space<vmem>>, vector<1x16xf32>,
    %broadcast_in_dim3A_59 = arith.constant 1.000000e+00 : f32
    %broadcast_in_dim3A_60 = vector.broadcast %broadcast_in_dim3A_59 : f32 to vector<16xf32>
    %swap3A_61 = arith.constant 7 : i32
    %swap3A_62 = arith.index_cast %swap3A_61 : i32 to index
    %swap3A_63 = arith.constant 0 : index
    %swap3A_64 = tpu.vector_load %arg10[%swap3A_62, %swap3A_63] {strides = array<i32>} : memref<80x16xf32, #tpu.memory_space<vmem>>, vector<1x16xf32>,
    %swap3A_65 = vector.shape_cast %swap3A_64 : vector<1x16xf32> to vector<16xf32>
    %swap3A_66 = vector.shape_cast %broadcast_in_dim3A_60 : vector<16xf32> to vector<1x16xf32>
    tpu.vector_store %arg10[%swap3A_62, %swap3A_63], %swap3A_66 {strides = array<i32>} : memref<80x16xf32, #tpu.memory_space<vmem>>, vector<1x16xf32>,
    %broadcast_in_dim3A_67 = arith.constant 1.000000e+00 : f32
    %broadcast_in_dim3A_68 = vector.broadcast %broadcast_in_dim3A_67 : f32 to vector<16xf32>
    %swap3A_69 = arith.constant 8 : i32
    %swap3A_70 = arith.index_cast %swap3A_69 : i32 to index
    %swap3A_71 = arith.constant 0 : index
    %swap3A_72 = tpu.vector_load %arg10[%swap3A_70, %swap3A_71] {strides = array<i32>} : memref<80x16xf32, #tpu.memory_space<vmem>>, vector<1x16xf32>,
    %swap3A_73 = vector.shape_cast %swap3A_72 : vector<1x16xf32> to vector<16xf32>
    %swap3A_74 = vector.shape_cast %broadcast_in_dim3A_68 : vector<16xf32> to vector<1x16xf32>
    tpu.vector_store %arg10[%swap3A_70, %swap3A_71], %swap3A_74 {strides = array<i32>} : memref<80x16xf32, #tpu.memory_space<vmem>>, vector<1x16xf32>,
    %broadcast_in_dim3A_75 = arith.constant 1.000000e+00 : f32
    %broadcast_in_dim3A_76 = vector.broadcast %broadcast_in_dim3A_75 : f32 to vector<16xf32>
    %swap3A_77 = arith.constant 9 : i32
    %swap3A_78 = arith.index_cast %swap3A_77 : i32 to index
    %swap3A_79 = arith.constant 0 : index
    %swap3A_80 = tpu.vector_load %arg10[%swap3A_78, %swap3A_79] {strides = array<i32>} : memref<80x16xf32, #tpu.memory_space<vmem>>, vector<1x16xf32>,
    %swap3A_81 = vector.shape_cast %swap3A_80 : vector<1x16xf32> to vector<16xf32>
    %swap3A_82 = vector.shape_cast %broadcast_in_dim3A_76 : vector<16xf32> to vector<1x16xf32>
    tpu.vector_store %arg10[%swap3A_78, %swap3A_79], %swap3A_82 {strides = array<i32>} : memref<80x16xf32, #tpu.memory_space<vmem>>, vector<1x16xf32>,
    %broadcast_in_dim3A_83 = arith.constant 1.000000e+00 : f32
    %broadcast_in_dim3A_84 = vector.broadcast %broadcast_in_dim3A_83 : f32 to vector<16xf32>
    %swap3A_85 = arith.constant 10 : i32
    %swap3A_86 = arith.index_cast %swap3A_85 : i32 to index
    %swap3A_87 = arith.constant 0 : index
    %swap3A_88 = tpu.vector_load %arg10[%swap3A_86, %swap3A_87] {strides = array<i32>} : memref<80x16xf32, #tpu.memory_space<vmem>>, vector<1x16xf32>,
    %swap3A_89 = vector.shape_cast %swap3A_88 : vector<1x16xf32> to vector<16xf32>
    %swap3A_90 = vector.shape_cast %broadcast_in_dim3A_84 : vector<16xf32> to vector<1x16xf32>
    tpu.vector_store %arg10[%swap3A_86, %swap3A_87], %swap3A_90 {strides = array<i32>} : memref<80x16xf32, #tpu.memory_space<vmem>>, vector<1x16xf32>,
    %broadcast_in_dim3A_91 = arith.constant 1.000000e+00 : f32
    %broadcast_in_dim3A_92 = vector.broadcast %broadcast_in_dim3A_91 : f32 to vector<16xf32>
    %swap3A_93 = arith.constant 11 : i32
    %swap3A_94 = arith.index_cast %swap3A_93 : i32 to index
    %swap3A_95 = arith.constant 0 : index
    %swap3A_96 = tpu.vector_load %arg10[%swap3A_94, %swap3A_95] {strides = array<i32>} : memref<80x16xf32, #tpu.memory_space<vmem>>, vector<1x16xf32>,
    %swap3A_97 = vector.shape_cast %swap3A_96 : vector<1x16xf32> to vector<16xf32>
    %swap3A_98 = vector.shape_cast %broadcast_in_dim3A_92 : vector<16xf32> to vector<1x16xf32>
    tpu.vector_store %arg10[%swap3A_94, %swap3A_95], %swap3A_98 {strides = array<i32>} : memref<80x16xf32, #tpu.memory_space<vmem>>, vector<1x16xf32>,
    %broadcast_in_dim3A_99 = arith.constant 1.000000e+00 : f32
    %broadcast_in_dim3A_100 = vector.broadcast %broadcast_in_dim3A_99 : f32 to vector<16xf32>
    %swap3A_101 = arith.constant 12 : i32
    %swap3A_102 = arith.index_cast %swap3A_101 : i32 to index
    %swap3A_103 = arith.constant 0 : index
    %swap3A_104 = tpu.vector_load %arg10[%swap3A_102, %swap3A_103] {strides = array<i32>} : memref<80x16xf32, #tpu.memory_space<vmem>>, vector<1x16xf32>,
    %swap3A_105 = vector.shape_cast %swap3A_104 : vector<1x16xf32> to vector<16xf32>
    %swap3A_106 = vector.shape_cast %broadcast_in_dim3A_100 : vector<16xf32> to vector<1x16xf32>
    tpu.vector_store %arg10[%swap3A_102, %swap3A_103], %swap3A_106 {strides = array<i32>} : memref<80x16xf32, #tpu.memory_space<vmem>>, vector<1x16xf32>,
    %broadcast_in_dim3A_107 = arith.constant 1.000000e+00 : f32
    %broadcast_in_dim3A_108 = vector.broadcast %broadcast_in_dim3A_107 : f32 to vector<16xf32>
    %swap3A_109 = arith.constant 13 : i32
    %swap3A_110 = arith.index_cast %swap3A_109 : i32 to index
    %swap3A_111 = arith.constant 0 : index
    %swap3A_112 = tpu.vector_load %arg10[%swap3A_110, %swap3A_111] {strides = array<i32>} : memref<80x16xf32, #tpu.memory_space<vmem>>, vector<1x16xf32>,
    %swap3A_113 = vector.shape_cast %swap3A_112 : vector<1x16xf32> to vector<16xf32>
    %swap3A_114 = vector.shape_cast %broadcast_in_dim3A_108 : vector<16xf32> to vector<1x16xf32>
    tpu.vector_store %arg10[%swap3A_110, %swap3A_111], %swap3A_114 {strides = array<i32>} : memref<80x16xf32, #tpu.memory_space<vmem>>, vector<1x16xf32>,
    %broadcast_in_dim3A_115 = arith.constant 1.000000e+00 : f32
    %broadcast_in_dim3A_116 = vector.broadcast %broadcast_in_dim3A_115 : f32 to vector<16xf32>
    %swap3A_117 = arith.constant 14 : i32
    %swap3A_118 = arith.index_cast %swap3A_117 : i32 to index
    %swap3A_119 = arith.constant 0 : index
    %swap3A_120 = tpu.vector_load %arg10[%swap3A_118, %swap3A_119] {strides = array<i32>} : memref<80x16xf32, #tpu.memory_space<vmem>>, vector<1x16xf32>,
    %swap3A_121 = vector.shape_cast %swap3A_120 : vector<1x16xf32> to vector<16xf32>
    %swap3A_122 = vector.shape_cast %broadcast_in_dim3A_116 : vector<16xf32> to vector<1x16xf32>
    tpu.vector_store %arg10[%swap3A_118, %swap3A_119], %swap3A_122 {strides = array<i32>} : memref<80x16xf32, #tpu.memory_space<vmem>>, vector<1x16xf32>,
    %broadcast_in_dim3A_123 = arith.constant 1.000000e+00 : f32
    %broadcast_in_dim3A_124 = vector.broadcast %broadcast_in_dim3A_123 : f32 to vector<16xf32>
    %swap3A_125 = arith.constant 15 : i32
    %swap3A_126 = arith.index_cast %swap3A_125 : i32 to index
    %swap3A_127 = arith.constant 0 : index
    %swap3A_128 = tpu.vector_load %arg10[%swap3A_126, %swap3A_127] {strides = array<i32>} : memref<80x16xf32, #tpu.memory_space<vmem>>, vector<1x16xf32>,
    %swap3A_129 = vector.shape_cast %swap3A_128 : vector<1x16xf32> to vector<16xf32>
    %swap3A_130 = vector.shape_cast %broadcast_in_dim3A_124 : vector<16xf32> to vector<1x16xf32>
    tpu.vector_store %arg10[%swap3A_126, %swap3A_127], %swap3A_130 {strides = array<i32>} : memref<80x16xf32, #tpu.memory_space<vmem>>, vector<1x16xf32>,
    %broadcast_in_dim3A_131 = arith.constant 1.000000e+00 : f32
    %broadcast_in_dim3A_132 = vector.broadcast %broadcast_in_dim3A_131 : f32 to vector<16xf32>
    %swap3A_133 = arith.constant 16 : i32
    %swap3A_134 = arith.index_cast %swap3A_133 : i32 to index
    %swap3A_135 = arith.constant 0 : index
    %swap3A_136 = tpu.vector_load %arg10[%swap3A_134, %swap3A_135] {strides = array<i32>} : memref<80x16xf32, #tpu.memory_space<vmem>>, vector<1x16xf32>,
    %swap3A_137 = vector.shape_cast %swap3A_136 : vector<1x16xf32> to vector<16xf32>
    %swap3A_138 = vector.shape_cast %broadcast_in_dim3A_132 : vector<16xf32> to vector<1x16xf32>
    tpu.vector_store %arg10[%swap3A_134, %swap3A_135], %swap3A_138 {strides = array<i32>} : memref<80x16xf32, #tpu.memory_space<vmem>>, vector<1x16xf32>,
    %broadcast_in_dim3A_139 = arith.constant 1.000000e+00 : f32
    %broadcast_in_dim3A_140 = vector.broadcast %broadcast_in_dim3A_139 : f32 to vector<16xf32>
    %swap3A_141 = arith.constant 17 : i32
    %swap3A_142 = arith.index_cast %swap3A_141 : i32 to index
    %swap3A_143 = arith.constant 0 : index
    %swap3A_144 = tpu.vector_load %arg10[%swap3A_142, %swap3A_143] {strides = array<i32>} : memref<80x16xf32, #tpu.memory_space<vmem>>, vector<1x16xf32>,
    %swap3A_145 = vector.shape_cast %swap3A_144 : vector<1x16xf32> to vector<16xf32>
    %swap3A_146 = vector.shape_cast %broadcast_in_dim3A_140 : vector<16xf32> to vector<1x16xf32>
    tpu.vector_store %arg10[%swap3A_142, %swap3A_143], %swap3A_146 {strides = array<i32>} : memref<80x16xf32, #tpu.memory_space<vmem>>, vector<1x16xf32>,
    %broadcast_in_dim3A_147 = arith.constant 1.000000e+00 : f32
    %broadcast_in_dim3A_148 = vector.broadcast %broadcast_in_dim3A_147 : f32 to vector<16xf32>
    %swap3A_149 = arith.constant 18 : i32
    %swap3A_150 = arith.index_cast %swap3A_149 : i32 to index
    %swap3A_151 = arith.constant 0 : index
    %swap3A_152 = tpu.vector_load %arg10[%swap3A_150, %swap3A_151] {strides = array<i32>} : memref<80x16xf32, #tpu.memory_space<vmem>>, vector<1x16xf32>,
    %swap3A_153 = vector.shape_cast %swap3A_152 : vector<1x16xf32> to vector<16xf32>
    %swap3A_154 = vector.shape_cast %broadcast_in_dim3A_148 : vector<16xf32> to vector<1x16xf32>
    tpu.vector_store %arg10[%swap3A_150, %swap3A_151], %swap3A_154 {strides = array<i32>} : memref<80x16xf32, #tpu.memory_space<vmem>>, vector<1x16xf32>,
    %broadcast_in_dim3A_155 = arith.constant 1.000000e+00 : f32
    %broadcast_in_dim3A_156 = vector.broadcast %broadcast_in_dim3A_155 : f32 to vector<16xf32>
    %swap3A_157 = arith.constant 19 : i32
    %swap3A_158 = arith.index_cast %swap3A_157 : i32 to index
    %swap3A_159 = arith.constant 0 : index
    %swap3A_160 = tpu.vector_load %arg10[%swap3A_158, %swap3A_159] {strides = array<i32>} : memref<80x16xf32, #tpu.memory_space<vmem>>, vector<1x16xf32>,
    %swap3A_161 = vector.shape_cast %swap3A_160 : vector<1x16xf32> to vector<16xf32>
    %swap3A_162 = vector.shape_cast %broadcast_in_dim3A_156 : vector<16xf32> to vector<1x16xf32>
    tpu.vector_store %arg10[%swap3A_158, %swap3A_159], %swap3A_162 {strides = array<i32>} : memref<80x16xf32, #tpu.memory_space<vmem>>, vector<1x16xf32>,
    %broadcast_in_dim3A_163 = arith.constant 1.000000e+00 : f32
    %broadcast_in_dim3A_164 = vector.broadcast %broadcast_in_dim3A_163 : f32 to vector<16xf32>
    %swap3A_165 = arith.constant 20 : i32
    %swap3A_166 = arith.index_cast %swap3A_165 : i32 to index
    %swap3A_167 = arith.constant 0 : index
    %swap3A_168 = tpu.vector_load %arg10[%swap3A_166, %swap3A_167] {strides = array<i32>} : memref<80x16xf32, #tpu.memory_space<vmem>>, vector<1x16xf32>,
    %swap3A_169 = vector.shape_cast %swap3A_168 : vector<1x16xf32> to vector<16xf32>
    %swap3A_170 = vector.shape_cast %broadcast_in_dim3A_164 : vector<16xf32> to vector<1x16xf32>
    tpu.vector_store %arg10[%swap3A_166, %swap3A_167], %swap3A_170 {strides = array<i32>} : memref<80x16xf32, #tpu.memory_space<vmem>>, vector<1x16xf32>,
    %broadcast_in_dim3A_171 = arith.constant 1.000000e+00 : f32
    %broadcast_in_dim3A_172 = vector.broadcast %broadcast_in_dim3A_171 : f32 to vector<16xf32>
    %swap3A_173 = arith.constant 21 : i32
    %swap3A_174 = arith.index_cast %swap3A_173 : i32 to index
    %swap3A_175 = arith.constant 0 : index
    %swap3A_176 = tpu.vector_load %arg10[%swap3A_174, %swap3A_175] {strides = array<i32>} : memref<80x16xf32, #tpu.memory_space<vmem>>, vector<1x16xf32>,
    %swap3A_177 = vector.shape_cast %swap3A_176 : vector<1x16xf32> to vector<16xf32>
    %swap3A_178 = vector.shape_cast %broadcast_in_dim3A_172 : vector<16xf32> to vector<1x16xf32>
    tpu.vector_store %arg10[%swap3A_174, %swap3A_175], %swap3A_178 {strides = array<i32>} : memref<80x16xf32, #tpu.memory_space<vmem>>, vector<1x16xf32>,
    %broadcast_in_dim3A_179 = arith.constant 1.000000e+00 : f32
    %broadcast_in_dim3A_180 = vector.broadcast %broadcast_in_dim3A_179 : f32 to vector<16xf32>
    %swap3A_181 = arith.constant 22 : i32
    %swap3A_182 = arith.index_cast %swap3A_181 : i32 to index
    %swap3A_183 = arith.constant 0 : index
    %swap3A_184 = tpu.vector_load %arg10[%swap3A_182, %swap3A_183] {strides = array<i32>} : memref<80x16xf32, #tpu.memory_space<vmem>>, vector<1x16xf32>,
    %swap3A_185 = vector.shape_cast %swap3A_184 : vector<1x16xf32> to vector<16xf32>
    %swap3A_186 = vector.shape_cast %broadcast_in_dim3A_180 : vector<16xf32> to vector<1x16xf32>
    tpu.vector_store %arg10[%swap3A_182, %swap3A_183], %swap3A_186 {strides = array<i32>} : memref<80x16xf32, #tpu.memory_space<vmem>>, vector<1x16xf32>,
    %broadcast_in_dim3A_187 = arith.constant 1.000000e+00 : f32
    %broadcast_in_dim3A_188 = vector.broadcast %broadcast_in_dim3A_187 : f32 to vector<16xf32>
    %swap3A_189 = arith.constant 23 : i32
    %swap3A_190 = arith.index_cast %swap3A_189 : i32 to index
    %swap3A_191 = arith.constant 0 : index
    %swap3A_192 = tpu.vector_load %arg10[%swap3A_190, %swap3A_191] {strides = array<i32>} : memref<80x16xf32, #tpu.memory_space<vmem>>, vector<1x16xf32>,
    %swap3A_193 = vector.shape_cast %swap3A_192 : vector<1x16xf32> to vector<16xf32>
    %swap3A_194 = vector.shape_cast %broadcast_in_dim3A_188 : vector<16xf32> to vector<1x16xf32>
    tpu.vector_store %arg10[%swap3A_190, %swap3A_191], %swap3A_194 {strides = array<i32>} : memref<80x16xf32, #tpu.memory_space<vmem>>, vector<1x16xf32>,
    %broadcast_in_dim3A_195 = arith.constant 1.000000e+00 : f32
    %broadcast_in_dim3A_196 = vector.broadcast %broadcast_in_dim3A_195 : f32 to vector<16xf32>
    %swap3A_197 = arith.constant 24 : i32
    %swap3A_198 = arith.index_cast %swap3A_197 : i32 to index
    %swap3A_199 = arith.constant 0 : index
    %swap3A_200 = tpu.vector_load %arg10[%swap3A_198, %swap3A_199] {strides = array<i32>} : memref<80x16xf32, #tpu.memory_space<vmem>>, vector<1x16xf32>,
    %swap3A_201 = vector.shape_cast %swap3A_200 : vector<1x16xf32> to vector<16xf32>
    %swap3A_202 = vector.shape_cast %broadcast_in_dim3A_196 : vector<16xf32> to vector<1x16xf32>
    tpu.vector_store %arg10[%swap3A_198, %swap3A_199], %swap3A_202 {strides = array<i32>} : memref<80x16xf32, #tpu.memory_space<vmem>>, vector<1x16xf32>,
    %broadcast_in_dim3A_203 = arith.constant 1.000000e+00 : f32
    %broadcast_in_dim3A_204 = vector.broadcast %broadcast_in_dim3A_203 : f32 to vector<16xf32>
    %swap3A_205 = arith.constant 25 : i32
    %swap3A_206 = arith.index_cast %swap3A_205 : i32 to index
    %swap3A_207 = arith.constant 0 : index
    %swap3A_208 = tpu.vector_load %arg10[%swap3A_206, %swap3A_207] {strides = array<i32>} : memref<80x16xf32, #tpu.memory_space<vmem>>, vector<1x16xf32>,
    %swap3A_209 = vector.shape_cast %swap3A_208 : vector<1x16xf32> to vector<16xf32>
    %swap3A_210 = vector.shape_cast %broadcast_in_dim3A_204 : vector<16xf32> to vector<1x16xf32>
    tpu.vector_store %arg10[%swap3A_206, %swap3A_207], %swap3A_210 {strides = array<i32>} : memref<80x16xf32, #tpu.memory_space<vmem>>, vector<1x16xf32>,
    %broadcast_in_dim3A_211 = arith.constant 1.000000e+00 : f32
    %broadcast_in_dim3A_212 = vector.broadcast %broadcast_in_dim3A_211 : f32 to vector<16xf32>
    %swap3A_213 = arith.constant 26 : i32
    %swap3A_214 = arith.index_cast %swap3A_213 : i32 to index
    %swap3A_215 = arith.constant 0 : index
    %swap3A_216 = tpu.vector_load %arg10[%swap3A_214, %swap3A_215] {strides = array<i32>} : memref<80x16xf32, #tpu.memory_space<vmem>>, vector<1x16xf32>,
    %swap3A_217 = vector.shape_cast %swap3A_216 : vector<1x16xf32> to vector<16xf32>
    %swap3A_218 = vector.shape_cast %broadcast_in_dim3A_212 : vector<16xf32> to vector<1x16xf32>
    tpu.vector_store %arg10[%swap3A_214, %swap3A_215], %swap3A_218 {strides = array<i32>} : memref<80x16xf32, #tpu.memory_space<vmem>>, vector<1x16xf32>,
    %broadcast_in_dim3A_219 = arith.constant 1.000000e+00 : f32
    %broadcast_in_dim3A_220 = vector.broadcast %broadcast_in_dim3A_219 : f32 to vector<16xf32>
    %swap3A_221 = arith.constant 27 : i32
    %swap3A_222 = arith.index_cast %swap3A_221 : i32 to index
    %swap3A_223 = arith.constant 0 : index
    %swap3A_224 = tpu.vector_load %arg10[%swap3A_222, %swap3A_223] {strides = array<i32>} : memref<80x16xf32, #tpu.memory_space<vmem>>, vector<1x16xf32>,
    %swap3A_225 = vector.shape_cast %swap3A_224 : vector<1x16xf32> to vector<16xf32>
    %swap3A_226 = vector.shape_cast %broadcast_in_dim3A_220 : vector<16xf32> to vector<1x16xf32>
    tpu.vector_store %arg10[%swap3A_222, %swap3A_223], %swap3A_226 {strides = array<i32>} : memref<80x16xf32, #tpu.memory_space<vmem>>, vector<1x16xf32>,
    %broadcast_in_dim3A_227 = arith.constant 1.000000e+00 : f32
    %broadcast_in_dim3A_228 = vector.broadcast %broadcast_in_dim3A_227 : f32 to vector<16xf32>
    %swap3A_229 = arith.constant 28 : i32
    %swap3A_230 = arith.index_cast %swap3A_229 : i32 to index
    %swap3A_231 = arith.constant 0 : index
    %swap3A_232 = tpu.vector_load %arg10[%swap3A_230, %swap3A_231] {strides = array<i32>} : memref<80x16xf32, #tpu.memory_space<vmem>>, vector<1x16xf32>,
    %swap3A_233 = vector.shape_cast %swap3A_232 : vector<1x16xf32> to vector<16xf32>
    %swap3A_234 = vector.shape_cast %broadcast_in_dim3A_228 : vector<16xf32> to vector<1x16xf32>
    tpu.vector_store %arg10[%swap3A_230, %swap3A_231], %swap3A_234 {strides = array<i32>} : memref<80x16xf32, #tpu.memory_space<vmem>>, vector<1x16xf32>,
    %broadcast_in_dim3A_235 = arith.constant 1.000000e+00 : f32
    %broadcast_in_dim3A_236 = vector.broadcast %broadcast_in_dim3A_235 : f32 to vector<16xf32>
    %swap3A_237 = arith.constant 29 : i32
    %swap3A_238 = arith.index_cast %swap3A_237 : i32 to index
    %swap3A_239 = arith.constant 0 : index
    %swap3A_240 = tpu.vector_load %arg10[%swap3A_238, %swap3A_239] {strides = array<i32>} : memref<80x16xf32, #tpu.memory_space<vmem>>, vector<1x16xf32>,
    %swap3A_241 = vector.shape_cast %swap3A_240 : vector<1x16xf32> to vector<16xf32>
    %swap3A_242 = vector.shape_cast %broadcast_in_dim3A_236 : vector<16xf32> to vector<1x16xf32>
    tpu.vector_store %arg10[%swap3A_238, %swap3A_239], %swap3A_242 {strides = array<i32>} : memref<80x16xf32, #tpu.memory_space<vmem>>, vector<1x16xf32>,
    %broadcast_in_dim3A_243 = arith.constant 1.000000e+00 : f32
    %broadcast_in_dim3A_244 = vector.broadcast %broadcast_in_dim3A_243 : f32 to vector<16xf32>
    %swap3A_245 = arith.constant 30 : i32
    %swap3A_246 = arith.index_cast %swap3A_245 : i32 to index
    %swap3A_247 = arith.constant 0 : index
    %swap3A_248 = tpu.vector_load %arg10[%swap3A_246, %swap3A_247] {strides = array<i32>} : memref<80x16xf32, #tpu.memory_space<vmem>>, vector<1x16xf32>,
    %swap3A_249 = vector.shape_cast %swap3A_248 : vector<1x16xf32> to vector<16xf32>
    %swap3A_250 = vector.shape_cast %broadcast_in_dim3A_244 : vector<16xf32> to vector<1x16xf32>
    tpu.vector_store %arg10[%swap3A_246, %swap3A_247], %swap3A_250 {strides = array<i32>} : memref<80x16xf32, #tpu.memory_space<vmem>>, vector<1x16xf32>,
    %broadcast_in_dim3A_251 = arith.constant 1.000000e+00 : f32
    %broadcast_in_dim3A_252 = vector.broadcast %broadcast_in_dim3A_251 : f32 to vector<16xf32>
    %swap3A_253 = arith.constant 31 : i32
    %swap3A_254 = arith.index_cast %swap3A_253 : i32 to index
    %swap3A_255 = arith.constant 0 : index
    %swap3A_256 = tpu.vector_load %arg10[%swap3A_254, %swap3A_255] {strides = array<i32>} : memref<80x16xf32, #tpu.memory_space<vmem>>, vector<1x16xf32>,
    %swap3A_257 = vector.shape_cast %swap3A_256 : vector<1x16xf32> to vector<16xf32>
    %swap3A_258 = vector.shape_cast %broadcast_in_dim3A_252 : vector<16xf32> to vector<1x16xf32>
    tpu.vector_store %arg10[%swap3A_254, %swap3A_255], %swap3A_258 {strides = array<i32>} : memref<80x16xf32, #tpu.memory_space<vmem>>, vector<1x16xf32>,
    %broadcast_in_dim3A_259 = arith.constant 1.000000e+00 : f32
    %broadcast_in_dim3A_260 = vector.broadcast %broadcast_in_dim3A_259 : f32 to vector<16xf32>
    %swap3A_261 = arith.constant 32 : i32
    %swap3A_262 = arith.index_cast %swap3A_261 : i32 to index
    %swap3A_263 = arith.constant 0 : index
    %swap3A_264 = tpu.vector_load %arg10[%swap3A_262, %swap3A_263] {strides = array<i32>} : memref<80x16xf32, #tpu.memory_space<vmem>>, vector<1x16xf32>,
    %swap3A_265 = vector.shape_cast %swap3A_264 : vector<1x16xf32> to vector<16xf32>
    %swap3A_266 = vector.shape_cast %broadcast_in_dim3A_260 : vector<16xf32> to vector<1x16xf32>
    tpu.vector_store %arg10[%swap3A_262, %swap3A_263], %swap3A_266 {strides = array<i32>} : memref<80x16xf32, #tpu.memory_space<vmem>>, vector<1x16xf32>,
    %broadcast_in_dim3A_267 = arith.constant 1.000000e+00 : f32
    %broadcast_in_dim3A_268 = vector.broadcast %broadcast_in_dim3A_267 : f32 to vector<16xf32>
    %swap3A_269 = arith.constant 33 : i32
    %swap3A_270 = arith.index_cast %swap3A_269 : i32 to index
    %swap3A_271 = arith.constant 0 : index
    %swap3A_272 = tpu.vector_load %arg10[%swap3A_270, %swap3A_271] {strides = array<i32>} : memref<80x16xf32, #tpu.memory_space<vmem>>, vector<1x16xf32>,
    %swap3A_273 = vector.shape_cast %swap3A_272 : vector<1x16xf32> to vector<16xf32>
    %swap3A_274 = vector.shape_cast %broadcast_in_dim3A_268 : vector<16xf32> to vector<1x16xf32>
    tpu.vector_store %arg10[%swap3A_270, %swap3A_271], %swap3A_274 {strides = array<i32>} : memref<80x16xf32, #tpu.memory_space<vmem>>, vector<1x16xf32>,
    %broadcast_in_dim3A_275 = arith.constant 1.000000e+00 : f32
    %broadcast_in_dim3A_276 = vector.broadcast %broadcast_in_dim3A_275 : f32 to vector<16xf32>
    %swap3A_277 = arith.constant 34 : i32
    %swap3A_278 = arith.index_cast %swap3A_277 : i32 to index
    %swap3A_279 = arith.constant 0 : index
    %swap3A_280 = tpu.vector_load %arg10[%swap3A_278, %swap3A_279] {strides = array<i32>} : memref<80x16xf32, #tpu.memory_space<vmem>>, vector<1x16xf32>,
    %swap3A_281 = vector.shape_cast %swap3A_280 : vector<1x16xf32> to vector<16xf32>
    %swap3A_282 = vector.shape_cast %broadcast_in_dim3A_276 : vector<16xf32> to vector<1x16xf32>
    tpu.vector_store %arg10[%swap3A_278, %swap3A_279], %swap3A_282 {strides = array<i32>} : memref<80x16xf32, #tpu.memory_space<vmem>>, vector<1x16xf32>,
    %broadcast_in_dim3A_283 = arith.constant 1.000000e+00 : f32
    %broadcast_in_dim3A_284 = vector.broadcast %broadcast_in_dim3A_283 : f32 to vector<16xf32>
    %swap3A_285 = arith.constant 35 : i32
    %swap3A_286 = arith.index_cast %swap3A_285 : i32 to index
    %swap3A_287 = arith.constant 0 : index
    %swap3A_288 = tpu.vector_load %arg10[%swap3A_286, %swap3A_287] {strides = array<i32>} : memref<80x16xf32, #tpu.memory_space<vmem>>, vector<1x16xf32>,
    %swap3A_289 = vector.shape_cast %swap3A_288 : vector<1x16xf32> to vector<16xf32>
    %swap3A_290 = vector.shape_cast %broadcast_in_dim3A_284 : vector<16xf32> to vector<1x16xf32>
    tpu.vector_store %arg10[%swap3A_286, %swap3A_287], %swap3A_290 {strides = array<i32>} : memref<80x16xf32, #tpu.memory_space<vmem>>, vector<1x16xf32>,
    %broadcast_in_dim3A_291 = arith.constant 1.000000e+00 : f32
    %broadcast_in_dim3A_292 = vector.broadcast %broadcast_in_dim3A_291 : f32 to vector<16xf32>
    %swap3A_293 = arith.constant 36 : i32
    %swap3A_294 = arith.index_cast %swap3A_293 : i32 to index
    %swap3A_295 = arith.constant 0 : index
    %swap3A_296 = tpu.vector_load %arg10[%swap3A_294, %swap3A_295] {strides = array<i32>} : memref<80x16xf32, #tpu.memory_space<vmem>>, vector<1x16xf32>,
    %swap3A_297 = vector.shape_cast %swap3A_296 : vector<1x16xf32> to vector<16xf32>
    %swap3A_298 = vector.shape_cast %broadcast_in_dim3A_292 : vector<16xf32> to vector<1x16xf32>
    tpu.vector_store %arg10[%swap3A_294, %swap3A_295], %swap3A_298 {strides = array<i32>} : memref<80x16xf32, #tpu.memory_space<vmem>>, vector<1x16xf32>,
    %broadcast_in_dim3A_299 = arith.constant 1.000000e+00 : f32
    %broadcast_in_dim3A_300 = vector.broadcast %broadcast_in_dim3A_299 : f32 to vector<16xf32>
    %swap3A_301 = arith.constant 37 : i32
    %swap3A_302 = arith.index_cast %swap3A_301 : i32 to index
    %swap3A_303 = arith.constant 0 : index
    %swap3A_304 = tpu.vector_load %arg10[%swap3A_302, %swap3A_303] {strides = array<i32>} : memref<80x16xf32, #tpu.memory_space<vmem>>, vector<1x16xf32>,
    %swap3A_305 = vector.shape_cast %swap3A_304 : vector<1x16xf32> to vector<16xf32>
    %swap3A_306 = vector.shape_cast %broadcast_in_dim3A_300 : vector<16xf32> to vector<1x16xf32>
    tpu.vector_store %arg10[%swap3A_302, %swap3A_303], %swap3A_306 {strides = array<i32>} : memref<80x16xf32, #tpu.memory_space<vmem>>, vector<1x16xf32>,
    %broadcast_in_dim3A_307 = arith.constant 1.000000e+00 : f32
    %broadcast_in_dim3A_308 = vector.broadcast %broadcast_in_dim3A_307 : f32 to vector<16xf32>
    %swap3A_309 = arith.constant 38 : i32
    %swap3A_310 = arith.index_cast %swap3A_309 : i32 to index
    %swap3A_311 = arith.constant 0 : index
    %swap3A_312 = tpu.vector_load %arg10[%swap3A_310, %swap3A_311] {strides = array<i32>} : memref<80x16xf32, #tpu.memory_space<vmem>>, vector<1x16xf32>,
    %swap3A_313 = vector.shape_cast %swap3A_312 : vector<1x16xf32> to vector<16xf32>
    %swap3A_314 = vector.shape_cast %broadcast_in_dim3A_308 : vector<16xf32> to vector<1x16xf32>
    tpu.vector_store %arg10[%swap3A_310, %swap3A_311], %swap3A_314 {strides = array<i32>} : memref<80x16xf32, #tpu.memory_space<vmem>>, vector<1x16xf32>,
    %broadcast_in_dim3A_315 = arith.constant 1.000000e+00 : f32
    %broadcast_in_dim3A_316 = vector.broadcast %broadcast_in_dim3A_315 : f32 to vector<16xf32>
    %swap3A_317 = arith.constant 39 : i32
    %swap3A_318 = arith.index_cast %swap3A_317 : i32 to index
    %swap3A_319 = arith.constant 0 : index
    %swap3A_320 = tpu.vector_load %arg10[%swap3A_318, %swap3A_319] {strides = array<i32>} : memref<80x16xf32, #tpu.memory_space<vmem>>, vector<1x16xf32>,
    %swap3A_321 = vector.shape_cast %swap3A_320 : vector<1x16xf32> to vector<16xf32>
    %swap3A_322 = vector.shape_cast %broadcast_in_dim3A_316 : vector<16xf32> to vector<1x16xf32>
    tpu.vector_store %arg10[%swap3A_318, %swap3A_319], %swap3A_322 {strides = array<i32>} : memref<80x16xf32, #tpu.memory_space<vmem>>, vector<1x16xf32>,
    %broadcast_in_dim3A_323 = arith.constant 1.000000e+00 : f32
    %broadcast_in_dim3A_324 = vector.broadcast %broadcast_in_dim3A_323 : f32 to vector<16xf32>
    %swap3A_325 = arith.constant 40 : i32
    %swap3A_326 = arith.index_cast %swap3A_325 : i32 to index
    %swap3A_327 = arith.constant 0 : index
    %swap3A_328 = tpu.vector_load %arg10[%swap3A_326, %swap3A_327] {strides = array<i32>} : memref<80x16xf32, #tpu.memory_space<vmem>>, vector<1x16xf32>,
    %swap3A_329 = vector.shape_cast %swap3A_328 : vector<1x16xf32> to vector<16xf32>
    %swap3A_330 = vector.shape_cast %broadcast_in_dim3A_324 : vector<16xf32> to vector<1x16xf32>
    tpu.vector_store %arg10[%swap3A_326, %swap3A_327], %swap3A_330 {strides = array<i32>} : memref<80x16xf32, #tpu.memory_space<vmem>>, vector<1x16xf32>,
    %broadcast_in_dim3A_331 = arith.constant 1.000000e+00 : f32
    %broadcast_in_dim3A_332 = vector.broadcast %broadcast_in_dim3A_331 : f32 to vector<16xf32>
    %swap3A_333 = arith.constant 41 : i32
    %swap3A_334 = arith.index_cast %swap3A_333 : i32 to index
    %swap3A_335 = arith.constant 0 : index
    %swap3A_336 = tpu.vector_load %arg10[%swap3A_334, %swap3A_335] {strides = array<i32>} : memref<80x16xf32, #tpu.memory_space<vmem>>, vector<1x16xf32>,
    %swap3A_337 = vector.shape_cast %swap3A_336 : vector<1x16xf32> to vector<16xf32>
    %swap3A_338 = vector.shape_cast %broadcast_in_dim3A_332 : vector<16xf32> to vector<1x16xf32>
    tpu.vector_store %arg10[%swap3A_334, %swap3A_335], %swap3A_338 {strides = array<i32>} : memref<80x16xf32, #tpu.memory_space<vmem>>, vector<1x16xf32>,
    %broadcast_in_dim3A_339 = arith.constant 1.000000e+00 : f32
    %broadcast_in_dim3A_340 = vector.broadcast %broadcast_in_dim3A_339 : f32 to vector<16xf32>
    %swap3A_341 = arith.constant 42 : i32
    %swap3A_342 = arith.index_cast %swap3A_341 : i32 to index
    %swap3A_343 = arith.constant 0 : index
    %swap3A_344 = tpu.vector_load %arg10[%swap3A_342, %swap3A_343] {strides = array<i32>} : memref<80x16xf32, #tpu.memory_space<vmem>>, vector<1x16xf32>,
    %swap3A_345 = vector.shape_cast %swap3A_344 : vector<1x16xf32> to vector<16xf32>
    %swap3A_346 = vector.shape_cast %broadcast_in_dim3A_340 : vector<16xf32> to vector<1x16xf32>
    tpu.vector_store %arg10[%swap3A_342, %swap3A_343], %swap3A_346 {strides = array<i32>} : memref<80x16xf32, #tpu.memory_space<vmem>>, vector<1x16xf32>,
    %broadcast_in_dim3A_347 = arith.constant 1.000000e+00 : f32
    %broadcast_in_dim3A_348 = vector.broadcast %broadcast_in_dim3A_347 : f32 to vector<16xf32>
    %swap3A_349 = arith.constant 43 : i32
    %swap3A_350 = arith.index_cast %swap3A_349 : i32 to index
    %swap3A_351 = arith.constant 0 : index
    %swap3A_352 = tpu.vector_load %arg10[%swap3A_350, %swap3A_351] {strides = array<i32>} : memref<80x16xf32, #tpu.memory_space<vmem>>, vector<1x16xf32>,
    %swap3A_353 = vector.shape_cast %swap3A_352 : vector<1x16xf32> to vector<16xf32>
    %swap3A_354 = vector.shape_cast %broadcast_in_dim3A_348 : vector<16xf32> to vector<1x16xf32>
    tpu.vector_store %arg10[%swap3A_350, %swap3A_351], %swap3A_354 {strides = array<i32>} : memref<80x16xf32, #tpu.memory_space<vmem>>, vector<1x16xf32>,
    %broadcast_in_dim3A_355 = arith.constant 1.000000e+00 : f32
    %broadcast_in_dim3A_356 = vector.broadcast %broadcast_in_dim3A_355 : f32 to vector<16xf32>
    %swap3A_357 = arith.constant 44 : i32
    %swap3A_358 = arith.index_cast %swap3A_357 : i32 to index
    %swap3A_359 = arith.constant 0 : index
    %swap3A_360 = tpu.vector_load %arg10[%swap3A_358, %swap3A_359] {strides = array<i32>} : memref<80x16xf32, #tpu.memory_space<vmem>>, vector<1x16xf32>,
    %swap3A_361 = vector.shape_cast %swap3A_360 : vector<1x16xf32> to vector<16xf32>
    %swap3A_362 = vector.shape_cast %broadcast_in_dim3A_356 : vector<16xf32> to vector<1x16xf32>
    tpu.vector_store %arg10[%swap3A_358, %swap3A_359], %swap3A_362 {strides = array<i32>} : memref<80x16xf32, #tpu.memory_space<vmem>>, vector<1x16xf32>,
    %broadcast_in_dim3A_363 = arith.constant 1.000000e+00 : f32
    %broadcast_in_dim3A_364 = vector.broadcast %broadcast_in_dim3A_363 : f32 to vector<16xf32>
    %swap3A_365 = arith.constant 45 : i32
    %swap3A_366 = arith.index_cast %swap3A_365 : i32 to index
    %swap3A_367 = arith.constant 0 : index
    %swap3A_368 = tpu.vector_load %arg10[%swap3A_366, %swap3A_367] {strides = array<i32>} : memref<80x16xf32, #tpu.memory_space<vmem>>, vector<1x16xf32>,
    %swap3A_369 = vector.shape_cast %swap3A_368 : vector<1x16xf32> to vector<16xf32>
    %swap3A_370 = vector.shape_cast %broadcast_in_dim3A_364 : vector<16xf32> to vector<1x16xf32>
    tpu.vector_store %arg10[%swap3A_366, %swap3A_367], %swap3A_370 {strides = array<i32>} : memref<80x16xf32, #tpu.memory_space<vmem>>, vector<1x16xf32>,
    %broadcast_in_dim3A_371 = arith.constant 1.000000e+00 : f32
    %broadcast_in_dim3A_372 = vector.broadcast %broadcast_in_dim3A_371 : f32 to vector<16xf32>
    %swap3A_373 = arith.constant 46 : i32
    %swap3A_374 = arith.index_cast %swap3A_373 : i32 to index
    %swap3A_375 = arith.constant 0 : index
    %swap3A_376 = tpu.vector_load %arg10[%swap3A_374, %swap3A_375] {strides = array<i32>} : memref<80x16xf32, #tpu.memory_space<vmem>>, vector<1x16xf32>,
    %swap3A_377 = vector.shape_cast %swap3A_376 : vector<1x16xf32> to vector<16xf32>
    %swap3A_378 = vector.shape_cast %broadcast_in_dim3A_372 : vector<16xf32> to vector<1x16xf32>
    tpu.vector_store %arg10[%swap3A_374, %swap3A_375], %swap3A_378 {strides = array<i32>} : memref<80x16xf32, #tpu.memory_space<vmem>>, vector<1x16xf32>,
    %broadcast_in_dim3A_379 = arith.constant 1.000000e+00 : f32
    %broadcast_in_dim3A_380 = vector.broadcast %broadcast_in_dim3A_379 : f32 to vector<16xf32>
    %swap3A_381 = arith.constant 47 : i32
    %swap3A_382 = arith.index_cast %swap3A_381 : i32 to index
    %swap3A_383 = arith.constant 0 : index
    %swap3A_384 = tpu.vector_load %arg10[%swap3A_382, %swap3A_383] {strides = array<i32>} : memref<80x16xf32, #tpu.memory_space<vmem>>, vector<1x16xf32>,
    %swap3A_385 = vector.shape_cast %swap3A_384 : vector<1x16xf32> to vector<16xf32>
    %swap3A_386 = vector.shape_cast %broadcast_in_dim3A_380 : vector<16xf32> to vector<1x16xf32>
    tpu.vector_store %arg10[%swap3A_382, %swap3A_383], %swap3A_386 {strides = array<i32>} : memref<80x16xf32, #tpu.memory_space<vmem>>, vector<1x16xf32>,
    %broadcast_in_dim3A_387 = arith.constant 1.000000e+00 : f32
    %broadcast_in_dim3A_388 = vector.broadcast %broadcast_in_dim3A_387 : f32 to vector<16xf32>
    %swap3A_389 = arith.constant 48 : i32
    %swap3A_390 = arith.index_cast %swap3A_389 : i32 to index
    %swap3A_391 = arith.constant 0 : index
    %swap3A_392 = tpu.vector_load %arg10[%swap3A_390, %swap3A_391] {strides = array<i32>} : memref<80x16xf32, #tpu.memory_space<vmem>>, vector<1x16xf32>,
    %swap3A_393 = vector.shape_cast %swap3A_392 : vector<1x16xf32> to vector<16xf32>
    %swap3A_394 = vector.shape_cast %broadcast_in_dim3A_388 : vector<16xf32> to vector<1x16xf32>
    tpu.vector_store %arg10[%swap3A_390, %swap3A_391], %swap3A_394 {strides = array<i32>} : memref<80x16xf32, #tpu.memory_space<vmem>>, vector<1x16xf32>,
    %broadcast_in_dim3A_395 = arith.constant 1.000000e+00 : f32
    %broadcast_in_dim3A_396 = vector.broadcast %broadcast_in_dim3A_395 : f32 to vector<16xf32>
    %swap3A_397 = arith.constant 49 : i32
    %swap3A_398 = arith.index_cast %swap3A_397 : i32 to index
    %swap3A_399 = arith.constant 0 : index
    %swap3A_400 = tpu.vector_load %arg10[%swap3A_398, %swap3A_399] {strides = array<i32>} : memref<80x16xf32, #tpu.memory_space<vmem>>, vector<1x16xf32>,
    %swap3A_401 = vector.shape_cast %swap3A_400 : vector<1x16xf32> to vector<16xf32>
    %swap3A_402 = vector.shape_cast %broadcast_in_dim3A_396 : vector<16xf32> to vector<1x16xf32>
    tpu.vector_store %arg10[%swap3A_398, %swap3A_399], %swap3A_402 {strides = array<i32>} : memref<80x16xf32, #tpu.memory_space<vmem>>, vector<1x16xf32>,
    %broadcast_in_dim3A_403 = arith.constant 1.000000e+00 : f32
    %broadcast_in_dim3A_404 = vector.broadcast %broadcast_in_dim3A_403 : f32 to vector<16xf32>
    %swap3A_405 = arith.constant 50 : i32
    %swap3A_406 = arith.index_cast %swap3A_405 : i32 to index
    %swap3A_407 = arith.constant 0 : index
    %swap3A_408 = tpu.vector_load %arg10[%swap3A_406, %swap3A_407] {strides = array<i32>} : memref<80x16xf32, #tpu.memory_space<vmem>>, vector<1x16xf32>,
    %swap3A_409 = vector.shape_cast %swap3A_408 : vector<1x16xf32> to vector<16xf32>
    %swap3A_410 = vector.shape_cast %broadcast_in_dim3A_404 : vector<16xf32> to vector<1x16xf32>
    tpu.vector_store %arg10[%swap3A_406, %swap3A_407], %swap3A_410 {strides = array<i32>} : memref<80x16xf32, #tpu.memory_space<vmem>>, vector<1x16xf32>,
    %broadcast_in_dim3A_411 = arith.constant 1.000000e+00 : f32
    %broadcast_in_dim3A_412 = vector.broadcast %broadcast_in_dim3A_411 : f32 to vector<16xf32>
    %swap3A_413 = arith.constant 51 : i32
    %swap3A_414 = arith.index_cast %swap3A_413 : i32 to index
    %swap3A_415 = arith.constant 0 : index
    %swap3A_416 = tpu.vector_load %arg10[%swap3A_414, %swap3A_415] {strides = array<i32>} : memref<80x16xf32, #tpu.memory_space<vmem>>, vector<1x16xf32>,
    %swap3A_417 = vector.shape_cast %swap3A_416 : vector<1x16xf32> to vector<16xf32>
    %swap3A_418 = vector.shape_cast %broadcast_in_dim3A_412 : vector<16xf32> to vector<1x16xf32>
    tpu.vector_store %arg10[%swap3A_414, %swap3A_415], %swap3A_418 {strides = array<i32>} : memref<80x16xf32, #tpu.memory_space<vmem>>, vector<1x16xf32>,
    %broadcast_in_dim3A_419 = arith.constant 1.000000e+00 : f32
    %broadcast_in_dim3A_420 = vector.broadcast %broadcast_in_dim3A_419 : f32 to vector<16xf32>
    %swap3A_421 = arith.constant 52 : i32
    %swap3A_422 = arith.index_cast %swap3A_421 : i32 to index
    %swap3A_423 = arith.constant 0 : index
    %swap3A_424 = tpu.vector_load %arg10[%swap3A_422, %swap3A_423] {strides = array<i32>} : memref<80x16xf32, #tpu.memory_space<vmem>>, vector<1x16xf32>,
    %swap3A_425 = vector.shape_cast %swap3A_424 : vector<1x16xf32> to vector<16xf32>
    %swap3A_426 = vector.shape_cast %broadcast_in_dim3A_420 : vector<16xf32> to vector<1x16xf32>
    tpu.vector_store %arg10[%swap3A_422, %swap3A_423], %swap3A_426 {strides = array<i32>} : memref<80x16xf32, #tpu.memory_space<vmem>>, vector<1x16xf32>,
    %broadcast_in_dim3A_427 = arith.constant 1.000000e+00 : f32
    %broadcast_in_dim3A_428 = vector.broadcast %broadcast_in_dim3A_427 : f32 to vector<16xf32>
    %swap3A_429 = arith.constant 53 : i32
    %swap3A_430 = arith.index_cast %swap3A_429 : i32 to index
    %swap3A_431 = arith.constant 0 : index
    %swap3A_432 = tpu.vector_load %arg10[%swap3A_430, %swap3A_431] {strides = array<i32>} : memref<80x16xf32, #tpu.memory_space<vmem>>, vector<1x16xf32>,
    %swap3A_433 = vector.shape_cast %swap3A_432 : vector<1x16xf32> to vector<16xf32>
    %swap3A_434 = vector.shape_cast %broadcast_in_dim3A_428 : vector<16xf32> to vector<1x16xf32>
    tpu.vector_store %arg10[%swap3A_430, %swap3A_431], %swap3A_434 {strides = array<i32>} : memref<80x16xf32, #tpu.memory_space<vmem>>, vector<1x16xf32>,
    %broadcast_in_dim3A_435 = arith.constant 1.000000e+00 : f32
    %broadcast_in_dim3A_436 = vector.broadcast %broadcast_in_dim3A_435 : f32 to vector<16xf32>
    %swap3A_437 = arith.constant 54 : i32
    %swap3A_438 = arith.index_cast %swap3A_437 : i32 to index
    %swap3A_439 = arith.constant 0 : index
    %swap3A_440 = tpu.vector_load %arg10[%swap3A_438, %swap3A_439] {strides = array<i32>} : memref<80x16xf32, #tpu.memory_space<vmem>>, vector<1x16xf32>,
    %swap3A_441 = vector.shape_cast %swap3A_440 : vector<1x16xf32> to vector<16xf32>
    %swap3A_442 = vector.shape_cast %broadcast_in_dim3A_436 : vector<16xf32> to vector<1x16xf32>
    tpu.vector_store %arg10[%swap3A_438, %swap3A_439], %swap3A_442 {strides = array<i32>} : memref<80x16xf32, #tpu.memory_space<vmem>>, vector<1x16xf32>,
    %broadcast_in_dim3A_443 = arith.constant 1.000000e+00 : f32
    %broadcast_in_dim3A_444 = vector.broadcast %broadcast_in_dim3A_443 : f32 to vector<16xf32>
    %swap3A_445 = arith.constant 55 : i32
    %swap3A_446 = arith.index_cast %swap3A_445 : i32 to index
    %swap3A_447 = arith.constant 0 : index
    %swap3A_448 = tpu.vector_load %arg10[%swap3A_446, %swap3A_447] {strides = array<i32>} : memref<80x16xf32, #tpu.memory_space<vmem>>, vector<1x16xf32>,
    %swap3A_449 = vector.shape_cast %swap3A_448 : vector<1x16xf32> to vector<16xf32>
    %swap3A_450 = vector.shape_cast %broadcast_in_dim3A_444 : vector<16xf32> to vector<1x16xf32>
    tpu.vector_store %arg10[%swap3A_446, %swap3A_447], %swap3A_450 {strides = array<i32>} : memref<80x16xf32, #tpu.memory_space<vmem>>, vector<1x16xf32>,
    %broadcast_in_dim3A_451 = arith.constant 1.000000e+00 : f32
    %broadcast_in_dim3A_452 = vector.broadcast %broadcast_in_dim3A_451 : f32 to vector<16xf32>
    %swap3A_453 = arith.constant 56 : i32
    %swap3A_454 = arith.index_cast %swap3A_453 : i32 to index
    %swap3A_455 = arith.constant 0 : index
    %swap3A_456 = tpu.vector_load %arg10[%swap3A_454, %swap3A_455] {strides = array<i32>} : memref<80x16xf32, #tpu.memory_space<vmem>>, vector<1x16xf32>,
    %swap3A_457 = vector.shape_cast %swap3A_456 : vector<1x16xf32> to vector<16xf32>
    %swap3A_458 = vector.shape_cast %broadcast_in_dim3A_452 : vector<16xf32> to vector<1x16xf32>
    tpu.vector_store %arg10[%swap3A_454, %swap3A_455], %swap3A_458 {strides = array<i32>} : memref<80x16xf32, #tpu.memory_space<vmem>>, vector<1x16xf32>,
    %broadcast_in_dim3A_459 = arith.constant 1.000000e+00 : f32
    %broadcast_in_dim3A_460 = vector.broadcast %broadcast_in_dim3A_459 : f32 to vector<16xf32>
    %swap3A_461 = arith.constant 57 : i32
    %swap3A_462 = arith.index_cast %swap3A_461 : i32 to index
    %swap3A_463 = arith.constant 0 : index
    %swap3A_464 = tpu.vector_load %arg10[%swap3A_462, %swap3A_463] {strides = array<i32>} : memref<80x16xf32, #tpu.memory_space<vmem>>, vector<1x16xf32>,
    %swap3A_465 = vector.shape_cast %swap3A_464 : vector<1x16xf32> to vector<16xf32>
    %swap3A_466 = vector.shape_cast %broadcast_in_dim3A_460 : vector<16xf32> to vector<1x16xf32>
    tpu.vector_store %arg10[%swap3A_462, %swap3A_463], %swap3A_466 {strides = array<i32>} : memref<80x16xf32, #tpu.memory_space<vmem>>, vector<1x16xf32>,
    %broadcast_in_dim3A_467 = arith.constant 1.000000e+00 : f32
    %broadcast_in_dim3A_468 = vector.broadcast %broadcast_in_dim3A_467 : f32 to vector<16xf32>
    %swap3A_469 = arith.constant 58 : i32
    %swap3A_470 = arith.index_cast %swap3A_469 : i32 to index
    %swap3A_471 = arith.constant 0 : index
    %swap3A_472 = tpu.vector_load %arg10[%swap3A_470, %swap3A_471] {strides = array<i32>} : memref<80x16xf32, #tpu.memory_space<vmem>>, vector<1x16xf32>,
    %swap3A_473 = vector.shape_cast %swap3A_472 : vector<1x16xf32> to vector<16xf32>
    %swap3A_474 = vector.shape_cast %broadcast_in_dim3A_468 : vector<16xf32> to vector<1x16xf32>
    tpu.vector_store %arg10[%swap3A_470, %swap3A_471], %swap3A_474 {strides = array<i32>} : memref<80x16xf32, #tpu.memory_space<vmem>>, vector<1x16xf32>,
    %broadcast_in_dim3A_475 = arith.constant 1.000000e+00 : f32
    %broadcast_in_dim3A_476 = vector.broadcast %broadcast_in_dim3A_475 : f32 to vector<16xf32>
    %swap3A_477 = arith.constant 59 : i32
    %swap3A_478 = arith.index_cast %swap3A_477 : i32 to index
    %swap3A_479 = arith.constant 0 : index
    %swap3A_480 = tpu.vector_load %arg10[%swap3A_478, %swap3A_479] {strides = array<i32>} : memref<80x16xf32, #tpu.memory_space<vmem>>, vector<1x16xf32>,
    %swap3A_481 = vector.shape_cast %swap3A_480 : vector<1x16xf32> to vector<16xf32>
    %swap3A_482 = vector.shape_cast %broadcast_in_dim3A_476 : vector<16xf32> to vector<1x16xf32>
    tpu.vector_store %arg10[%swap3A_478, %swap3A_479], %swap3A_482 {strides = array<i32>} : memref<80x16xf32, #tpu.memory_space<vmem>>, vector<1x16xf32>,
    %broadcast_in_dim3A_483 = arith.constant 1.000000e+00 : f32
    %broadcast_in_dim3A_484 = vector.broadcast %broadcast_in_dim3A_483 : f32 to vector<16xf32>
    %swap3A_485 = arith.constant 60 : i32
    %swap3A_486 = arith.index_cast %swap3A_485 : i32 to index
    %swap3A_487 = arith.constant 0 : index
    %swap3A_488 = tpu.vector_load %arg10[%swap3A_486, %swap3A_487] {strides = array<i32>} : memref<80x16xf32, #tpu.memory_space<vmem>>, vector<1x16xf32>,
    %swap3A_489 = vector.shape_cast %swap3A_488 : vector<1x16xf32> to vector<16xf32>
    %swap3A_490 = vector.shape_cast %broadcast_in_dim3A_484 : vector<16xf32> to vector<1x16xf32>
    tpu.vector_store %arg10[%swap3A_486, %swap3A_487], %swap3A_490 {strides = array<i32>} : memref<80x16xf32, #tpu.memory_space<vmem>>, vector<1x16xf32>,
    %broadcast_in_dim3A_491 = arith.constant 1.000000e+00 : f32
    %broadcast_in_dim3A_492 = vector.broadcast %broadcast_in_dim3A_491 : f32 to vector<16xf32>
    %swap3A_493 = arith.constant 61 : i32
    %swap3A_494 = arith.index_cast %swap3A_493 : i32 to index
    %swap3A_495 = arith.constant 0 : index
    %swap3A_496 = tpu.vector_load %arg10[%swap3A_494, %swap3A_495] {strides = array<i32>} : memref<80x16xf32, #tpu.memory_space<vmem>>, vector<1x16xf32>,
    %swap3A_497 = vector.shape_cast %swap3A_496 : vector<1x16xf32> to vector<16xf32>
    %swap3A_498 = vector.shape_cast %broadcast_in_dim3A_492 : vector<16xf32> to vector<1x16xf32>
    tpu.vector_store %arg10[%swap3A_494, %swap3A_495], %swap3A_498 {strides = array<i32>} : memref<80x16xf32, #tpu.memory_space<vmem>>, vector<1x16xf32>,
    %broadcast_in_dim3A_499 = arith.constant 1.000000e+00 : f32
    %broadcast_in_dim3A_500 = vector.broadcast %broadcast_in_dim3A_499 : f32 to vector<16xf32>
    %swap3A_501 = arith.constant 62 : i32
    %swap3A_502 = arith.index_cast %swap3A_501 : i32 to index
    %swap3A_503 = arith.constant 0 : index
    %swap3A_504 = tpu.vector_load %arg10[%swap3A_502, %swap3A_503] {strides = array<i32>} : memref<80x16xf32, #tpu.memory_space<vmem>>, vector<1x16xf32>,
    %swap3A_505 = vector.shape_cast %swap3A_504 : vector<1x16xf32> to vector<16xf32>
    %swap3A_506 = vector.shape_cast %broadcast_in_dim3A_500 : vector<16xf32> to vector<1x16xf32>
    tpu.vector_store %arg10[%swap3A_502, %swap3A_503], %swap3A_506 {strides = array<i32>} : memref<80x16xf32, #tpu.memory_space<vmem>>, vector<1x16xf32>,
    %broadcast_in_dim3A_507 = arith.constant 1.000000e+00 : f32
    %broadcast_in_dim3A_508 = vector.broadcast %broadcast_in_dim3A_507 : f32 to vector<16xf32>
    %swap3A_509 = arith.constant 63 : i32
    %swap3A_510 = arith.index_cast %swap3A_509 : i32 to index
    %swap3A_511 = arith.constant 0 : index
    %swap3A_512 = tpu.vector_load %arg10[%swap3A_510, %swap3A_511] {strides = array<i32>} : memref<80x16xf32, #tpu.memory_space<vmem>>, vector<1x16xf32>,
    %swap3A_513 = vector.shape_cast %swap3A_512 : vector<1x16xf32> to vector<16xf32>
    %swap3A_514 = vector.shape_cast %broadcast_in_dim3A_508 : vector<16xf32> to vector<1x16xf32>
    tpu.vector_store %arg10[%swap3A_510, %swap3A_511], %swap3A_514 {strides = array<i32>} : memref<80x16xf32, #tpu.memory_space<vmem>>, vector<1x16xf32>,
    %broadcast_in_dim3A_515 = arith.constant 1.000000e+00 : f32
    %broadcast_in_dim3A_516 = vector.broadcast %broadcast_in_dim3A_515 : f32 to vector<16xf32>
    %swap3A_517 = arith.constant 64 : i32
    %swap3A_518 = arith.index_cast %swap3A_517 : i32 to index
    %swap3A_519 = arith.constant 0 : index
    %swap3A_520 = tpu.vector_load %arg10[%swap3A_518, %swap3A_519] {strides = array<i32>} : memref<80x16xf32, #tpu.memory_space<vmem>>, vector<1x16xf32>,
    %swap3A_521 = vector.shape_cast %swap3A_520 : vector<1x16xf32> to vector<16xf32>
    %swap3A_522 = vector.shape_cast %broadcast_in_dim3A_516 : vector<16xf32> to vector<1x16xf32>
    tpu.vector_store %arg10[%swap3A_518, %swap3A_519], %swap3A_522 {strides = array<i32>} : memref<80x16xf32, #tpu.memory_space<vmem>>, vector<1x16xf32>,
    %broadcast_in_dim3A_523 = arith.constant 1.000000e+00 : f32
    %broadcast_in_dim3A_524 = vector.broadcast %broadcast_in_dim3A_523 : f32 to vector<16xf32>
    %swap3A_525 = arith.constant 65 : i32
    %swap3A_526 = arith.index_cast %swap3A_525 : i32 to index
    %swap3A_527 = arith.constant 0 : index
    %swap3A_528 = tpu.vector_load %arg10[%swap3A_526, %swap3A_527] {strides = array<i32>} : memref<80x16xf32, #tpu.memory_space<vmem>>, vector<1x16xf32>,
    %swap3A_529 = vector.shape_cast %swap3A_528 : vector<1x16xf32> to vector<16xf32>
    %swap3A_530 = vector.shape_cast %broadcast_in_dim3A_524 : vector<16xf32> to vector<1x16xf32>
    tpu.vector_store %arg10[%swap3A_526, %swap3A_527], %swap3A_530 {strides = array<i32>} : memref<80x16xf32, #tpu.memory_space<vmem>>, vector<1x16xf32>,
    %broadcast_in_dim3A_531 = arith.constant 1.000000e+00 : f32
    %broadcast_in_dim3A_532 = vector.broadcast %broadcast_in_dim3A_531 : f32 to vector<16xf32>
    %swap3A_533 = arith.constant 66 : i32
    %swap3A_534 = arith.index_cast %swap3A_533 : i32 to index
    %swap3A_535 = arith.constant 0 : index
    %swap3A_536 = tpu.vector_load %arg10[%swap3A_534, %swap3A_535] {strides = array<i32>} : memref<80x16xf32, #tpu.memory_space<vmem>>, vector<1x16xf32>,
    %swap3A_537 = vector.shape_cast %swap3A_536 : vector<1x16xf32> to vector<16xf32>
    %swap3A_538 = vector.shape_cast %broadcast_in_dim3A_532 : vector<16xf32> to vector<1x16xf32>
    tpu.vector_store %arg10[%swap3A_534, %swap3A_535], %swap3A_538 {strides = array<i32>} : memref<80x16xf32, #tpu.memory_space<vmem>>, vector<1x16xf32>,
    %broadcast_in_dim3A_539 = arith.constant 1.000000e+00 : f32
    %broadcast_in_dim3A_540 = vector.broadcast %broadcast_in_dim3A_539 : f32 to vector<16xf32>
    %swap3A_541 = arith.constant 67 : i32
    %swap3A_542 = arith.index_cast %swap3A_541 : i32 to index
    %swap3A_543 = arith.constant 0 : index
    %swap3A_544 = tpu.vector_load %arg10[%swap3A_542, %swap3A_543] {strides = array<i32>} : memref<80x16xf32, #tpu.memory_space<vmem>>, vector<1x16xf32>,
    %swap3A_545 = vector.shape_cast %swap3A_544 : vector<1x16xf32> to vector<16xf32>
    %swap3A_546 = vector.shape_cast %broadcast_in_dim3A_540 : vector<16xf32> to vector<1x16xf32>
    tpu.vector_store %arg10[%swap3A_542, %swap3A_543], %swap3A_546 {strides = array<i32>} : memref<80x16xf32, #tpu.memory_space<vmem>>, vector<1x16xf32>,
    %broadcast_in_dim3A_547 = arith.constant 1.000000e+00 : f32
    %broadcast_in_dim3A_548 = vector.broadcast %broadcast_in_dim3A_547 : f32 to vector<16xf32>
    %swap3A_549 = arith.constant 68 : i32
    %swap3A_550 = arith.index_cast %swap3A_549 : i32 to index
    %swap3A_551 = arith.constant 0 : index
    %swap3A_552 = tpu.vector_load %arg10[%swap3A_550, %swap3A_551] {strides = array<i32>} : memref<80x16xf32, #tpu.memory_space<vmem>>, vector<1x16xf32>,
    %swap3A_553 = vector.shape_cast %swap3A_552 : vector<1x16xf32> to vector<16xf32>
    %swap3A_554 = vector.shape_cast %broadcast_in_dim3A_548 : vector<16xf32> to vector<1x16xf32>
    tpu.vector_store %arg10[%swap3A_550, %swap3A_551], %swap3A_554 {strides = array<i32>} : memref<80x16xf32, #tpu.memory_space<vmem>>, vector<1x16xf32>,
    %broadcast_in_dim3A_555 = arith.constant 1.000000e+00 : f32
    %broadcast_in_dim3A_556 = vector.broadcast %broadcast_in_dim3A_555 : f32 to vector<16xf32>
    %swap3A_557 = arith.constant 69 : i32
    %swap3A_558 = arith.index_cast %swap3A_557 : i32 to index
    %swap3A_559 = arith.constant 0 : index
    %swap3A_560 = tpu.vector_load %arg10[%swap3A_558, %swap3A_559] {strides = array<i32>} : memref<80x16xf32, #tpu.memory_space<vmem>>, vector<1x16xf32>,
    %swap3A_561 = vector.shape_cast %swap3A_560 : vector<1x16xf32> to vector<16xf32>
    %swap3A_562 = vector.shape_cast %broadcast_in_dim3A_556 : vector<16xf32> to vector<1x16xf32>
    tpu.vector_store %arg10[%swap3A_558, %swap3A_559], %swap3A_562 {strides = array<i32>} : memref<80x16xf32, #tpu.memory_space<vmem>>, vector<1x16xf32>,
    %broadcast_in_dim3A_563 = arith.constant 1.000000e+00 : f32
    %broadcast_in_dim3A_564 = vector.broadcast %broadcast_in_dim3A_563 : f32 to vector<16xf32>
    %swap3A_565 = arith.constant 70 : i32
    %swap3A_566 = arith.index_cast %swap3A_565 : i32 to index
    %swap3A_567 = arith.constant 0 : index
    %swap3A_568 = tpu.vector_load %arg10[%swap3A_566, %swap3A_567] {strides = array<i32>} : memref<80x16xf32, #tpu.memory_space<vmem>>, vector<1x16xf32>,
    %swap3A_569 = vector.shape_cast %swap3A_568 : vector<1x16xf32> to vector<16xf32>
    %swap3A_570 = vector.shape_cast %broadcast_in_dim3A_564 : vector<16xf32> to vector<1x16xf32>
    tpu.vector_store %arg10[%swap3A_566, %swap3A_567], %swap3A_570 {strides = array<i32>} : memref<80x16xf32, #tpu.memory_space<vmem>>, vector<1x16xf32>,
    %broadcast_in_dim3A_571 = arith.constant 1.000000e+00 : f32
    %broadcast_in_dim3A_572 = vector.broadcast %broadcast_in_dim3A_571 : f32 to vector<16xf32>
    %swap3A_573 = arith.constant 71 : i32
    %swap3A_574 = arith.index_cast %swap3A_573 : i32 to index
    %swap3A_575 = arith.constant 0 : index
    %swap3A_576 = tpu.vector_load %arg10[%swap3A_574, %swap3A_575] {strides = array<i32>} : memref<80x16xf32, #tpu.memory_space<vmem>>, vector<1x16xf32>,
    %swap3A_577 = vector.shape_cast %swap3A_576 : vector<1x16xf32> to vector<16xf32>
    %swap3A_578 = vector.shape_cast %broadcast_in_dim3A_572 : vector<16xf32> to vector<1x16xf32>
    tpu.vector_store %arg10[%swap3A_574, %swap3A_575], %swap3A_578 {strides = array<i32>} : memref<80x16xf32, #tpu.memory_space<vmem>>, vector<1x16xf32>,
    %broadcast_in_dim3A_579 = arith.constant 1.000000e+00 : f32
    %broadcast_in_dim3A_580 = vector.broadcast %broadcast_in_dim3A_579 : f32 to vector<16xf32>
    %swap3A_581 = arith.constant 72 : i32
    %swap3A_582 = arith.index_cast %swap3A_581 : i32 to index
    %swap3A_583 = arith.constant 0 : index
    %swap3A_584 = tpu.vector_load %arg10[%swap3A_582, %swap3A_583] {strides = array<i32>} : memref<80x16xf32, #tpu.memory_space<vmem>>, vector<1x16xf32>,
    %swap3A_585 = vector.shape_cast %swap3A_584 : vector<1x16xf32> to vector<16xf32>
    %swap3A_586 = vector.shape_cast %broadcast_in_dim3A_580 : vector<16xf32> to vector<1x16xf32>
    tpu.vector_store %arg10[%swap3A_582, %swap3A_583], %swap3A_586 {strides = array<i32>} : memref<80x16xf32, #tpu.memory_space<vmem>>, vector<1x16xf32>,
    %broadcast_in_dim3A_587 = arith.constant 1.000000e+00 : f32
    %broadcast_in_dim3A_588 = vector.broadcast %broadcast_in_dim3A_587 : f32 to vector<16xf32>
    %swap3A_589 = arith.constant 73 : i32
    %swap3A_590 = arith.index_cast %swap3A_589 : i32 to index
    %swap3A_591 = arith.constant 0 : index
    %swap3A_592 = tpu.vector_load %arg10[%swap3A_590, %swap3A_591] {strides = array<i32>} : memref<80x16xf32, #tpu.memory_space<vmem>>, vector<1x16xf32>,
    %swap3A_593 = vector.shape_cast %swap3A_592 : vector<1x16xf32> to vector<16xf32>
    %swap3A_594 = vector.shape_cast %broadcast_in_dim3A_588 : vector<16xf32> to vector<1x16xf32>
    tpu.vector_store %arg10[%swap3A_590, %swap3A_591], %swap3A_594 {strides = array<i32>} : memref<80x16xf32, #tpu.memory_space<vmem>>, vector<1x16xf32>,
    %broadcast_in_dim3A_595 = arith.constant 1.000000e+00 : f32
    %broadcast_in_dim3A_596 = vector.broadcast %broadcast_in_dim3A_595 : f32 to vector<16xf32>
    %swap3A_597 = arith.constant 74 : i32
    %swap3A_598 = arith.index_cast %swap3A_597 : i32 to index
    %swap3A_599 = arith.constant 0 : index
    %swap3A_600 = tpu.vector_load %arg10[%swap3A_598, %swap3A_599] {strides = array<i32>} : memref<80x16xf32, #tpu.memory_space<vmem>>, vector<1x16xf32>,
    %swap3A_601 = vector.shape_cast %swap3A_600 : vector<1x16xf32> to vector<16xf32>
    %swap3A_602 = vector.shape_cast %broadcast_in_dim3A_596 : vector<16xf32> to vector<1x16xf32>
    tpu.vector_store %arg10[%swap3A_598, %swap3A_599], %swap3A_602 {strides = array<i32>} : memref<80x16xf32, #tpu.memory_space<vmem>>, vector<1x16xf32>,
    %broadcast_in_dim3A_603 = arith.constant 1.000000e+00 : f32
    %broadcast_in_dim3A_604 = vector.broadcast %broadcast_in_dim3A_603 : f32 to vector<16xf32>
    %swap3A_605 = arith.constant 75 : i32
    %swap3A_606 = arith.index_cast %swap3A_605 : i32 to index
    %swap3A_607 = arith.constant 0 : index
    %swap3A_608 = tpu.vector_load %arg10[%swap3A_606, %swap3A_607] {strides = array<i32>} : memref<80x16xf32, #tpu.memory_space<vmem>>, vector<1x16xf32>,
    %swap3A_609 = vector.shape_cast %swap3A_608 : vector<1x16xf32> to vector<16xf32>
    %swap3A_610 = vector.shape_cast %broadcast_in_dim3A_604 : vector<16xf32> to vector<1x16xf32>
    tpu.vector_store %arg10[%swap3A_606, %swap3A_607], %swap3A_610 {strides = array<i32>} : memref<80x16xf32, #tpu.memory_space<vmem>>, vector<1x16xf32>,
    %broadcast_in_dim3A_611 = arith.constant 1.000000e+00 : f32
    %broadcast_in_dim3A_612 = vector.broadcast %broadcast_in_dim3A_611 : f32 to vector<16xf32>
    %swap3A_613 = arith.constant 76 : i32
    %swap3A_614 = arith.index_cast %swap3A_613 : i32 to index
    %swap3A_615 = arith.constant 0 : index
    %swap3A_616 = tpu.vector_load %arg10[%swap3A_614, %swap3A_615] {strides = array<i32>} : memref<80x16xf32, #tpu.memory_space<vmem>>, vector<1x16xf32>,
    %swap3A_617 = vector.shape_cast %swap3A_616 : vector<1x16xf32> to vector<16xf32>
    %swap3A_618 = vector.shape_cast %broadcast_in_dim3A_612 : vector<16xf32> to vector<1x16xf32>
    tpu.vector_store %arg10[%swap3A_614, %swap3A_615], %swap3A_618 {strides = array<i32>} : memref<80x16xf32, #tpu.memory_space<vmem>>, vector<1x16xf32>,
    %broadcast_in_dim3A_619 = arith.constant 1.000000e+00 : f32
    %broadcast_in_dim3A_620 = vector.broadcast %broadcast_in_dim3A_619 : f32 to vector<16xf32>
    %swap3A_621 = arith.constant 77 : i32
    %swap3A_622 = arith.index_cast %swap3A_621 : i32 to index
    %swap3A_623 = arith.constant 0 : index
    %swap3A_624 = tpu.vector_load %arg10[%swap3A_622, %swap3A_623] {strides = array<i32>} : memref<80x16xf32, #tpu.memory_space<vmem>>, vector<1x16xf32>,
    %swap3A_625 = vector.shape_cast %swap3A_624 : vector<1x16xf32> to vector<16xf32>
    %swap3A_626 = vector.shape_cast %broadcast_in_dim3A_620 : vector<16xf32> to vector<1x16xf32>
    tpu.vector_store %arg10[%swap3A_622, %swap3A_623], %swap3A_626 {strides = array<i32>} : memref<80x16xf32, #tpu.memory_space<vmem>>, vector<1x16xf32>,
    %broadcast_in_dim3A_627 = arith.constant 1.000000e+00 : f32
    %broadcast_in_dim3A_628 = vector.broadcast %broadcast_in_dim3A_627 : f32 to vector<16xf32>
    %swap3A_629 = arith.constant 78 : i32
    %swap3A_630 = arith.index_cast %swap3A_629 : i32 to index
    %swap3A_631 = arith.constant 0 : index
    %swap3A_632 = tpu.vector_load %arg10[%swap3A_630, %swap3A_631] {strides = array<i32>} : memref<80x16xf32, #tpu.memory_space<vmem>>, vector<1x16xf32>,
    %swap3A_633 = vector.shape_cast %swap3A_632 : vector<1x16xf32> to vector<16xf32>
    %swap3A_634 = vector.shape_cast %broadcast_in_dim3A_628 : vector<16xf32> to vector<1x16xf32>
    tpu.vector_store %arg10[%swap3A_630, %swap3A_631], %swap3A_634 {strides = array<i32>} : memref<80x16xf32, #tpu.memory_space<vmem>>, vector<1x16xf32>,
    %broadcast_in_dim3A_635 = arith.constant 1.000000e+00 : f32
    %broadcast_in_dim3A_636 = vector.broadcast %broadcast_in_dim3A_635 : f32 to vector<16xf32>
    %swap3A_637 = arith.constant 79 : i32
    %swap3A_638 = arith.index_cast %swap3A_637 : i32 to index
    %swap3A_639 = arith.constant 0 : index
    %swap3A_640 = tpu.vector_load %arg10[%swap3A_638, %swap3A_639] {strides = array<i32>} : memref<80x16xf32, #tpu.memory_space<vmem>>, vector<1x16xf32>,
    %swap3A_641 = vector.shape_cast %swap3A_640 : vector<1x16xf32> to vector<16xf32>
    %swap3A_642 = vector.shape_cast %broadcast_in_dim3A_636 : vector<16xf32> to vector<1x16xf32>
    tpu.vector_store %arg10[%swap3A_638, %swap3A_639], %swap3A_642 {strides = array<i32>} : memref<80x16xf32, #tpu.memory_space<vmem>>, vector<1x16xf32>,
    %barrier3A = arith.constant 0 : index
    tpu.barrier barrier_id(%barrier3A)
    "tpu.region"() ({
      %run_scoped3A_654 = tpu.sem_alloc : memref<!tpu.dma_semaphore, #tpu.memory_space<semaphore_mem>>
      %dma_start3A = tpu.memref_slice %arg2[%mul3A_4] : memref<320000xi32, #tpu.memory_space<hbm>> -> memref<80xi32, #tpu.memory_space<hbm>>
      %dma_start3A_655 = tpu.memref_slice %arg2[%mul3A_4] : memref<320000xi32, #tpu.memory_space<hbm>> -> memref<80xi32, #tpu.memory_space<hbm>>
      tpu.enqueue_dma source(%dma_start3A_655 : memref<80xi32, #tpu.memory_space<hbm>>) target(%arg6 : memref<80xi32, #tpu.memory_space<vmem>>) target_semaphore(%run_scoped3A_654 : memref<!tpu.dma_semaphore, #tpu.memory_space<semaphore_mem>>)
      %dma_wait3A = tpu.memref_slice %arg2[%mul3A_4] : memref<320000xi32, #tpu.memory_space<hbm>> -> memref<80xi32, #tpu.memory_space<hbm>>
      %dma_wait3A_656 = tpu.memref_slice %arg2[%mul3A_4] : memref<320000xi32, #tpu.memory_space<hbm>> -> memref<80xi32, #tpu.memory_space<hbm>>
      tpu.wait_dma2 semaphore(%run_scoped3A_654 : memref<!tpu.dma_semaphore, #tpu.memory_space<semaphore_mem>>) src(%dma_wait3A_656 : memref<80xi32, #tpu.memory_space<hbm>>) dst(%arg6 : memref<80xi32, #tpu.memory_space<vmem>>)
      tpu.yield
    }) : () -> ()
    "tpu.region"() ({
      %run_scoped3A_654 = tpu.sem_alloc : memref<!tpu.dma_semaphore, #tpu.memory_space<semaphore_mem>>
      %dma_start3A = tpu.memref_slice %arg3[%mul3A_4] : memref<320000xi32, #tpu.memory_space<hbm>> -> memref<80xi32, #tpu.memory_space<hbm>>
      %dma_start3A_655 = tpu.memref_slice %arg3[%mul3A_4] : memref<320000xi32, #tpu.memory_space<hbm>> -> memref<80xi32, #tpu.memory_space<hbm>>
      tpu.enqueue_dma source(%dma_start3A_655 : memref<80xi32, #tpu.memory_space<hbm>>) target(%arg7 : memref<80xi32, #tpu.memory_space<vmem>>) target_semaphore(%run_scoped3A_654 : memref<!tpu.dma_semaphore, #tpu.memory_space<semaphore_mem>>)
      %dma_wait3A = tpu.memref_slice %arg3[%mul3A_4] : memref<320000xi32, #tpu.memory_space<hbm>> -> memref<80xi32, #tpu.memory_space<hbm>>
      %dma_wait3A_656 = tpu.memref_slice %arg3[%mul3A_4] : memref<320000xi32, #tpu.memory_space<hbm>> -> memref<80xi32, #tpu.memory_space<hbm>>
      tpu.wait_dma2 semaphore(%run_scoped3A_654 : memref<!tpu.dma_semaphore, #tpu.memory_space<semaphore_mem>>) src(%dma_wait3A_656 : memref<80xi32, #tpu.memory_space<hbm>>) dst(%arg7 : memref<80xi32, #tpu.memory_space<vmem>>)
      tpu.yield
    }) : () -> ()
    %add3A_643 = arith.constant 80 : i32
    %add3A_644 = arith.addi %mul3A_4, %add3A_643 : i32
    "tpu.region"() ({
      %run_scoped3A_654 = tpu.sem_alloc : memref<!tpu.dma_semaphore, #tpu.memory_space<semaphore_mem>>
      %dma_start3A = tpu.memref_slice %arg2[%add3A_644] : memref<320000xi32, #tpu.memory_space<hbm>> -> memref<80xi32, #tpu.memory_space<hbm>>
      %dma_start3A_655 = tpu.memref_slice %arg2[%add3A_644] : memref<320000xi32, #tpu.memory_space<hbm>> -> memref<80xi32, #tpu.memory_space<hbm>>
      tpu.enqueue_dma source(%dma_start3A_655 : memref<80xi32, #tpu.memory_space<hbm>>) target(%arg8 : memref<80xi32, #tpu.memory_space<vmem>>) target_semaphore(%run_scoped3A_654 : memref<!tpu.dma_semaphore, #tpu.memory_space<semaphore_mem>>)
      %dma_wait3A = tpu.memref_slice %arg2[%add3A_644] : memref<320000xi32, #tpu.memory_space<hbm>> -> memref<80xi32, #tpu.memory_space<hbm>>
      %dma_wait3A_656 = tpu.memref_slice %arg2[%add3A_644] : memref<320000xi32, #tpu.memory_space<hbm>> -> memref<80xi32, #tpu.memory_space<hbm>>
      tpu.wait_dma2 semaphore(%run_scoped3A_654 : memref<!tpu.dma_semaphore, #tpu.memory_space<semaphore_mem>>) src(%dma_wait3A_656 : memref<80xi32, #tpu.memory_space<hbm>>) dst(%arg8 : memref<80xi32, #tpu.memory_space<vmem>>)
      tpu.yield
    }) : () -> ()
    %add3A_645 = arith.constant 80 : i32
    %add3A_646 = arith.addi %mul3A_4, %add3A_645 : i32
    "tpu.region"() ({
      %run_scoped3A_654 = tpu.sem_alloc : memref<!tpu.dma_semaphore, #tpu.memory_space<semaphore_mem>>
      %dma_start3A = tpu.memref_slice %arg3[%add3A_646] : memref<320000xi32, #tpu.memory_space<hbm>> -> memref<80xi32, #tpu.memory_space<hbm>>
      %dma_start3A_655 = tpu.memref_slice %arg3[%add3A_646] : memref<320000xi32, #tpu.memory_space<hbm>> -> memref<80xi32, #tpu.memory_space<hbm>>
      tpu.enqueue_dma source(%dma_start3A_655 : memref<80xi32, #tpu.memory_space<hbm>>) target(%arg9 : memref<80xi32, #tpu.memory_space<vmem>>) target_semaphore(%run_scoped3A_654 : memref<!tpu.dma_semaphore, #tpu.memory_space<semaphore_mem>>)
      %dma_wait3A = tpu.memref_slice %arg3[%add3A_646] : memref<320000xi32, #tpu.memory_space<hbm>> -> memref<80xi32, #tpu.memory_space<hbm>>
      %dma_wait3A_656 = tpu.memref_slice %arg3[%add3A_646] : memref<320000xi32, #tpu.memory_space<hbm>> -> memref<80xi32, #tpu.memory_space<hbm>>
      tpu.wait_dma2 semaphore(%run_scoped3A_654 : memref<!tpu.dma_semaphore, #tpu.memory_space<semaphore_mem>>) src(%dma_wait3A_656 : memref<80xi32, #tpu.memory_space<hbm>>) dst(%arg9 : memref<80xi32, #tpu.memory_space<vmem>>)
      tpu.yield
    }) : () -> ()
    %scan3A = arith.constant 0 : i32
    %scan3A_647 = arith.constant 0 : i32
    %scan3A_648 = arith.constant 62 : i32
    %scan3A_649 = arith.addi %scan3A_647, %scan3A_648 : i32
    %scan3A_650 = arith.constant 1 : i32
    scf.for %scan3A_654 = %scan3A_647 to %scan3A_649 step %scan3A_650  : i32 {
      %mul3A_655 = arith.constant 2 : i32
      %mul3A_656 = arith.muli %mul3A_655, %scan3A_654 : i32
      "tpu.region"() ({
        %run_scoped3A_690 = tpu.sem_alloc : memref<!tpu.dma_semaphore, #tpu.memory_space<semaphore_mem>>
        %dma_start3A_691 = arith.constant 0 : i32
        %dma_start3A_692 = arith.constant 0 : i32
        %dma_start3A_693 = tpu.memref_slice %arg13[%dma_start3A_691, %dma_start3A_692] : memref<10240x16xf32, #tpu.memory_space<vmem_shared>> -> memref<10240x16xf32, #tpu.memory_space<vmem_shared>>
        tpu.enqueue_indirect_dma source(%arg10 : memref<80x16xf32, #tpu.memory_space<vmem>>) target(%dma_start3A_693 : memref<10240x16xf32, #tpu.memory_space<vmem_shared>>) offsets(%arg6 : memref<80xi32, #tpu.memory_space<vmem>>) semaphore(%run_scoped3A_690 : memref<!tpu.dma_semaphore, #tpu.memory_space<semaphore_mem>>) {add = true}
        %dma_wait3A_694 = arith.constant 0 : i32
        %dma_wait3A_695 = arith.constant 0 : i32
        %dma_wait3A_696 = tpu.memref_slice %arg13[%dma_wait3A_694, %dma_wait3A_695] : memref<10240x16xf32, #tpu.memory_space<vmem_shared>> -> memref<10240x16xf32, #tpu.memory_space<vmem_shared>>
        tpu.wait_indirect_dma semaphore(%run_scoped3A_690 : memref<!tpu.dma_semaphore, #tpu.memory_space<semaphore_mem>>) src(%arg10 : memref<80x16xf32, #tpu.memory_space<vmem>>) dst(%dma_wait3A_696 : memref<10240x16xf32, #tpu.memory_space<vmem_shared>>)
        tpu.yield
      }) : () -> ()
      "tpu.region"() ({
        %run_scoped3A_690 = tpu.sem_alloc : memref<!tpu.dma_semaphore, #tpu.memory_space<semaphore_mem>>
        %dma_start3A_691 = arith.constant 0 : i32
        %dma_start3A_692 = arith.constant 0 : i32
        %dma_start3A_693 = tpu.memref_slice %arg14[%dma_start3A_691, %dma_start3A_692] : memref<10240x16xf32, #tpu.memory_space<vmem_shared>> -> memref<10240x16xf32, #tpu.memory_space<vmem_shared>>
        tpu.enqueue_indirect_dma source(%arg10 : memref<80x16xf32, #tpu.memory_space<vmem>>) target(%dma_start3A_693 : memref<10240x16xf32, #tpu.memory_space<vmem_shared>>) offsets(%arg7 : memref<80xi32, #tpu.memory_space<vmem>>) semaphore(%run_scoped3A_690 : memref<!tpu.dma_semaphore, #tpu.memory_space<semaphore_mem>>) {add = true}
        %dma_wait3A_694 = arith.constant 0 : i32
        %dma_wait3A_695 = arith.constant 0 : i32
        %dma_wait3A_696 = tpu.memref_slice %arg14[%dma_wait3A_694, %dma_wait3A_695] : memref<10240x16xf32, #tpu.memory_space<vmem_shared>> -> memref<10240x16xf32, #tpu.memory_space<vmem_shared>>
        tpu.wait_indirect_dma semaphore(%run_scoped3A_690 : memref<!tpu.dma_semaphore, #tpu.memory_space<semaphore_mem>>) src(%arg10 : memref<80x16xf32, #tpu.memory_space<vmem>>) dst(%dma_wait3A_696 : memref<10240x16xf32, #tpu.memory_space<vmem_shared>>)
        tpu.yield
      }) : () -> ()
      %add3A_657 = arith.constant 2 : i32
      %add3A_658 = arith.addi %mul3A_656, %add3A_657 : i32
      %mul3A_659 = arith.constant 80 : i32
      %mul3A_660 = arith.muli %add3A_658, %mul3A_659 : i32
      %add3A_661 = arith.addi %mul3A_4, %mul3A_660 : i32
      %dma_start3A = tpu.memref_slice %arg2[%add3A_661] : memref<320000xi32, #tpu.memory_space<hbm>> -> memref<80xi32, #tpu.memory_space<hbm>>
      %dma_start3A_662 = tpu.memref_slice %arg2[%add3A_661] : memref<320000xi32, #tpu.memory_space<hbm>> -> memref<80xi32, #tpu.memory_space<hbm>>
      tpu.enqueue_dma source(%dma_start3A_662 : memref<80xi32, #tpu.memory_space<hbm>>) target(%arg6 : memref<80xi32, #tpu.memory_space<vmem>>) target_semaphore(%arg11 : memref<!tpu.dma_semaphore, #tpu.memory_space<semaphore_mem>>)
      %add3A_663 = arith.constant 2 : i32
      %add3A_664 = arith.addi %mul3A_656, %add3A_663 : i32
      %mul3A_665 = arith.constant 80 : i32
      %mul3A_666 = arith.muli %add3A_664, %mul3A_665 : i32
      %add3A_667 = arith.addi %mul3A_4, %mul3A_666 : i32
      %dma_start3A_668 = tpu.memref_slice %arg3[%add3A_667] : memref<320000xi32, #tpu.memory_space<hbm>> -> memref<80xi32, #tpu.memory_space<hbm>>
      %dma_start3A_669 = tpu.memref_slice %arg3[%add3A_667] : memref<320000xi32, #tpu.memory_space<hbm>> -> memref<80xi32, #tpu.memory_space<hbm>>
      tpu.enqueue_dma source(%dma_start3A_669 : memref<80xi32, #tpu.memory_space<hbm>>) target(%arg7 : memref<80xi32, #tpu.memory_space<vmem>>) target_semaphore(%arg11 : memref<!tpu.dma_semaphore, #tpu.memory_space<semaphore_mem>>)
      "tpu.region"() ({
        %run_scoped3A_690 = tpu.sem_alloc : memref<!tpu.dma_semaphore, #tpu.memory_space<semaphore_mem>>
        %dma_start3A_691 = arith.constant 0 : i32
        %dma_start3A_692 = arith.constant 0 : i32
        %dma_start3A_693 = tpu.memref_slice %arg13[%dma_start3A_691, %dma_start3A_692] : memref<10240x16xf32, #tpu.memory_space<vmem_shared>> -> memref<10240x16xf32, #tpu.memory_space<vmem_shared>>
        tpu.enqueue_indirect_dma source(%arg10 : memref<80x16xf32, #tpu.memory_space<vmem>>) target(%dma_start3A_693 : memref<10240x16xf32, #tpu.memory_space<vmem_shared>>) offsets(%arg8 : memref<80xi32, #tpu.memory_space<vmem>>) semaphore(%run_scoped3A_690 : memref<!tpu.dma_semaphore, #tpu.memory_space<semaphore_mem>>) {add = true}
        %dma_wait3A_694 = arith.constant 0 : i32
        %dma_wait3A_695 = arith.constant 0 : i32
        %dma_wait3A_696 = tpu.memref_slice %arg13[%dma_wait3A_694, %dma_wait3A_695] : memref<10240x16xf32, #tpu.memory_space<vmem_shared>> -> memref<10240x16xf32, #tpu.memory_space<vmem_shared>>
        tpu.wait_indirect_dma semaphore(%run_scoped3A_690 : memref<!tpu.dma_semaphore, #tpu.memory_space<semaphore_mem>>) src(%arg10 : memref<80x16xf32, #tpu.memory_space<vmem>>) dst(%dma_wait3A_696 : memref<10240x16xf32, #tpu.memory_space<vmem_shared>>)
        tpu.yield
      }) : () -> ()
      "tpu.region"() ({
        %run_scoped3A_690 = tpu.sem_alloc : memref<!tpu.dma_semaphore, #tpu.memory_space<semaphore_mem>>
        %dma_start3A_691 = arith.constant 0 : i32
        %dma_start3A_692 = arith.constant 0 : i32
        %dma_start3A_693 = tpu.memref_slice %arg14[%dma_start3A_691, %dma_start3A_692] : memref<10240x16xf32, #tpu.memory_space<vmem_shared>> -> memref<10240x16xf32, #tpu.memory_space<vmem_shared>>
        tpu.enqueue_indirect_dma source(%arg10 : memref<80x16xf32, #tpu.memory_space<vmem>>) target(%dma_start3A_693 : memref<10240x16xf32, #tpu.memory_space<vmem_shared>>) offsets(%arg9 : memref<80xi32, #tpu.memory_space<vmem>>) semaphore(%run_scoped3A_690 : memref<!tpu.dma_semaphore, #tpu.memory_space<semaphore_mem>>) {add = true}
        %dma_wait3A_694 = arith.constant 0 : i32
        %dma_wait3A_695 = arith.constant 0 : i32
        %dma_wait3A_696 = tpu.memref_slice %arg14[%dma_wait3A_694, %dma_wait3A_695] : memref<10240x16xf32, #tpu.memory_space<vmem_shared>> -> memref<10240x16xf32, #tpu.memory_space<vmem_shared>>
        tpu.wait_indirect_dma semaphore(%run_scoped3A_690 : memref<!tpu.dma_semaphore, #tpu.memory_space<semaphore_mem>>) src(%arg10 : memref<80x16xf32, #tpu.memory_space<vmem>>) dst(%dma_wait3A_696 : memref<10240x16xf32, #tpu.memory_space<vmem_shared>>)
        tpu.yield
      }) : () -> ()
      %lt3A = arith.constant 61 : i32
      %lt3A_670 = arith.cmpi slt, %scan3A_654, %lt3A : i32
      %convert_element_type3A = arith.extui %lt3A_670 : i1 to i32
      %cond3A = arith.constant 0 : i32
      %cond3A_671 = arith.cmpi ne, %convert_element_type3A, %cond3A : i32
      scf.if %cond3A_671 {
        %add3A_690 = arith.constant 3 : i32
        %add3A_691 = arith.addi %mul3A_656, %add3A_690 : i32
        %mul3A_692 = arith.constant 80 : i32
        %mul3A_693 = arith.muli %add3A_691, %mul3A_692 : i32
        %add3A_694 = arith.addi %mul3A_4, %mul3A_693 : i32
        %dma_start3A_695 = tpu.memref_slice %arg2[%add3A_694] : memref<320000xi32, #tpu.memory_space<hbm>> -> memref<80xi32, #tpu.memory_space<hbm>>
        %dma_start3A_696 = tpu.memref_slice %arg2[%add3A_694] : memref<320000xi32, #tpu.memory_space<hbm>> -> memref<80xi32, #tpu.memory_space<hbm>>
        tpu.enqueue_dma source(%dma_start3A_696 : memref<80xi32, #tpu.memory_space<hbm>>) target(%arg8 : memref<80xi32, #tpu.memory_space<vmem>>) target_semaphore(%arg12 : memref<!tpu.dma_semaphore, #tpu.memory_space<semaphore_mem>>)
        %add3A_697 = arith.constant 3 : i32
        %add3A_698 = arith.addi %mul3A_656, %add3A_697 : i32
        %mul3A_699 = arith.constant 80 : i32
        %mul3A_700 = arith.muli %add3A_698, %mul3A_699 : i32
        %add3A_701 = arith.addi %mul3A_4, %mul3A_700 : i32
        %dma_start3A_702 = tpu.memref_slice %arg3[%add3A_701] : memref<320000xi32, #tpu.memory_space<hbm>> -> memref<80xi32, #tpu.memory_space<hbm>>
        %dma_start3A_703 = tpu.memref_slice %arg3[%add3A_701] : memref<320000xi32, #tpu.memory_space<hbm>> -> memref<80xi32, #tpu.memory_space<hbm>>
        tpu.enqueue_dma source(%dma_start3A_703 : memref<80xi32, #tpu.memory_space<hbm>>) target(%arg9 : memref<80xi32, #tpu.memory_space<vmem>>) target_semaphore(%arg12 : memref<!tpu.dma_semaphore, #tpu.memory_space<semaphore_mem>>)
      } else {
      }
      %add3A_672 = arith.constant 2 : i32
      %add3A_673 = arith.addi %mul3A_656, %add3A_672 : i32
      %mul3A_674 = arith.constant 80 : i32
      %mul3A_675 = arith.muli %add3A_673, %mul3A_674 : i32
      %add3A_676 = arith.addi %mul3A_4, %mul3A_675 : i32
      %dma_wait3A = tpu.memref_slice %arg2[%add3A_676] : memref<320000xi32, #tpu.memory_space<hbm>> -> memref<80xi32, #tpu.memory_space<hbm>>
      %dma_wait3A_677 = tpu.memref_slice %arg2[%add3A_676] : memref<320000xi32, #tpu.memory_space<hbm>> -> memref<80xi32, #tpu.memory_space<hbm>>
      tpu.wait_dma2 semaphore(%arg11 : memref<!tpu.dma_semaphore, #tpu.memory_space<semaphore_mem>>) src(%dma_wait3A_677 : memref<80xi32, #tpu.memory_space<hbm>>) dst(%arg6 : memref<80xi32, #tpu.memory_space<vmem>>)
      %add3A_678 = arith.constant 2 : i32
      %add3A_679 = arith.addi %mul3A_656, %add3A_678 : i32
      %mul3A_680 = arith.constant 80 : i32
      %mul3A_681 = arith.muli %add3A_679, %mul3A_680 : i32
      %add3A_682 = arith.addi %mul3A_4, %mul3A_681 : i32
      %dma_wait3A_683 = tpu.memref_slice %arg3[%add3A_682] : memref<320000xi32, #tpu.memory_space<hbm>> -> memref<80xi32, #tpu.memory_space<hbm>>
      %dma_wait3A_684 = tpu.memref_slice %arg3[%add3A_682] : memref<320000xi32, #tpu.memory_space<hbm>> -> memref<80xi32, #tpu.memory_space<hbm>>
      tpu.wait_dma2 semaphore(%arg11 : memref<!tpu.dma_semaphore, #tpu.memory_space<semaphore_mem>>) src(%dma_wait3A_684 : memref<80xi32, #tpu.memory_space<hbm>>) dst(%arg7 : memref<80xi32, #tpu.memory_space<vmem>>)
      %lt3A_685 = arith.constant 61 : i32
      %lt3A_686 = arith.cmpi slt, %scan3A_654, %lt3A_685 : i32
      %convert_element_type3A_687 = arith.extui %lt3A_686 : i1 to i32
      %cond3A_688 = arith.constant 0 : i32
      %cond3A_689 = arith.cmpi ne, %convert_element_type3A_687, %cond3A_688 : i32
      scf.if %cond3A_689 {
        %add3A_690 = arith.constant 3 : i32
        %add3A_691 = arith.addi %mul3A_656, %add3A_690 : i32
        %mul3A_692 = arith.constant 80 : i32
        %mul3A_693 = arith.muli %add3A_691, %mul3A_692 : i32
        %add3A_694 = arith.addi %mul3A_4, %mul3A_693 : i32
        %dma_wait3A_695 = tpu.memref_slice %arg2[%add3A_694] : memref<320000xi32, #tpu.memory_space<hbm>> -> memref<80xi32, #tpu.memory_space<hbm>>
        %dma_wait3A_696 = tpu.memref_slice %arg2[%add3A_694] : memref<320000xi32, #tpu.memory_space<hbm>> -> memref<80xi32, #tpu.memory_space<hbm>>
        tpu.wait_dma2 semaphore(%arg12 : memref<!tpu.dma_semaphore, #tpu.memory_space<semaphore_mem>>) src(%dma_wait3A_696 : memref<80xi32, #tpu.memory_space<hbm>>) dst(%arg8 : memref<80xi32, #tpu.memory_space<vmem>>)
        %add3A_697 = arith.constant 3 : i32
        %add3A_698 = arith.addi %mul3A_656, %add3A_697 : i32
        %mul3A_699 = arith.constant 80 : i32
        %mul3A_700 = arith.muli %add3A_698, %mul3A_699 : i32
        %add3A_701 = arith.addi %mul3A_4, %mul3A_700 : i32
        %dma_wait3A_702 = tpu.memref_slice %arg3[%add3A_701] : memref<320000xi32, #tpu.memory_space<hbm>> -> memref<80xi32, #tpu.memory_space<hbm>>
        %dma_wait3A_703 = tpu.memref_slice %arg3[%add3A_701] : memref<320000xi32, #tpu.memory_space<hbm>> -> memref<80xi32, #tpu.memory_space<hbm>>
        tpu.wait_dma2 semaphore(%arg12 : memref<!tpu.dma_semaphore, #tpu.memory_space<semaphore_mem>>) src(%dma_wait3A_703 : memref<80xi32, #tpu.memory_space<hbm>>) dst(%arg9 : memref<80xi32, #tpu.memory_space<vmem>>)
      } else {
      }
    }
    %scan3A_651 = arith.constant 62 : i32
    "tpu.region"() ({
      %run_scoped3A_654 = tpu.sem_alloc : memref<!tpu.dma_semaphore, #tpu.memory_space<semaphore_mem>>
      %dma_start3A = arith.constant 0 : i32
      %dma_start3A_655 = arith.constant 0 : i32
      %dma_start3A_656 = tpu.memref_slice %arg13[%dma_start3A, %dma_start3A_655] : memref<10240x16xf32, #tpu.memory_space<vmem_shared>> -> memref<10240x16xf32, #tpu.memory_space<vmem_shared>>
      tpu.enqueue_indirect_dma source(%arg10 : memref<80x16xf32, #tpu.memory_space<vmem>>) target(%dma_start3A_656 : memref<10240x16xf32, #tpu.memory_space<vmem_shared>>) offsets(%arg6 : memref<80xi32, #tpu.memory_space<vmem>>) semaphore(%run_scoped3A_654 : memref<!tpu.dma_semaphore, #tpu.memory_space<semaphore_mem>>) {add = true}
      %dma_wait3A = arith.constant 0 : i32
      %dma_wait3A_657 = arith.constant 0 : i32
      %dma_wait3A_658 = tpu.memref_slice %arg13[%dma_wait3A, %dma_wait3A_657] : memref<10240x16xf32, #tpu.memory_space<vmem_shared>> -> memref<10240x16xf32, #tpu.memory_space<vmem_shared>>
      tpu.wait_indirect_dma semaphore(%run_scoped3A_654 : memref<!tpu.dma_semaphore, #tpu.memory_space<semaphore_mem>>) src(%arg10 : memref<80x16xf32, #tpu.memory_space<vmem>>) dst(%dma_wait3A_658 : memref<10240x16xf32, #tpu.memory_space<vmem_shared>>)
      tpu.yield
    }) : () -> ()
    "tpu.region"() ({
      %run_scoped3A_654 = tpu.sem_alloc : memref<!tpu.dma_semaphore, #tpu.memory_space<semaphore_mem>>
      %dma_start3A = arith.constant 0 : i32
      %dma_start3A_655 = arith.constant 0 : i32
      %dma_start3A_656 = tpu.memref_slice %arg14[%dma_start3A, %dma_start3A_655] : memref<10240x16xf32, #tpu.memory_space<vmem_shared>> -> memref<10240x16xf32, #tpu.memory_space<vmem_shared>>
      tpu.enqueue_indirect_dma source(%arg10 : memref<80x16xf32, #tpu.memory_space<vmem>>) target(%dma_start3A_656 : memref<10240x16xf32, #tpu.memory_space<vmem_shared>>) offsets(%arg7 : memref<80xi32, #tpu.memory_space<vmem>>) semaphore(%run_scoped3A_654 : memref<!tpu.dma_semaphore, #tpu.memory_space<semaphore_mem>>) {add = true}
      %dma_wait3A = arith.constant 0 : i32
      %dma_wait3A_657 = arith.constant 0 : i32
      %dma_wait3A_658 = tpu.memref_slice %arg14[%dma_wait3A, %dma_wait3A_657] : memref<10240x16xf32, #tpu.memory_space<vmem_shared>> -> memref<10240x16xf32, #tpu.memory_space<vmem_shared>>
      tpu.wait_indirect_dma semaphore(%run_scoped3A_654 : memref<!tpu.dma_semaphore, #tpu.memory_space<semaphore_mem>>) src(%arg10 : memref<80x16xf32, #tpu.memory_space<vmem>>) dst(%dma_wait3A_658 : memref<10240x16xf32, #tpu.memory_space<vmem_shared>>)
      tpu.yield
    }) : () -> ()
    %barrier3A_652 = arith.constant 0 : index
    tpu.barrier barrier_id(%barrier3A_652)
    %run_scoped3A = arith.constant 0 : i32
    "tpu.region"() ({
      %run_scoped3A_654 = tpu.sem_alloc : memref<!tpu.dma_semaphore, #tpu.memory_space<semaphore_mem>>
      %dma_start3A = arith.constant 0 : i32
      %dma_start3A_655 = tpu.memref_slice %arg5[%arg0, %run_scoped3A, %mul3A_2, %dma_start3A] : memref<2x2x10240x16xf32, #tpu.memory_space<hbm>> -> memref<1x1x640x16xf32, #tpu.memory_space<hbm>>
      %dma_start3A_656 = tpu.memref_squeeze %dma_start3A_655 : memref<1x1x640x16xf32, #tpu.memory_space<hbm>> -> memref<640x16xf32, #tpu.memory_space<hbm>>
      %dma_start3A_657 = arith.constant 0 : i32
      %dma_start3A_658 = tpu.memref_slice %arg13[%mul3A_2, %dma_start3A_657] : memref<10240x16xf32, #tpu.memory_space<vmem_shared>> -> memref<640x16xf32, #tpu.memory_space<vmem_shared>>
      tpu.enqueue_dma source(%dma_start3A_658 : memref<640x16xf32, #tpu.memory_space<vmem_shared>>) target(%dma_start3A_656 : memref<640x16xf32, #tpu.memory_space<hbm>>) target_semaphore(%run_scoped3A_654 : memref<!tpu.dma_semaphore, #tpu.memory_space<semaphore_mem>>)
      %dma_wait3A = arith.constant 0 : i32
      %dma_wait3A_659 = tpu.memref_slice %arg5[%arg0, %run_scoped3A, %mul3A_2, %dma_wait3A] : memref<2x2x10240x16xf32, #tpu.memory_space<hbm>> -> memref<1x1x640x16xf32, #tpu.memory_space<hbm>>
      %dma_wait3A_660 = tpu.memref_squeeze %dma_wait3A_659 : memref<1x1x640x16xf32, #tpu.memory_space<hbm>> -> memref<640x16xf32, #tpu.memory_space<hbm>>
      %dma_wait3A_661 = arith.constant 0 : i32
      %dma_wait3A_662 = tpu.memref_slice %arg13[%mul3A_2, %dma_wait3A_661] : memref<10240x16xf32, #tpu.memory_space<vmem_shared>> -> memref<640x16xf32, #tpu.memory_space<vmem_shared>>
      tpu.wait_dma2 semaphore(%run_scoped3A_654 : memref<!tpu.dma_semaphore, #tpu.memory_space<semaphore_mem>>) src(%dma_wait3A_662 : memref<640x16xf32, #tpu.memory_space<vmem_shared>>) dst(%dma_wait3A_660 : memref<640x16xf32, #tpu.memory_space<hbm>>)
      tpu.yield
    }) : () -> ()
    %run_scoped3A_653 = arith.constant 1 : i32
    "tpu.region"() ({
      %run_scoped3A_654 = tpu.sem_alloc : memref<!tpu.dma_semaphore, #tpu.memory_space<semaphore_mem>>
      %dma_start3A = arith.constant 0 : i32
      %dma_start3A_655 = tpu.memref_slice %arg5[%arg0, %run_scoped3A_653, %mul3A_2, %dma_start3A] : memref<2x2x10240x16xf32, #tpu.memory_space<hbm>> -> memref<1x1x640x16xf32, #tpu.memory_space<hbm>>
      %dma_start3A_656 = tpu.memref_squeeze %dma_start3A_655 : memref<1x1x640x16xf32, #tpu.memory_space<hbm>> -> memref<640x16xf32, #tpu.memory_space<hbm>>
      %dma_start3A_657 = arith.constant 0 : i32
      %dma_start3A_658 = tpu.memref_slice %arg14[%mul3A_2, %dma_start3A_657] : memref<10240x16xf32, #tpu.memory_space<vmem_shared>> -> memref<640x16xf32, #tpu.memory_space<vmem_shared>>
      tpu.enqueue_dma source(%dma_start3A_658 : memref<640x16xf32, #tpu.memory_space<vmem_shared>>) target(%dma_start3A_656 : memref<640x16xf32, #tpu.memory_space<hbm>>) target_semaphore(%run_scoped3A_654 : memref<!tpu.dma_semaphore, #tpu.memory_space<semaphore_mem>>)
      %dma_wait3A = arith.constant 0 : i32
      %dma_wait3A_659 = tpu.memref_slice %arg5[%arg0, %run_scoped3A_653, %mul3A_2, %dma_wait3A] : memref<2x2x10240x16xf32, #tpu.memory_space<hbm>> -> memref<1x1x640x16xf32, #tpu.memory_space<hbm>>
      %dma_wait3A_660 = tpu.memref_squeeze %dma_wait3A_659 : memref<1x1x640x16xf32, #tpu.memory_space<hbm>> -> memref<640x16xf32, #tpu.memory_space<hbm>>
      %dma_wait3A_661 = arith.constant 0 : i32
      %dma_wait3A_662 = tpu.memref_slice %arg14[%mul3A_2, %dma_wait3A_661] : memref<10240x16xf32, #tpu.memory_space<vmem_shared>> -> memref<640x16xf32, #tpu.memory_space<vmem_shared>>
      tpu.wait_dma2 semaphore(%run_scoped3A_654 : memref<!tpu.dma_semaphore, #tpu.memory_space<semaphore_mem>>) src(%dma_wait3A_662 : memref<640x16xf32, #tpu.memory_space<vmem_shared>>) dst(%dma_wait3A_660 : memref<640x16xf32, #tpu.memory_space<hbm>>)
      tpu.yield
    }) : () -> ()
    return
  }
}

#map = affine_map<(d0, d1) -> (0, 0)>
#map1 = affine_map<(d0, d1) -> (0)>
#map2 = affine_map<(d0, d1) -> (0, 0, 0)>
module attributes {stable_mosaic.version = 14 : i64} {
  func.func @_agg_kernel(%arg0: i32, %arg1: i32, %arg2: memref<10000x128xbf16, #tpu.memory_space<hbm>>, %arg3: memref<320000xi32, #tpu.memory_space<hbm>>, %arg4: memref<320000xi32, #tpu.memory_space<hbm>>, %arg5: memref<10240x128xbf16, #tpu.memory_space<hbm>>, %arg6: memref<2x10240x128xbf16, #tpu.memory_space<hbm>>, %arg7: memref<80xi32, #tpu.memory_space<vmem>>, %arg8: memref<80xi32, #tpu.memory_space<vmem>>, %arg9: memref<80xi32, #tpu.memory_space<vmem>>, %arg10: memref<80xi32, #tpu.memory_space<vmem>>, %arg11: memref<80x128xbf16, #tpu.memory_space<vmem>>, %arg12: memref<80x128xbf16, #tpu.memory_space<vmem>>, %arg13: memref<!tpu.dma_semaphore, #tpu.memory_space<semaphore_mem>>, %arg14: memref<!tpu.dma_semaphore, #tpu.memory_space<semaphore_mem>>, %arg15: memref<!tpu.dma_semaphore, #tpu.memory_space<semaphore_mem>>, %arg16: memref<!tpu.dma_semaphore, #tpu.memory_space<semaphore_mem>>, %arg17: memref<10240x128xbf16, #tpu.memory_space<vmem_shared>>) attributes {dimension_semantics = [#tpu.dimension_semantics<core_parallel>, #tpu.dimension_semantics<subcore_parallel>], iteration_bounds = array<i64: 2, 16>, scalar_prefetch = 0 : i64, scratch_operands = 11 : i64, tpu.core_type = #tpu.core_type<sc_vector_subcore>, window_params = [{transform_indices = #map}, {transform_indices = #map1}, {transform_indices = #map1}, {transform_indices = #map}, {transform_indices = #map2}]} {
    %mul3A = arith.constant 2 : i32
    %mul3A_0 = arith.muli %arg1, %mul3A : i32
    %add3A = arith.addi %mul3A_0, %arg0 : i32
    %mul3A_1 = arith.constant 640 : i32
    %mul3A_2 = arith.muli %arg1, %mul3A_1 : i32
    %mul3A_3 = arith.constant 10000 : i32
    %mul3A_4 = arith.muli %add3A, %mul3A_3 : i32
    "tpu.region"() ({
      %run_scoped3A = tpu.sem_alloc : memref<!tpu.dma_semaphore, #tpu.memory_space<semaphore_mem>>
      %dma_start3A_22 = arith.constant 0 : i32
      %dma_start3A_23 = tpu.memref_slice %arg17[%mul3A_2, %dma_start3A_22] : memref<10240x128xbf16, #tpu.memory_space<vmem_shared>> -> memref<640x128xbf16, #tpu.memory_space<vmem_shared>>
      %dma_start3A_24 = arith.constant 0 : i32
      %dma_start3A_25 = tpu.memref_slice %arg5[%mul3A_2, %dma_start3A_24] : memref<10240x128xbf16, #tpu.memory_space<hbm>> -> memref<640x128xbf16, #tpu.memory_space<hbm>>
      tpu.enqueue_dma source(%dma_start3A_25 : memref<640x128xbf16, #tpu.memory_space<hbm>>) target(%dma_start3A_23 : memref<640x128xbf16, #tpu.memory_space<vmem_shared>>) target_semaphore(%run_scoped3A : memref<!tpu.dma_semaphore, #tpu.memory_space<semaphore_mem>>)
      %dma_wait3A_26 = arith.constant 0 : i32
      %dma_wait3A_27 = tpu.memref_slice %arg17[%mul3A_2, %dma_wait3A_26] : memref<10240x128xbf16, #tpu.memory_space<vmem_shared>> -> memref<640x128xbf16, #tpu.memory_space<vmem_shared>>
      %dma_wait3A_28 = arith.constant 0 : i32
      %dma_wait3A_29 = tpu.memref_slice %arg5[%mul3A_2, %dma_wait3A_28] : memref<10240x128xbf16, #tpu.memory_space<hbm>> -> memref<640x128xbf16, #tpu.memory_space<hbm>>
      tpu.wait_dma2 semaphore(%run_scoped3A : memref<!tpu.dma_semaphore, #tpu.memory_space<semaphore_mem>>) src(%dma_wait3A_29 : memref<640x128xbf16, #tpu.memory_space<hbm>>) dst(%dma_wait3A_27 : memref<640x128xbf16, #tpu.memory_space<vmem_shared>>)
      tpu.yield
    }) : () -> ()
    %barrier3A = arith.constant 0 : index
    tpu.barrier barrier_id(%barrier3A)
    "tpu.region"() ({
      %run_scoped3A = tpu.sem_alloc : memref<!tpu.dma_semaphore, #tpu.memory_space<semaphore_mem>>
      %dma_start3A_22 = tpu.memref_slice %arg3[%mul3A_4] : memref<320000xi32, #tpu.memory_space<hbm>> -> memref<80xi32, #tpu.memory_space<hbm>>
      %dma_start3A_23 = tpu.memref_slice %arg3[%mul3A_4] : memref<320000xi32, #tpu.memory_space<hbm>> -> memref<80xi32, #tpu.memory_space<hbm>>
      tpu.enqueue_dma source(%dma_start3A_23 : memref<80xi32, #tpu.memory_space<hbm>>) target(%arg7 : memref<80xi32, #tpu.memory_space<vmem>>) target_semaphore(%run_scoped3A : memref<!tpu.dma_semaphore, #tpu.memory_space<semaphore_mem>>)
      %dma_wait3A_24 = tpu.memref_slice %arg3[%mul3A_4] : memref<320000xi32, #tpu.memory_space<hbm>> -> memref<80xi32, #tpu.memory_space<hbm>>
      %dma_wait3A_25 = tpu.memref_slice %arg3[%mul3A_4] : memref<320000xi32, #tpu.memory_space<hbm>> -> memref<80xi32, #tpu.memory_space<hbm>>
      tpu.wait_dma2 semaphore(%run_scoped3A : memref<!tpu.dma_semaphore, #tpu.memory_space<semaphore_mem>>) src(%dma_wait3A_25 : memref<80xi32, #tpu.memory_space<hbm>>) dst(%arg7 : memref<80xi32, #tpu.memory_space<vmem>>)
      tpu.yield
    }) : () -> ()
    "tpu.region"() ({
      %run_scoped3A = tpu.sem_alloc : memref<!tpu.dma_semaphore, #tpu.memory_space<semaphore_mem>>
      %dma_start3A_22 = tpu.memref_slice %arg4[%mul3A_4] : memref<320000xi32, #tpu.memory_space<hbm>> -> memref<80xi32, #tpu.memory_space<hbm>>
      %dma_start3A_23 = tpu.memref_slice %arg4[%mul3A_4] : memref<320000xi32, #tpu.memory_space<hbm>> -> memref<80xi32, #tpu.memory_space<hbm>>
      tpu.enqueue_dma source(%dma_start3A_23 : memref<80xi32, #tpu.memory_space<hbm>>) target(%arg8 : memref<80xi32, #tpu.memory_space<vmem>>) target_semaphore(%run_scoped3A : memref<!tpu.dma_semaphore, #tpu.memory_space<semaphore_mem>>)
      %dma_wait3A_24 = tpu.memref_slice %arg4[%mul3A_4] : memref<320000xi32, #tpu.memory_space<hbm>> -> memref<80xi32, #tpu.memory_space<hbm>>
      %dma_wait3A_25 = tpu.memref_slice %arg4[%mul3A_4] : memref<320000xi32, #tpu.memory_space<hbm>> -> memref<80xi32, #tpu.memory_space<hbm>>
      tpu.wait_dma2 semaphore(%run_scoped3A : memref<!tpu.dma_semaphore, #tpu.memory_space<semaphore_mem>>) src(%dma_wait3A_25 : memref<80xi32, #tpu.memory_space<hbm>>) dst(%arg8 : memref<80xi32, #tpu.memory_space<vmem>>)
      tpu.yield
    }) : () -> ()
    %dma_start3A = arith.constant 0 : i32
    %dma_start3A_5 = arith.constant 0 : i32
    %dma_start3A_6 = tpu.memref_slice %arg2[%dma_start3A, %dma_start3A_5] : memref<10000x128xbf16, #tpu.memory_space<hbm>> -> memref<10000x128xbf16, #tpu.memory_space<hbm>>
    tpu.enqueue_indirect_dma source(%dma_start3A_6 : memref<10000x128xbf16, #tpu.memory_space<hbm>>) target(%arg11 : memref<80x128xbf16, #tpu.memory_space<vmem>>) offsets(%arg7 : memref<80xi32, #tpu.memory_space<vmem>>) semaphore(%arg15 : memref<!tpu.dma_semaphore, #tpu.memory_space<semaphore_mem>>)
    %add3A_7 = arith.constant 80 : i32
    %add3A_8 = arith.addi %mul3A_4, %add3A_7 : i32
    "tpu.region"() ({
      %run_scoped3A = tpu.sem_alloc : memref<!tpu.dma_semaphore, #tpu.memory_space<semaphore_mem>>
      %dma_start3A_22 = tpu.memref_slice %arg3[%add3A_8] : memref<320000xi32, #tpu.memory_space<hbm>> -> memref<80xi32, #tpu.memory_space<hbm>>
      %dma_start3A_23 = tpu.memref_slice %arg3[%add3A_8] : memref<320000xi32, #tpu.memory_space<hbm>> -> memref<80xi32, #tpu.memory_space<hbm>>
      tpu.enqueue_dma source(%dma_start3A_23 : memref<80xi32, #tpu.memory_space<hbm>>) target(%arg9 : memref<80xi32, #tpu.memory_space<vmem>>) target_semaphore(%run_scoped3A : memref<!tpu.dma_semaphore, #tpu.memory_space<semaphore_mem>>)
      %dma_wait3A_24 = tpu.memref_slice %arg3[%add3A_8] : memref<320000xi32, #tpu.memory_space<hbm>> -> memref<80xi32, #tpu.memory_space<hbm>>
      %dma_wait3A_25 = tpu.memref_slice %arg3[%add3A_8] : memref<320000xi32, #tpu.memory_space<hbm>> -> memref<80xi32, #tpu.memory_space<hbm>>
      tpu.wait_dma2 semaphore(%run_scoped3A : memref<!tpu.dma_semaphore, #tpu.memory_space<semaphore_mem>>) src(%dma_wait3A_25 : memref<80xi32, #tpu.memory_space<hbm>>) dst(%arg9 : memref<80xi32, #tpu.memory_space<vmem>>)
      tpu.yield
    }) : () -> ()
    %add3A_9 = arith.constant 80 : i32
    %add3A_10 = arith.addi %mul3A_4, %add3A_9 : i32
    "tpu.region"() ({
      %run_scoped3A = tpu.sem_alloc : memref<!tpu.dma_semaphore, #tpu.memory_space<semaphore_mem>>
      %dma_start3A_22 = tpu.memref_slice %arg4[%add3A_10] : memref<320000xi32, #tpu.memory_space<hbm>> -> memref<80xi32, #tpu.memory_space<hbm>>
      %dma_start3A_23 = tpu.memref_slice %arg4[%add3A_10] : memref<320000xi32, #tpu.memory_space<hbm>> -> memref<80xi32, #tpu.memory_space<hbm>>
      tpu.enqueue_dma source(%dma_start3A_23 : memref<80xi32, #tpu.memory_space<hbm>>) target(%arg10 : memref<80xi32, #tpu.memory_space<vmem>>) target_semaphore(%run_scoped3A : memref<!tpu.dma_semaphore, #tpu.memory_space<semaphore_mem>>)
      %dma_wait3A_24 = tpu.memref_slice %arg4[%add3A_10] : memref<320000xi32, #tpu.memory_space<hbm>> -> memref<80xi32, #tpu.memory_space<hbm>>
      %dma_wait3A_25 = tpu.memref_slice %arg4[%add3A_10] : memref<320000xi32, #tpu.memory_space<hbm>> -> memref<80xi32, #tpu.memory_space<hbm>>
      tpu.wait_dma2 semaphore(%run_scoped3A : memref<!tpu.dma_semaphore, #tpu.memory_space<semaphore_mem>>) src(%dma_wait3A_25 : memref<80xi32, #tpu.memory_space<hbm>>) dst(%arg10 : memref<80xi32, #tpu.memory_space<vmem>>)
      tpu.yield
    }) : () -> ()
    %dma_start3A_11 = arith.constant 0 : i32
    %dma_start3A_12 = arith.constant 0 : i32
    %dma_start3A_13 = tpu.memref_slice %arg2[%dma_start3A_11, %dma_start3A_12] : memref<10000x128xbf16, #tpu.memory_space<hbm>> -> memref<10000x128xbf16, #tpu.memory_space<hbm>>
    tpu.enqueue_indirect_dma source(%dma_start3A_13 : memref<10000x128xbf16, #tpu.memory_space<hbm>>) target(%arg12 : memref<80x128xbf16, #tpu.memory_space<vmem>>) offsets(%arg9 : memref<80xi32, #tpu.memory_space<vmem>>) semaphore(%arg16 : memref<!tpu.dma_semaphore, #tpu.memory_space<semaphore_mem>>)
    %scan3A = arith.constant 0 : i32
    %scan3A_14 = arith.constant 0 : i32
    %scan3A_15 = arith.constant 62 : i32
    %scan3A_16 = arith.addi %scan3A_14, %scan3A_15 : i32
    %scan3A_17 = arith.constant 1 : i32
    scf.for %scan3A_22 = %scan3A_14 to %scan3A_16 step %scan3A_17  : i32 {
      %mul3A_23 = arith.constant 2 : i32
      %mul3A_24 = arith.muli %mul3A_23, %scan3A_22 : i32
      %dma_wait3A_25 = arith.constant 0 : i32
      %dma_wait3A_26 = arith.constant 0 : i32
      %dma_wait3A_27 = tpu.memref_slice %arg2[%dma_wait3A_25, %dma_wait3A_26] : memref<10000x128xbf16, #tpu.memory_space<hbm>> -> memref<10000x128xbf16, #tpu.memory_space<hbm>>
      tpu.wait_indirect_dma semaphore(%arg15 : memref<!tpu.dma_semaphore, #tpu.memory_space<semaphore_mem>>) src(%dma_wait3A_27 : memref<10000x128xbf16, #tpu.memory_space<hbm>>) dst(%arg11 : memref<80x128xbf16, #tpu.memory_space<vmem>>)
      "tpu.region"() ({
        %run_scoped3A = tpu.sem_alloc : memref<!tpu.dma_semaphore, #tpu.memory_space<semaphore_mem>>
        %dma_start3A_69 = arith.constant 0 : i32
        %dma_start3A_70 = arith.constant 0 : i32
        %dma_start3A_71 = tpu.memref_slice %arg17[%dma_start3A_69, %dma_start3A_70] : memref<10240x128xbf16, #tpu.memory_space<vmem_shared>> -> memref<10240x128xbf16, #tpu.memory_space<vmem_shared>>
        tpu.enqueue_indirect_dma source(%arg11 : memref<80x128xbf16, #tpu.memory_space<vmem>>) target(%dma_start3A_71 : memref<10240x128xbf16, #tpu.memory_space<vmem_shared>>) offsets(%arg8 : memref<80xi32, #tpu.memory_space<vmem>>) semaphore(%run_scoped3A : memref<!tpu.dma_semaphore, #tpu.memory_space<semaphore_mem>>) {add = true}
        %dma_wait3A_72 = arith.constant 0 : i32
        %dma_wait3A_73 = arith.constant 0 : i32
        %dma_wait3A_74 = tpu.memref_slice %arg17[%dma_wait3A_72, %dma_wait3A_73] : memref<10240x128xbf16, #tpu.memory_space<vmem_shared>> -> memref<10240x128xbf16, #tpu.memory_space<vmem_shared>>
        tpu.wait_indirect_dma semaphore(%run_scoped3A : memref<!tpu.dma_semaphore, #tpu.memory_space<semaphore_mem>>) src(%arg11 : memref<80x128xbf16, #tpu.memory_space<vmem>>) dst(%dma_wait3A_74 : memref<10240x128xbf16, #tpu.memory_space<vmem_shared>>)
        tpu.yield
      }) : () -> ()
      %add3A_28 = arith.constant 2 : i32
      %add3A_29 = arith.addi %mul3A_24, %add3A_28 : i32
      %mul3A_30 = arith.constant 80 : i32
      %mul3A_31 = arith.muli %add3A_29, %mul3A_30 : i32
      %add3A_32 = arith.addi %mul3A_4, %mul3A_31 : i32
      %dma_start3A_33 = tpu.memref_slice %arg3[%add3A_32] : memref<320000xi32, #tpu.memory_space<hbm>> -> memref<80xi32, #tpu.memory_space<hbm>>
      %dma_start3A_34 = tpu.memref_slice %arg3[%add3A_32] : memref<320000xi32, #tpu.memory_space<hbm>> -> memref<80xi32, #tpu.memory_space<hbm>>
      tpu.enqueue_dma source(%dma_start3A_34 : memref<80xi32, #tpu.memory_space<hbm>>) target(%arg7 : memref<80xi32, #tpu.memory_space<vmem>>) target_semaphore(%arg13 : memref<!tpu.dma_semaphore, #tpu.memory_space<semaphore_mem>>)
      %add3A_35 = arith.constant 2 : i32
      %add3A_36 = arith.addi %mul3A_24, %add3A_35 : i32
      %mul3A_37 = arith.constant 80 : i32
      %mul3A_38 = arith.muli %add3A_36, %mul3A_37 : i32
      %add3A_39 = arith.addi %mul3A_4, %mul3A_38 : i32
      %dma_start3A_40 = tpu.memref_slice %arg4[%add3A_39] : memref<320000xi32, #tpu.memory_space<hbm>> -> memref<80xi32, #tpu.memory_space<hbm>>
      %dma_start3A_41 = tpu.memref_slice %arg4[%add3A_39] : memref<320000xi32, #tpu.memory_space<hbm>> -> memref<80xi32, #tpu.memory_space<hbm>>
      tpu.enqueue_dma source(%dma_start3A_41 : memref<80xi32, #tpu.memory_space<hbm>>) target(%arg8 : memref<80xi32, #tpu.memory_space<vmem>>) target_semaphore(%arg13 : memref<!tpu.dma_semaphore, #tpu.memory_space<semaphore_mem>>)
      %dma_wait3A_42 = arith.constant 0 : i32
      %dma_wait3A_43 = arith.constant 0 : i32
      %dma_wait3A_44 = tpu.memref_slice %arg2[%dma_wait3A_42, %dma_wait3A_43] : memref<10000x128xbf16, #tpu.memory_space<hbm>> -> memref<10000x128xbf16, #tpu.memory_space<hbm>>
      tpu.wait_indirect_dma semaphore(%arg16 : memref<!tpu.dma_semaphore, #tpu.memory_space<semaphore_mem>>) src(%dma_wait3A_44 : memref<10000x128xbf16, #tpu.memory_space<hbm>>) dst(%arg12 : memref<80x128xbf16, #tpu.memory_space<vmem>>)
      "tpu.region"() ({
        %run_scoped3A = tpu.sem_alloc : memref<!tpu.dma_semaphore, #tpu.memory_space<semaphore_mem>>
        %dma_start3A_69 = arith.constant 0 : i32
        %dma_start3A_70 = arith.constant 0 : i32
        %dma_start3A_71 = tpu.memref_slice %arg17[%dma_start3A_69, %dma_start3A_70] : memref<10240x128xbf16, #tpu.memory_space<vmem_shared>> -> memref<10240x128xbf16, #tpu.memory_space<vmem_shared>>
        tpu.enqueue_indirect_dma source(%arg12 : memref<80x128xbf16, #tpu.memory_space<vmem>>) target(%dma_start3A_71 : memref<10240x128xbf16, #tpu.memory_space<vmem_shared>>) offsets(%arg10 : memref<80xi32, #tpu.memory_space<vmem>>) semaphore(%run_scoped3A : memref<!tpu.dma_semaphore, #tpu.memory_space<semaphore_mem>>) {add = true}
        %dma_wait3A_72 = arith.constant 0 : i32
        %dma_wait3A_73 = arith.constant 0 : i32
        %dma_wait3A_74 = tpu.memref_slice %arg17[%dma_wait3A_72, %dma_wait3A_73] : memref<10240x128xbf16, #tpu.memory_space<vmem_shared>> -> memref<10240x128xbf16, #tpu.memory_space<vmem_shared>>
        tpu.wait_indirect_dma semaphore(%run_scoped3A : memref<!tpu.dma_semaphore, #tpu.memory_space<semaphore_mem>>) src(%arg12 : memref<80x128xbf16, #tpu.memory_space<vmem>>) dst(%dma_wait3A_74 : memref<10240x128xbf16, #tpu.memory_space<vmem_shared>>)
        tpu.yield
      }) : () -> ()
      %lt3A = arith.constant 61 : i32
      %lt3A_45 = arith.cmpi slt, %scan3A_22, %lt3A : i32
      %convert_element_type3A = arith.extui %lt3A_45 : i1 to i32
      %cond3A = arith.constant 0 : i32
      %cond3A_46 = arith.cmpi ne, %convert_element_type3A, %cond3A : i32
      scf.if %cond3A_46 {
        %add3A_69 = arith.constant 3 : i32
        %add3A_70 = arith.addi %mul3A_24, %add3A_69 : i32
        %mul3A_71 = arith.constant 80 : i32
        %mul3A_72 = arith.muli %add3A_70, %mul3A_71 : i32
        %add3A_73 = arith.addi %mul3A_4, %mul3A_72 : i32
        %dma_start3A_74 = tpu.memref_slice %arg3[%add3A_73] : memref<320000xi32, #tpu.memory_space<hbm>> -> memref<80xi32, #tpu.memory_space<hbm>>
        %dma_start3A_75 = tpu.memref_slice %arg3[%add3A_73] : memref<320000xi32, #tpu.memory_space<hbm>> -> memref<80xi32, #tpu.memory_space<hbm>>
        tpu.enqueue_dma source(%dma_start3A_75 : memref<80xi32, #tpu.memory_space<hbm>>) target(%arg9 : memref<80xi32, #tpu.memory_space<vmem>>) target_semaphore(%arg14 : memref<!tpu.dma_semaphore, #tpu.memory_space<semaphore_mem>>)
        %add3A_76 = arith.constant 3 : i32
        %add3A_77 = arith.addi %mul3A_24, %add3A_76 : i32
        %mul3A_78 = arith.constant 80 : i32
        %mul3A_79 = arith.muli %add3A_77, %mul3A_78 : i32
        %add3A_80 = arith.addi %mul3A_4, %mul3A_79 : i32
        %dma_start3A_81 = tpu.memref_slice %arg4[%add3A_80] : memref<320000xi32, #tpu.memory_space<hbm>> -> memref<80xi32, #tpu.memory_space<hbm>>
        %dma_start3A_82 = tpu.memref_slice %arg4[%add3A_80] : memref<320000xi32, #tpu.memory_space<hbm>> -> memref<80xi32, #tpu.memory_space<hbm>>
        tpu.enqueue_dma source(%dma_start3A_82 : memref<80xi32, #tpu.memory_space<hbm>>) target(%arg10 : memref<80xi32, #tpu.memory_space<vmem>>) target_semaphore(%arg14 : memref<!tpu.dma_semaphore, #tpu.memory_space<semaphore_mem>>)
      } else {
      }
      %add3A_47 = arith.constant 2 : i32
      %add3A_48 = arith.addi %mul3A_24, %add3A_47 : i32
      %mul3A_49 = arith.constant 80 : i32
      %mul3A_50 = arith.muli %add3A_48, %mul3A_49 : i32
      %add3A_51 = arith.addi %mul3A_4, %mul3A_50 : i32
      %dma_wait3A_52 = tpu.memref_slice %arg3[%add3A_51] : memref<320000xi32, #tpu.memory_space<hbm>> -> memref<80xi32, #tpu.memory_space<hbm>>
      %dma_wait3A_53 = tpu.memref_slice %arg3[%add3A_51] : memref<320000xi32, #tpu.memory_space<hbm>> -> memref<80xi32, #tpu.memory_space<hbm>>
      tpu.wait_dma2 semaphore(%arg13 : memref<!tpu.dma_semaphore, #tpu.memory_space<semaphore_mem>>) src(%dma_wait3A_53 : memref<80xi32, #tpu.memory_space<hbm>>) dst(%arg7 : memref<80xi32, #tpu.memory_space<vmem>>)
      %add3A_54 = arith.constant 2 : i32
      %add3A_55 = arith.addi %mul3A_24, %add3A_54 : i32
      %mul3A_56 = arith.constant 80 : i32
      %mul3A_57 = arith.muli %add3A_55, %mul3A_56 : i32
      %add3A_58 = arith.addi %mul3A_4, %mul3A_57 : i32
      %dma_wait3A_59 = tpu.memref_slice %arg4[%add3A_58] : memref<320000xi32, #tpu.memory_space<hbm>> -> memref<80xi32, #tpu.memory_space<hbm>>
      %dma_wait3A_60 = tpu.memref_slice %arg4[%add3A_58] : memref<320000xi32, #tpu.memory_space<hbm>> -> memref<80xi32, #tpu.memory_space<hbm>>
      tpu.wait_dma2 semaphore(%arg13 : memref<!tpu.dma_semaphore, #tpu.memory_space<semaphore_mem>>) src(%dma_wait3A_60 : memref<80xi32, #tpu.memory_space<hbm>>) dst(%arg8 : memref<80xi32, #tpu.memory_space<vmem>>)
      %dma_start3A_61 = arith.constant 0 : i32
      %dma_start3A_62 = arith.constant 0 : i32
      %dma_start3A_63 = tpu.memref_slice %arg2[%dma_start3A_61, %dma_start3A_62] : memref<10000x128xbf16, #tpu.memory_space<hbm>> -> memref<10000x128xbf16, #tpu.memory_space<hbm>>
      tpu.enqueue_indirect_dma source(%dma_start3A_63 : memref<10000x128xbf16, #tpu.memory_space<hbm>>) target(%arg11 : memref<80x128xbf16, #tpu.memory_space<vmem>>) offsets(%arg7 : memref<80xi32, #tpu.memory_space<vmem>>) semaphore(%arg15 : memref<!tpu.dma_semaphore, #tpu.memory_space<semaphore_mem>>)
      %lt3A_64 = arith.constant 61 : i32
      %lt3A_65 = arith.cmpi slt, %scan3A_22, %lt3A_64 : i32
      %convert_element_type3A_66 = arith.extui %lt3A_65 : i1 to i32
      %cond3A_67 = arith.constant 0 : i32
      %cond3A_68 = arith.cmpi ne, %convert_element_type3A_66, %cond3A_67 : i32
      scf.if %cond3A_68 {
        %add3A_69 = arith.constant 3 : i32
        %add3A_70 = arith.addi %mul3A_24, %add3A_69 : i32
        %mul3A_71 = arith.constant 80 : i32
        %mul3A_72 = arith.muli %add3A_70, %mul3A_71 : i32
        %add3A_73 = arith.addi %mul3A_4, %mul3A_72 : i32
        %dma_wait3A_74 = tpu.memref_slice %arg3[%add3A_73] : memref<320000xi32, #tpu.memory_space<hbm>> -> memref<80xi32, #tpu.memory_space<hbm>>
        %dma_wait3A_75 = tpu.memref_slice %arg3[%add3A_73] : memref<320000xi32, #tpu.memory_space<hbm>> -> memref<80xi32, #tpu.memory_space<hbm>>
        tpu.wait_dma2 semaphore(%arg14 : memref<!tpu.dma_semaphore, #tpu.memory_space<semaphore_mem>>) src(%dma_wait3A_75 : memref<80xi32, #tpu.memory_space<hbm>>) dst(%arg9 : memref<80xi32, #tpu.memory_space<vmem>>)
        %add3A_76 = arith.constant 3 : i32
        %add3A_77 = arith.addi %mul3A_24, %add3A_76 : i32
        %mul3A_78 = arith.constant 80 : i32
        %mul3A_79 = arith.muli %add3A_77, %mul3A_78 : i32
        %add3A_80 = arith.addi %mul3A_4, %mul3A_79 : i32
        %dma_wait3A_81 = tpu.memref_slice %arg4[%add3A_80] : memref<320000xi32, #tpu.memory_space<hbm>> -> memref<80xi32, #tpu.memory_space<hbm>>
        %dma_wait3A_82 = tpu.memref_slice %arg4[%add3A_80] : memref<320000xi32, #tpu.memory_space<hbm>> -> memref<80xi32, #tpu.memory_space<hbm>>
        tpu.wait_dma2 semaphore(%arg14 : memref<!tpu.dma_semaphore, #tpu.memory_space<semaphore_mem>>) src(%dma_wait3A_82 : memref<80xi32, #tpu.memory_space<hbm>>) dst(%arg10 : memref<80xi32, #tpu.memory_space<vmem>>)
        %dma_start3A_83 = arith.constant 0 : i32
        %dma_start3A_84 = arith.constant 0 : i32
        %dma_start3A_85 = tpu.memref_slice %arg2[%dma_start3A_83, %dma_start3A_84] : memref<10000x128xbf16, #tpu.memory_space<hbm>> -> memref<10000x128xbf16, #tpu.memory_space<hbm>>
        tpu.enqueue_indirect_dma source(%dma_start3A_85 : memref<10000x128xbf16, #tpu.memory_space<hbm>>) target(%arg12 : memref<80x128xbf16, #tpu.memory_space<vmem>>) offsets(%arg9 : memref<80xi32, #tpu.memory_space<vmem>>) semaphore(%arg16 : memref<!tpu.dma_semaphore, #tpu.memory_space<semaphore_mem>>)
      } else {
      }
    }
    %scan3A_18 = arith.constant 62 : i32
    %dma_wait3A = arith.constant 0 : i32
    %dma_wait3A_19 = arith.constant 0 : i32
    %dma_wait3A_20 = tpu.memref_slice %arg2[%dma_wait3A, %dma_wait3A_19] : memref<10000x128xbf16, #tpu.memory_space<hbm>> -> memref<10000x128xbf16, #tpu.memory_space<hbm>>
    tpu.wait_indirect_dma semaphore(%arg15 : memref<!tpu.dma_semaphore, #tpu.memory_space<semaphore_mem>>) src(%dma_wait3A_20 : memref<10000x128xbf16, #tpu.memory_space<hbm>>) dst(%arg11 : memref<80x128xbf16, #tpu.memory_space<vmem>>)
    "tpu.region"() ({
      %run_scoped3A = tpu.sem_alloc : memref<!tpu.dma_semaphore, #tpu.memory_space<semaphore_mem>>
      %dma_start3A_22 = arith.constant 0 : i32
      %dma_start3A_23 = arith.constant 0 : i32
      %dma_start3A_24 = tpu.memref_slice %arg17[%dma_start3A_22, %dma_start3A_23] : memref<10240x128xbf16, #tpu.memory_space<vmem_shared>> -> memref<10240x128xbf16, #tpu.memory_space<vmem_shared>>
      tpu.enqueue_indirect_dma source(%arg11 : memref<80x128xbf16, #tpu.memory_space<vmem>>) target(%dma_start3A_24 : memref<10240x128xbf16, #tpu.memory_space<vmem_shared>>) offsets(%arg8 : memref<80xi32, #tpu.memory_space<vmem>>) semaphore(%run_scoped3A : memref<!tpu.dma_semaphore, #tpu.memory_space<semaphore_mem>>) {add = true}
      %dma_wait3A_25 = arith.constant 0 : i32
      %dma_wait3A_26 = arith.constant 0 : i32
      %dma_wait3A_27 = tpu.memref_slice %arg17[%dma_wait3A_25, %dma_wait3A_26] : memref<10240x128xbf16, #tpu.memory_space<vmem_shared>> -> memref<10240x128xbf16, #tpu.memory_space<vmem_shared>>
      tpu.wait_indirect_dma semaphore(%run_scoped3A : memref<!tpu.dma_semaphore, #tpu.memory_space<semaphore_mem>>) src(%arg11 : memref<80x128xbf16, #tpu.memory_space<vmem>>) dst(%dma_wait3A_27 : memref<10240x128xbf16, #tpu.memory_space<vmem_shared>>)
      tpu.yield
    }) : () -> ()
    %barrier3A_21 = arith.constant 0 : index
    tpu.barrier barrier_id(%barrier3A_21)
    "tpu.region"() ({
      %run_scoped3A = tpu.sem_alloc : memref<!tpu.dma_semaphore, #tpu.memory_space<semaphore_mem>>
      %dma_start3A_22 = arith.constant 0 : i32
      %dma_start3A_23 = tpu.memref_slice %arg6[%arg0, %mul3A_2, %dma_start3A_22] : memref<2x10240x128xbf16, #tpu.memory_space<hbm>> -> memref<1x640x128xbf16, #tpu.memory_space<hbm>>
      %dma_start3A_24 = tpu.memref_squeeze %dma_start3A_23 : memref<1x640x128xbf16, #tpu.memory_space<hbm>> -> memref<640x128xbf16, #tpu.memory_space<hbm>>
      %dma_start3A_25 = arith.constant 0 : i32
      %dma_start3A_26 = tpu.memref_slice %arg17[%mul3A_2, %dma_start3A_25] : memref<10240x128xbf16, #tpu.memory_space<vmem_shared>> -> memref<640x128xbf16, #tpu.memory_space<vmem_shared>>
      tpu.enqueue_dma source(%dma_start3A_26 : memref<640x128xbf16, #tpu.memory_space<vmem_shared>>) target(%dma_start3A_24 : memref<640x128xbf16, #tpu.memory_space<hbm>>) target_semaphore(%run_scoped3A : memref<!tpu.dma_semaphore, #tpu.memory_space<semaphore_mem>>)
      %dma_wait3A_27 = arith.constant 0 : i32
      %dma_wait3A_28 = tpu.memref_slice %arg6[%arg0, %mul3A_2, %dma_wait3A_27] : memref<2x10240x128xbf16, #tpu.memory_space<hbm>> -> memref<1x640x128xbf16, #tpu.memory_space<hbm>>
      %dma_wait3A_29 = tpu.memref_squeeze %dma_wait3A_28 : memref<1x640x128xbf16, #tpu.memory_space<hbm>> -> memref<640x128xbf16, #tpu.memory_space<hbm>>
      %dma_wait3A_30 = arith.constant 0 : i32
      %dma_wait3A_31 = tpu.memref_slice %arg17[%mul3A_2, %dma_wait3A_30] : memref<10240x128xbf16, #tpu.memory_space<vmem_shared>> -> memref<640x128xbf16, #tpu.memory_space<vmem_shared>>
      tpu.wait_dma2 semaphore(%run_scoped3A : memref<!tpu.dma_semaphore, #tpu.memory_space<semaphore_mem>>) src(%dma_wait3A_31 : memref<640x128xbf16, #tpu.memory_space<vmem_shared>>) dst(%dma_wait3A_29 : memref<640x128xbf16, #tpu.memory_space<hbm>>)
      tpu.yield
    }) : () -> ()
    return
  }
}

#map = affine_map<(d0, d1) -> (0, 0)>
#map1 = affine_map<(d0, d1) -> (0)>
#map2 = affine_map<(d0, d1) -> (0, 0, 0)>
module attributes {stable_mosaic.version = 14 : i64} {
  func.func @_agg_kernel(%arg0: i32, %arg1: i32, %arg2: memref<10000x128xbf16, #tpu.memory_space<hbm>>, %arg3: memref<320000xi32, #tpu.memory_space<hbm>>, %arg4: memref<320000xi32, #tpu.memory_space<hbm>>, %arg5: memref<10240x128xbf16, #tpu.memory_space<hbm>>, %arg6: memref<2x10240x128xbf16, #tpu.memory_space<hbm>>, %arg7: memref<80xi32, #tpu.memory_space<vmem>>, %arg8: memref<80xi32, #tpu.memory_space<vmem>>, %arg9: memref<80xi32, #tpu.memory_space<vmem>>, %arg10: memref<80xi32, #tpu.memory_space<vmem>>, %arg11: memref<80x128xbf16, #tpu.memory_space<vmem>>, %arg12: memref<80x128xbf16, #tpu.memory_space<vmem>>, %arg13: memref<!tpu.dma_semaphore, #tpu.memory_space<semaphore_mem>>, %arg14: memref<!tpu.dma_semaphore, #tpu.memory_space<semaphore_mem>>, %arg15: memref<!tpu.dma_semaphore, #tpu.memory_space<semaphore_mem>>, %arg16: memref<!tpu.dma_semaphore, #tpu.memory_space<semaphore_mem>>, %arg17: memref<10240x128xbf16, #tpu.memory_space<vmem_shared>>) attributes {dimension_semantics = [#tpu.dimension_semantics<core_parallel>, #tpu.dimension_semantics<subcore_parallel>], iteration_bounds = array<i64: 2, 16>, scalar_prefetch = 0 : i64, scratch_operands = 11 : i64, tpu.core_type = #tpu.core_type<sc_vector_subcore>, window_params = [{transform_indices = #map}, {transform_indices = #map1}, {transform_indices = #map1}, {transform_indices = #map}, {transform_indices = #map2}]} {
    %mul3A = arith.constant 2 : i32
    %mul3A_0 = arith.muli %arg1, %mul3A : i32
    %add3A = arith.addi %mul3A_0, %arg0 : i32
    %mul3A_1 = arith.constant 640 : i32
    %mul3A_2 = arith.muli %arg1, %mul3A_1 : i32
    %mul3A_3 = arith.constant 10000 : i32
    %mul3A_4 = arith.muli %add3A, %mul3A_3 : i32
    "tpu.region"() ({
      %run_scoped3A = tpu.sem_alloc : memref<!tpu.dma_semaphore, #tpu.memory_space<semaphore_mem>>
      %dma_start3A_22 = arith.constant 0 : i32
      %dma_start3A_23 = tpu.memref_slice %arg17[%mul3A_2, %dma_start3A_22] : memref<10240x128xbf16, #tpu.memory_space<vmem_shared>> -> memref<640x128xbf16, #tpu.memory_space<vmem_shared>>
      %dma_start3A_24 = arith.constant 0 : i32
      %dma_start3A_25 = tpu.memref_slice %arg5[%mul3A_2, %dma_start3A_24] : memref<10240x128xbf16, #tpu.memory_space<hbm>> -> memref<640x128xbf16, #tpu.memory_space<hbm>>
      tpu.enqueue_dma source(%dma_start3A_25 : memref<640x128xbf16, #tpu.memory_space<hbm>>) target(%dma_start3A_23 : memref<640x128xbf16, #tpu.memory_space<vmem_shared>>) target_semaphore(%run_scoped3A : memref<!tpu.dma_semaphore, #tpu.memory_space<semaphore_mem>>)
      %dma_wait3A_26 = arith.constant 0 : i32
      %dma_wait3A_27 = tpu.memref_slice %arg17[%mul3A_2, %dma_wait3A_26] : memref<10240x128xbf16, #tpu.memory_space<vmem_shared>> -> memref<640x128xbf16, #tpu.memory_space<vmem_shared>>
      %dma_wait3A_28 = arith.constant 0 : i32
      %dma_wait3A_29 = tpu.memref_slice %arg5[%mul3A_2, %dma_wait3A_28] : memref<10240x128xbf16, #tpu.memory_space<hbm>> -> memref<640x128xbf16, #tpu.memory_space<hbm>>
      tpu.wait_dma2 semaphore(%run_scoped3A : memref<!tpu.dma_semaphore, #tpu.memory_space<semaphore_mem>>) src(%dma_wait3A_29 : memref<640x128xbf16, #tpu.memory_space<hbm>>) dst(%dma_wait3A_27 : memref<640x128xbf16, #tpu.memory_space<vmem_shared>>)
      tpu.yield
    }) : () -> ()
    %barrier3A = arith.constant 0 : index
    tpu.barrier barrier_id(%barrier3A)
    "tpu.region"() ({
      %run_scoped3A = tpu.sem_alloc : memref<!tpu.dma_semaphore, #tpu.memory_space<semaphore_mem>>
      %dma_start3A_22 = tpu.memref_slice %arg3[%mul3A_4] : memref<320000xi32, #tpu.memory_space<hbm>> -> memref<80xi32, #tpu.memory_space<hbm>>
      %dma_start3A_23 = tpu.memref_slice %arg3[%mul3A_4] : memref<320000xi32, #tpu.memory_space<hbm>> -> memref<80xi32, #tpu.memory_space<hbm>>
      tpu.enqueue_dma source(%dma_start3A_23 : memref<80xi32, #tpu.memory_space<hbm>>) target(%arg7 : memref<80xi32, #tpu.memory_space<vmem>>) target_semaphore(%run_scoped3A : memref<!tpu.dma_semaphore, #tpu.memory_space<semaphore_mem>>)
      %dma_wait3A_24 = tpu.memref_slice %arg3[%mul3A_4] : memref<320000xi32, #tpu.memory_space<hbm>> -> memref<80xi32, #tpu.memory_space<hbm>>
      %dma_wait3A_25 = tpu.memref_slice %arg3[%mul3A_4] : memref<320000xi32, #tpu.memory_space<hbm>> -> memref<80xi32, #tpu.memory_space<hbm>>
      tpu.wait_dma2 semaphore(%run_scoped3A : memref<!tpu.dma_semaphore, #tpu.memory_space<semaphore_mem>>) src(%dma_wait3A_25 : memref<80xi32, #tpu.memory_space<hbm>>) dst(%arg7 : memref<80xi32, #tpu.memory_space<vmem>>)
      tpu.yield
    }) : () -> ()
    "tpu.region"() ({
      %run_scoped3A = tpu.sem_alloc : memref<!tpu.dma_semaphore, #tpu.memory_space<semaphore_mem>>
      %dma_start3A_22 = tpu.memref_slice %arg4[%mul3A_4] : memref<320000xi32, #tpu.memory_space<hbm>> -> memref<80xi32, #tpu.memory_space<hbm>>
      %dma_start3A_23 = tpu.memref_slice %arg4[%mul3A_4] : memref<320000xi32, #tpu.memory_space<hbm>> -> memref<80xi32, #tpu.memory_space<hbm>>
      tpu.enqueue_dma source(%dma_start3A_23 : memref<80xi32, #tpu.memory_space<hbm>>) target(%arg8 : memref<80xi32, #tpu.memory_space<vmem>>) target_semaphore(%run_scoped3A : memref<!tpu.dma_semaphore, #tpu.memory_space<semaphore_mem>>)
      %dma_wait3A_24 = tpu.memref_slice %arg4[%mul3A_4] : memref<320000xi32, #tpu.memory_space<hbm>> -> memref<80xi32, #tpu.memory_space<hbm>>
      %dma_wait3A_25 = tpu.memref_slice %arg4[%mul3A_4] : memref<320000xi32, #tpu.memory_space<hbm>> -> memref<80xi32, #tpu.memory_space<hbm>>
      tpu.wait_dma2 semaphore(%run_scoped3A : memref<!tpu.dma_semaphore, #tpu.memory_space<semaphore_mem>>) src(%dma_wait3A_25 : memref<80xi32, #tpu.memory_space<hbm>>) dst(%arg8 : memref<80xi32, #tpu.memory_space<vmem>>)
      tpu.yield
    }) : () -> ()
    %dma_start3A = arith.constant 0 : i32
    %dma_start3A_5 = arith.constant 0 : i32
    %dma_start3A_6 = tpu.memref_slice %arg2[%dma_start3A, %dma_start3A_5] : memref<10000x128xbf16, #tpu.memory_space<hbm>> -> memref<10000x128xbf16, #tpu.memory_space<hbm>>
    tpu.enqueue_indirect_dma source(%dma_start3A_6 : memref<10000x128xbf16, #tpu.memory_space<hbm>>) target(%arg11 : memref<80x128xbf16, #tpu.memory_space<vmem>>) offsets(%arg7 : memref<80xi32, #tpu.memory_space<vmem>>) semaphore(%arg15 : memref<!tpu.dma_semaphore, #tpu.memory_space<semaphore_mem>>)
    %add3A_7 = arith.constant 80 : i32
    %add3A_8 = arith.addi %mul3A_4, %add3A_7 : i32
    "tpu.region"() ({
      %run_scoped3A = tpu.sem_alloc : memref<!tpu.dma_semaphore, #tpu.memory_space<semaphore_mem>>
      %dma_start3A_22 = tpu.memref_slice %arg3[%add3A_8] : memref<320000xi32, #tpu.memory_space<hbm>> -> memref<80xi32, #tpu.memory_space<hbm>>
      %dma_start3A_23 = tpu.memref_slice %arg3[%add3A_8] : memref<320000xi32, #tpu.memory_space<hbm>> -> memref<80xi32, #tpu.memory_space<hbm>>
      tpu.enqueue_dma source(%dma_start3A_23 : memref<80xi32, #tpu.memory_space<hbm>>) target(%arg9 : memref<80xi32, #tpu.memory_space<vmem>>) target_semaphore(%run_scoped3A : memref<!tpu.dma_semaphore, #tpu.memory_space<semaphore_mem>>)
      %dma_wait3A_24 = tpu.memref_slice %arg3[%add3A_8] : memref<320000xi32, #tpu.memory_space<hbm>> -> memref<80xi32, #tpu.memory_space<hbm>>
      %dma_wait3A_25 = tpu.memref_slice %arg3[%add3A_8] : memref<320000xi32, #tpu.memory_space<hbm>> -> memref<80xi32, #tpu.memory_space<hbm>>
      tpu.wait_dma2 semaphore(%run_scoped3A : memref<!tpu.dma_semaphore, #tpu.memory_space<semaphore_mem>>) src(%dma_wait3A_25 : memref<80xi32, #tpu.memory_space<hbm>>) dst(%arg9 : memref<80xi32, #tpu.memory_space<vmem>>)
      tpu.yield
    }) : () -> ()
    %add3A_9 = arith.constant 80 : i32
    %add3A_10 = arith.addi %mul3A_4, %add3A_9 : i32
    "tpu.region"() ({
      %run_scoped3A = tpu.sem_alloc : memref<!tpu.dma_semaphore, #tpu.memory_space<semaphore_mem>>
      %dma_start3A_22 = tpu.memref_slice %arg4[%add3A_10] : memref<320000xi32, #tpu.memory_space<hbm>> -> memref<80xi32, #tpu.memory_space<hbm>>
      %dma_start3A_23 = tpu.memref_slice %arg4[%add3A_10] : memref<320000xi32, #tpu.memory_space<hbm>> -> memref<80xi32, #tpu.memory_space<hbm>>
      tpu.enqueue_dma source(%dma_start3A_23 : memref<80xi32, #tpu.memory_space<hbm>>) target(%arg10 : memref<80xi32, #tpu.memory_space<vmem>>) target_semaphore(%run_scoped3A : memref<!tpu.dma_semaphore, #tpu.memory_space<semaphore_mem>>)
      %dma_wait3A_24 = tpu.memref_slice %arg4[%add3A_10] : memref<320000xi32, #tpu.memory_space<hbm>> -> memref<80xi32, #tpu.memory_space<hbm>>
      %dma_wait3A_25 = tpu.memref_slice %arg4[%add3A_10] : memref<320000xi32, #tpu.memory_space<hbm>> -> memref<80xi32, #tpu.memory_space<hbm>>
      tpu.wait_dma2 semaphore(%run_scoped3A : memref<!tpu.dma_semaphore, #tpu.memory_space<semaphore_mem>>) src(%dma_wait3A_25 : memref<80xi32, #tpu.memory_space<hbm>>) dst(%arg10 : memref<80xi32, #tpu.memory_space<vmem>>)
      tpu.yield
    }) : () -> ()
    %dma_start3A_11 = arith.constant 0 : i32
    %dma_start3A_12 = arith.constant 0 : i32
    %dma_start3A_13 = tpu.memref_slice %arg2[%dma_start3A_11, %dma_start3A_12] : memref<10000x128xbf16, #tpu.memory_space<hbm>> -> memref<10000x128xbf16, #tpu.memory_space<hbm>>
    tpu.enqueue_indirect_dma source(%dma_start3A_13 : memref<10000x128xbf16, #tpu.memory_space<hbm>>) target(%arg12 : memref<80x128xbf16, #tpu.memory_space<vmem>>) offsets(%arg9 : memref<80xi32, #tpu.memory_space<vmem>>) semaphore(%arg16 : memref<!tpu.dma_semaphore, #tpu.memory_space<semaphore_mem>>)
    %scan3A = arith.constant 0 : i32
    %scan3A_14 = arith.constant 0 : i32
    %scan3A_15 = arith.constant 62 : i32
    %scan3A_16 = arith.addi %scan3A_14, %scan3A_15 : i32
    %scan3A_17 = arith.constant 1 : i32
    scf.for %scan3A_22 = %scan3A_14 to %scan3A_16 step %scan3A_17  : i32 {
      %mul3A_23 = arith.constant 2 : i32
      %mul3A_24 = arith.muli %mul3A_23, %scan3A_22 : i32
      %dma_wait3A_25 = arith.constant 0 : i32
      %dma_wait3A_26 = arith.constant 0 : i32
      %dma_wait3A_27 = tpu.memref_slice %arg2[%dma_wait3A_25, %dma_wait3A_26] : memref<10000x128xbf16, #tpu.memory_space<hbm>> -> memref<10000x128xbf16, #tpu.memory_space<hbm>>
      tpu.wait_indirect_dma semaphore(%arg15 : memref<!tpu.dma_semaphore, #tpu.memory_space<semaphore_mem>>) src(%dma_wait3A_27 : memref<10000x128xbf16, #tpu.memory_space<hbm>>) dst(%arg11 : memref<80x128xbf16, #tpu.memory_space<vmem>>)
      "tpu.region"() ({
        %run_scoped3A = tpu.sem_alloc : memref<!tpu.dma_semaphore, #tpu.memory_space<semaphore_mem>>
        %dma_start3A_69 = arith.constant 0 : i32
        %dma_start3A_70 = arith.constant 0 : i32
        %dma_start3A_71 = tpu.memref_slice %arg17[%dma_start3A_69, %dma_start3A_70] : memref<10240x128xbf16, #tpu.memory_space<vmem_shared>> -> memref<10240x128xbf16, #tpu.memory_space<vmem_shared>>
        tpu.enqueue_indirect_dma source(%arg11 : memref<80x128xbf16, #tpu.memory_space<vmem>>) target(%dma_start3A_71 : memref<10240x128xbf16, #tpu.memory_space<vmem_shared>>) offsets(%arg8 : memref<80xi32, #tpu.memory_space<vmem>>) semaphore(%run_scoped3A : memref<!tpu.dma_semaphore, #tpu.memory_space<semaphore_mem>>) {add = true}
        %dma_wait3A_72 = arith.constant 0 : i32
        %dma_wait3A_73 = arith.constant 0 : i32
        %dma_wait3A_74 = tpu.memref_slice %arg17[%dma_wait3A_72, %dma_wait3A_73] : memref<10240x128xbf16, #tpu.memory_space<vmem_shared>> -> memref<10240x128xbf16, #tpu.memory_space<vmem_shared>>
        tpu.wait_indirect_dma semaphore(%run_scoped3A : memref<!tpu.dma_semaphore, #tpu.memory_space<semaphore_mem>>) src(%arg11 : memref<80x128xbf16, #tpu.memory_space<vmem>>) dst(%dma_wait3A_74 : memref<10240x128xbf16, #tpu.memory_space<vmem_shared>>)
        tpu.yield
      }) : () -> ()
      %add3A_28 = arith.constant 2 : i32
      %add3A_29 = arith.addi %mul3A_24, %add3A_28 : i32
      %mul3A_30 = arith.constant 80 : i32
      %mul3A_31 = arith.muli %add3A_29, %mul3A_30 : i32
      %add3A_32 = arith.addi %mul3A_4, %mul3A_31 : i32
      %dma_start3A_33 = tpu.memref_slice %arg3[%add3A_32] : memref<320000xi32, #tpu.memory_space<hbm>> -> memref<80xi32, #tpu.memory_space<hbm>>
      %dma_start3A_34 = tpu.memref_slice %arg3[%add3A_32] : memref<320000xi32, #tpu.memory_space<hbm>> -> memref<80xi32, #tpu.memory_space<hbm>>
      tpu.enqueue_dma source(%dma_start3A_34 : memref<80xi32, #tpu.memory_space<hbm>>) target(%arg7 : memref<80xi32, #tpu.memory_space<vmem>>) target_semaphore(%arg13 : memref<!tpu.dma_semaphore, #tpu.memory_space<semaphore_mem>>)
      %add3A_35 = arith.constant 2 : i32
      %add3A_36 = arith.addi %mul3A_24, %add3A_35 : i32
      %mul3A_37 = arith.constant 80 : i32
      %mul3A_38 = arith.muli %add3A_36, %mul3A_37 : i32
      %add3A_39 = arith.addi %mul3A_4, %mul3A_38 : i32
      %dma_start3A_40 = tpu.memref_slice %arg4[%add3A_39] : memref<320000xi32, #tpu.memory_space<hbm>> -> memref<80xi32, #tpu.memory_space<hbm>>
      %dma_start3A_41 = tpu.memref_slice %arg4[%add3A_39] : memref<320000xi32, #tpu.memory_space<hbm>> -> memref<80xi32, #tpu.memory_space<hbm>>
      tpu.enqueue_dma source(%dma_start3A_41 : memref<80xi32, #tpu.memory_space<hbm>>) target(%arg8 : memref<80xi32, #tpu.memory_space<vmem>>) target_semaphore(%arg13 : memref<!tpu.dma_semaphore, #tpu.memory_space<semaphore_mem>>)
      %dma_wait3A_42 = arith.constant 0 : i32
      %dma_wait3A_43 = arith.constant 0 : i32
      %dma_wait3A_44 = tpu.memref_slice %arg2[%dma_wait3A_42, %dma_wait3A_43] : memref<10000x128xbf16, #tpu.memory_space<hbm>> -> memref<10000x128xbf16, #tpu.memory_space<hbm>>
      tpu.wait_indirect_dma semaphore(%arg16 : memref<!tpu.dma_semaphore, #tpu.memory_space<semaphore_mem>>) src(%dma_wait3A_44 : memref<10000x128xbf16, #tpu.memory_space<hbm>>) dst(%arg12 : memref<80x128xbf16, #tpu.memory_space<vmem>>)
      "tpu.region"() ({
        %run_scoped3A = tpu.sem_alloc : memref<!tpu.dma_semaphore, #tpu.memory_space<semaphore_mem>>
        %dma_start3A_69 = arith.constant 0 : i32
        %dma_start3A_70 = arith.constant 0 : i32
        %dma_start3A_71 = tpu.memref_slice %arg17[%dma_start3A_69, %dma_start3A_70] : memref<10240x128xbf16, #tpu.memory_space<vmem_shared>> -> memref<10240x128xbf16, #tpu.memory_space<vmem_shared>>
        tpu.enqueue_indirect_dma source(%arg12 : memref<80x128xbf16, #tpu.memory_space<vmem>>) target(%dma_start3A_71 : memref<10240x128xbf16, #tpu.memory_space<vmem_shared>>) offsets(%arg10 : memref<80xi32, #tpu.memory_space<vmem>>) semaphore(%run_scoped3A : memref<!tpu.dma_semaphore, #tpu.memory_space<semaphore_mem>>) {add = true}
        %dma_wait3A_72 = arith.constant 0 : i32
        %dma_wait3A_73 = arith.constant 0 : i32
        %dma_wait3A_74 = tpu.memref_slice %arg17[%dma_wait3A_72, %dma_wait3A_73] : memref<10240x128xbf16, #tpu.memory_space<vmem_shared>> -> memref<10240x128xbf16, #tpu.memory_space<vmem_shared>>
        tpu.wait_indirect_dma semaphore(%run_scoped3A : memref<!tpu.dma_semaphore, #tpu.memory_space<semaphore_mem>>) src(%arg12 : memref<80x128xbf16, #tpu.memory_space<vmem>>) dst(%dma_wait3A_74 : memref<10240x128xbf16, #tpu.memory_space<vmem_shared>>)
        tpu.yield
      }) : () -> ()
      %lt3A = arith.constant 61 : i32
      %lt3A_45 = arith.cmpi slt, %scan3A_22, %lt3A : i32
      %convert_element_type3A = arith.extui %lt3A_45 : i1 to i32
      %cond3A = arith.constant 0 : i32
      %cond3A_46 = arith.cmpi ne, %convert_element_type3A, %cond3A : i32
      scf.if %cond3A_46 {
        %add3A_69 = arith.constant 3 : i32
        %add3A_70 = arith.addi %mul3A_24, %add3A_69 : i32
        %mul3A_71 = arith.constant 80 : i32
        %mul3A_72 = arith.muli %add3A_70, %mul3A_71 : i32
        %add3A_73 = arith.addi %mul3A_4, %mul3A_72 : i32
        %dma_start3A_74 = tpu.memref_slice %arg3[%add3A_73] : memref<320000xi32, #tpu.memory_space<hbm>> -> memref<80xi32, #tpu.memory_space<hbm>>
        %dma_start3A_75 = tpu.memref_slice %arg3[%add3A_73] : memref<320000xi32, #tpu.memory_space<hbm>> -> memref<80xi32, #tpu.memory_space<hbm>>
        tpu.enqueue_dma source(%dma_start3A_75 : memref<80xi32, #tpu.memory_space<hbm>>) target(%arg9 : memref<80xi32, #tpu.memory_space<vmem>>) target_semaphore(%arg14 : memref<!tpu.dma_semaphore, #tpu.memory_space<semaphore_mem>>)
        %add3A_76 = arith.constant 3 : i32
        %add3A_77 = arith.addi %mul3A_24, %add3A_76 : i32
        %mul3A_78 = arith.constant 80 : i32
        %mul3A_79 = arith.muli %add3A_77, %mul3A_78 : i32
        %add3A_80 = arith.addi %mul3A_4, %mul3A_79 : i32
        %dma_start3A_81 = tpu.memref_slice %arg4[%add3A_80] : memref<320000xi32, #tpu.memory_space<hbm>> -> memref<80xi32, #tpu.memory_space<hbm>>
        %dma_start3A_82 = tpu.memref_slice %arg4[%add3A_80] : memref<320000xi32, #tpu.memory_space<hbm>> -> memref<80xi32, #tpu.memory_space<hbm>>
        tpu.enqueue_dma source(%dma_start3A_82 : memref<80xi32, #tpu.memory_space<hbm>>) target(%arg10 : memref<80xi32, #tpu.memory_space<vmem>>) target_semaphore(%arg14 : memref<!tpu.dma_semaphore, #tpu.memory_space<semaphore_mem>>)
      } else {
      }
      %add3A_47 = arith.constant 2 : i32
      %add3A_48 = arith.addi %mul3A_24, %add3A_47 : i32
      %mul3A_49 = arith.constant 80 : i32
      %mul3A_50 = arith.muli %add3A_48, %mul3A_49 : i32
      %add3A_51 = arith.addi %mul3A_4, %mul3A_50 : i32
      %dma_wait3A_52 = tpu.memref_slice %arg3[%add3A_51] : memref<320000xi32, #tpu.memory_space<hbm>> -> memref<80xi32, #tpu.memory_space<hbm>>
      %dma_wait3A_53 = tpu.memref_slice %arg3[%add3A_51] : memref<320000xi32, #tpu.memory_space<hbm>> -> memref<80xi32, #tpu.memory_space<hbm>>
      tpu.wait_dma2 semaphore(%arg13 : memref<!tpu.dma_semaphore, #tpu.memory_space<semaphore_mem>>) src(%dma_wait3A_53 : memref<80xi32, #tpu.memory_space<hbm>>) dst(%arg7 : memref<80xi32, #tpu.memory_space<vmem>>)
      %add3A_54 = arith.constant 2 : i32
      %add3A_55 = arith.addi %mul3A_24, %add3A_54 : i32
      %mul3A_56 = arith.constant 80 : i32
      %mul3A_57 = arith.muli %add3A_55, %mul3A_56 : i32
      %add3A_58 = arith.addi %mul3A_4, %mul3A_57 : i32
      %dma_wait3A_59 = tpu.memref_slice %arg4[%add3A_58] : memref<320000xi32, #tpu.memory_space<hbm>> -> memref<80xi32, #tpu.memory_space<hbm>>
      %dma_wait3A_60 = tpu.memref_slice %arg4[%add3A_58] : memref<320000xi32, #tpu.memory_space<hbm>> -> memref<80xi32, #tpu.memory_space<hbm>>
      tpu.wait_dma2 semaphore(%arg13 : memref<!tpu.dma_semaphore, #tpu.memory_space<semaphore_mem>>) src(%dma_wait3A_60 : memref<80xi32, #tpu.memory_space<hbm>>) dst(%arg8 : memref<80xi32, #tpu.memory_space<vmem>>)
      %dma_start3A_61 = arith.constant 0 : i32
      %dma_start3A_62 = arith.constant 0 : i32
      %dma_start3A_63 = tpu.memref_slice %arg2[%dma_start3A_61, %dma_start3A_62] : memref<10000x128xbf16, #tpu.memory_space<hbm>> -> memref<10000x128xbf16, #tpu.memory_space<hbm>>
      tpu.enqueue_indirect_dma source(%dma_start3A_63 : memref<10000x128xbf16, #tpu.memory_space<hbm>>) target(%arg11 : memref<80x128xbf16, #tpu.memory_space<vmem>>) offsets(%arg7 : memref<80xi32, #tpu.memory_space<vmem>>) semaphore(%arg15 : memref<!tpu.dma_semaphore, #tpu.memory_space<semaphore_mem>>)
      %lt3A_64 = arith.constant 61 : i32
      %lt3A_65 = arith.cmpi slt, %scan3A_22, %lt3A_64 : i32
      %convert_element_type3A_66 = arith.extui %lt3A_65 : i1 to i32
      %cond3A_67 = arith.constant 0 : i32
      %cond3A_68 = arith.cmpi ne, %convert_element_type3A_66, %cond3A_67 : i32
      scf.if %cond3A_68 {
        %add3A_69 = arith.constant 3 : i32
        %add3A_70 = arith.addi %mul3A_24, %add3A_69 : i32
        %mul3A_71 = arith.constant 80 : i32
        %mul3A_72 = arith.muli %add3A_70, %mul3A_71 : i32
        %add3A_73 = arith.addi %mul3A_4, %mul3A_72 : i32
        %dma_wait3A_74 = tpu.memref_slice %arg3[%add3A_73] : memref<320000xi32, #tpu.memory_space<hbm>> -> memref<80xi32, #tpu.memory_space<hbm>>
        %dma_wait3A_75 = tpu.memref_slice %arg3[%add3A_73] : memref<320000xi32, #tpu.memory_space<hbm>> -> memref<80xi32, #tpu.memory_space<hbm>>
        tpu.wait_dma2 semaphore(%arg14 : memref<!tpu.dma_semaphore, #tpu.memory_space<semaphore_mem>>) src(%dma_wait3A_75 : memref<80xi32, #tpu.memory_space<hbm>>) dst(%arg9 : memref<80xi32, #tpu.memory_space<vmem>>)
        %add3A_76 = arith.constant 3 : i32
        %add3A_77 = arith.addi %mul3A_24, %add3A_76 : i32
        %mul3A_78 = arith.constant 80 : i32
        %mul3A_79 = arith.muli %add3A_77, %mul3A_78 : i32
        %add3A_80 = arith.addi %mul3A_4, %mul3A_79 : i32
        %dma_wait3A_81 = tpu.memref_slice %arg4[%add3A_80] : memref<320000xi32, #tpu.memory_space<hbm>> -> memref<80xi32, #tpu.memory_space<hbm>>
        %dma_wait3A_82 = tpu.memref_slice %arg4[%add3A_80] : memref<320000xi32, #tpu.memory_space<hbm>> -> memref<80xi32, #tpu.memory_space<hbm>>
        tpu.wait_dma2 semaphore(%arg14 : memref<!tpu.dma_semaphore, #tpu.memory_space<semaphore_mem>>) src(%dma_wait3A_82 : memref<80xi32, #tpu.memory_space<hbm>>) dst(%arg10 : memref<80xi32, #tpu.memory_space<vmem>>)
        %dma_start3A_83 = arith.constant 0 : i32
        %dma_start3A_84 = arith.constant 0 : i32
        %dma_start3A_85 = tpu.memref_slice %arg2[%dma_start3A_83, %dma_start3A_84] : memref<10000x128xbf16, #tpu.memory_space<hbm>> -> memref<10000x128xbf16, #tpu.memory_space<hbm>>
        tpu.enqueue_indirect_dma source(%dma_start3A_85 : memref<10000x128xbf16, #tpu.memory_space<hbm>>) target(%arg12 : memref<80x128xbf16, #tpu.memory_space<vmem>>) offsets(%arg9 : memref<80xi32, #tpu.memory_space<vmem>>) semaphore(%arg16 : memref<!tpu.dma_semaphore, #tpu.memory_space<semaphore_mem>>)
      } else {
      }
    }
    %scan3A_18 = arith.constant 62 : i32
    %dma_wait3A = arith.constant 0 : i32
    %dma_wait3A_19 = arith.constant 0 : i32
    %dma_wait3A_20 = tpu.memref_slice %arg2[%dma_wait3A, %dma_wait3A_19] : memref<10000x128xbf16, #tpu.memory_space<hbm>> -> memref<10000x128xbf16, #tpu.memory_space<hbm>>
    tpu.wait_indirect_dma semaphore(%arg15 : memref<!tpu.dma_semaphore, #tpu.memory_space<semaphore_mem>>) src(%dma_wait3A_20 : memref<10000x128xbf16, #tpu.memory_space<hbm>>) dst(%arg11 : memref<80x128xbf16, #tpu.memory_space<vmem>>)
    "tpu.region"() ({
      %run_scoped3A = tpu.sem_alloc : memref<!tpu.dma_semaphore, #tpu.memory_space<semaphore_mem>>
      %dma_start3A_22 = arith.constant 0 : i32
      %dma_start3A_23 = arith.constant 0 : i32
      %dma_start3A_24 = tpu.memref_slice %arg17[%dma_start3A_22, %dma_start3A_23] : memref<10240x128xbf16, #tpu.memory_space<vmem_shared>> -> memref<10240x128xbf16, #tpu.memory_space<vmem_shared>>
      tpu.enqueue_indirect_dma source(%arg11 : memref<80x128xbf16, #tpu.memory_space<vmem>>) target(%dma_start3A_24 : memref<10240x128xbf16, #tpu.memory_space<vmem_shared>>) offsets(%arg8 : memref<80xi32, #tpu.memory_space<vmem>>) semaphore(%run_scoped3A : memref<!tpu.dma_semaphore, #tpu.memory_space<semaphore_mem>>) {add = true}
      %dma_wait3A_25 = arith.constant 0 : i32
      %dma_wait3A_26 = arith.constant 0 : i32
      %dma_wait3A_27 = tpu.memref_slice %arg17[%dma_wait3A_25, %dma_wait3A_26] : memref<10240x128xbf16, #tpu.memory_space<vmem_shared>> -> memref<10240x128xbf16, #tpu.memory_space<vmem_shared>>
      tpu.wait_indirect_dma semaphore(%run_scoped3A : memref<!tpu.dma_semaphore, #tpu.memory_space<semaphore_mem>>) src(%arg11 : memref<80x128xbf16, #tpu.memory_space<vmem>>) dst(%dma_wait3A_27 : memref<10240x128xbf16, #tpu.memory_space<vmem_shared>>)
      tpu.yield
    }) : () -> ()
    %barrier3A_21 = arith.constant 0 : index
    tpu.barrier barrier_id(%barrier3A_21)
    "tpu.region"() ({
      %run_scoped3A = tpu.sem_alloc : memref<!tpu.dma_semaphore, #tpu.memory_space<semaphore_mem>>
      %dma_start3A_22 = arith.constant 0 : i32
      %dma_start3A_23 = tpu.memref_slice %arg6[%arg0, %mul3A_2, %dma_start3A_22] : memref<2x10240x128xbf16, #tpu.memory_space<hbm>> -> memref<1x640x128xbf16, #tpu.memory_space<hbm>>
      %dma_start3A_24 = tpu.memref_squeeze %dma_start3A_23 : memref<1x640x128xbf16, #tpu.memory_space<hbm>> -> memref<640x128xbf16, #tpu.memory_space<hbm>>
      %dma_start3A_25 = arith.constant 0 : i32
      %dma_start3A_26 = tpu.memref_slice %arg17[%mul3A_2, %dma_start3A_25] : memref<10240x128xbf16, #tpu.memory_space<vmem_shared>> -> memref<640x128xbf16, #tpu.memory_space<vmem_shared>>
      tpu.enqueue_dma source(%dma_start3A_26 : memref<640x128xbf16, #tpu.memory_space<vmem_shared>>) target(%dma_start3A_24 : memref<640x128xbf16, #tpu.memory_space<hbm>>) target_semaphore(%run_scoped3A : memref<!tpu.dma_semaphore, #tpu.memory_space<semaphore_mem>>)
      %dma_wait3A_27 = arith.constant 0 : i32
      %dma_wait3A_28 = tpu.memref_slice %arg6[%arg0, %mul3A_2, %dma_wait3A_27] : memref<2x10240x128xbf16, #tpu.memory_space<hbm>> -> memref<1x640x128xbf16, #tpu.memory_space<hbm>>
      %dma_wait3A_29 = tpu.memref_squeeze %dma_wait3A_28 : memref<1x640x128xbf16, #tpu.memory_space<hbm>> -> memref<640x128xbf16, #tpu.memory_space<hbm>>
      %dma_wait3A_30 = arith.constant 0 : i32
      %dma_wait3A_31 = tpu.memref_slice %arg17[%mul3A_2, %dma_wait3A_30] : memref<10240x128xbf16, #tpu.memory_space<vmem_shared>> -> memref<640x128xbf16, #tpu.memory_space<vmem_shared>>
      tpu.wait_dma2 semaphore(%run_scoped3A : memref<!tpu.dma_semaphore, #tpu.memory_space<semaphore_mem>>) src(%dma_wait3A_31 : memref<640x128xbf16, #tpu.memory_space<vmem_shared>>) dst(%dma_wait3A_29 : memref<640x128xbf16, #tpu.memory_space<hbm>>)
      tpu.yield
    }) : () -> ()
    return
  }
}

module attributes {stable_mosaic.version = 14 : i64} {
  func.func @body(%arg0: i32, %arg1: memref<1000x128xf32, #tpu.memory_space<vmem>>, %arg2: memref<1x1x1000x16xf32, #tpu.memory_space<vmem>>, %arg3: memref<1x1x1000x16xf32, #tpu.memory_space<vmem>>, %arg4: memref<128x128xf32, #tpu.memory_space<vmem>>, %arg5: memref<1000x128xbf16, #tpu.memory_space<vmem>>) attributes {dimension_semantics = [#tpu.dimension_semantics<arbitrary>], iteration_bounds = array<i64: 10>, scalar_prefetch = 0 : i64, scratch_operands = 0 : i64, tpu.core_type = #tpu.core_type<tc>, window_params = [{transform_indices = @transform_0, window_bounds = array<i64: 1000, 128>}, {transform_indices = @transform_1, window_bounds = array<i64: 1, 1, 1000, 16>}, {transform_indices = @transform_2, window_bounds = array<i64: 1, 1, 1000, 16>}, {pipeline_mode = #tpu.pipeline_mode<synchronous>, transform_indices = @transform_3, window_bounds = array<i64: 128, 128>}, {transform_indices = @transform_4, window_bounds = array<i64: 1000, 128>}]} {
    %get3A = arith.constant 0 : index
    %get3A_0 = arith.constant 0 : index
    %get3A_1 = arith.constant 0 : index
    %get3A_2 = arith.constant 0 : index
    %get3A_3 = vector.load %arg2[%get3A, %get3A_0, %get3A_1, %get3A_2] : memref<1x1x1000x16xf32, #tpu.memory_space<vmem>>, vector<1x1x1000x16xf32>
    %get3A_4 = vector.shape_cast %get3A_3 : vector<1x1x1000x16xf32> to vector<1000x16xf32>
    %get3A_5 = arith.constant 0 : index
    %get3A_6 = arith.constant 0 : index
    %get3A_7 = arith.constant 0 : index
    %get3A_8 = arith.constant 0 : index
    %get3A_9 = vector.load %arg3[%get3A_5, %get3A_6, %get3A_7, %get3A_8] : memref<1x1x1000x16xf32, #tpu.memory_space<vmem>>, vector<1x1x1000x16xf32>
    %get3A_10 = vector.shape_cast %get3A_9 : vector<1x1x1000x16xf32> to vector<1000x16xf32>
    %add3A = arith.addf %get3A_4, %get3A_10 : vector<1000x16xf32>
    %slice3A = vector.extract_strided_slice %add3A {offsets = [0, 0], sizes = [1000, 1], strides = [1, 1]} : vector<1000x16xf32> to vector<1000x1xf32>
    %gt3A = arith.constant 0.000000e+00 : f32
    %gt3A_11 = vector.broadcast %gt3A : f32 to vector<1000x1xf32>
    %gt3A_12 = arith.cmpf ogt, %slice3A, %gt3A_11 : vector<1000x1xf32>
    %max3A = arith.constant 1.000000e+00 : f32
    %max3A_13 = vector.broadcast %max3A : f32 to vector<1000x1xf32>
    %max3A_14 = arith.maximumf %slice3A, %max3A_13 : vector<1000x1xf32>
    %rsqrt3A = math.rsqrt %max3A_14 : vector<1000x1xf32>
    %jit3A = arith.constant 0.000000e+00 : f32
    %broadcast_in_dim3A = vector.broadcast %jit3A : f32 to vector<1000x1xf32>
    %select_n3A = arith.select %gt3A_12, %rsqrt3A, %broadcast_in_dim3A : vector<1000x1xi1>, vector<1000x1xf32>
    %get3A_15 = arith.constant 0 : index
    %get3A_16 = arith.constant 0 : index
    %get3A_17 = vector.load %arg1[%get3A_15, %get3A_16] : memref<1000x128xf32, #tpu.memory_space<vmem>>, vector<1000x128xf32>
    %mul3A = vector.broadcast %select_n3A : vector<1000x1xf32> to vector<1000x128xf32>
    %mul3A_18 = arith.mulf %get3A_17, %mul3A : vector<1000x128xf32>
    %get3A_19 = arith.constant 0 : index
    %get3A_20 = arith.constant 0 : index
    %get3A_21 = vector.load %arg4[%get3A_19, %get3A_20] : memref<128x128xf32, #tpu.memory_space<vmem>>, vector<128x128xf32>
    %dot_general3A = arith.constant dense<0.000000e+00> : vector<1000x128xf32>
    %dot_general3A_22 = tpu.matmul %mul3A_18, %get3A_21, %dot_general3A {dimension_numbers = #tpu.dot_dimension_numbers<[1], [0], [0], [1], [0, 0, 1, 1], [], []>, transpose_lhs_hint = false} : vector<1000x128xf32>, vector<128x128xf32>, vector<1000x128xf32> -> vector<1000x128xf32>
    %convert_element_type3A = arith.truncf %dot_general3A_22 : vector<1000x128xf32> to vector<1000x128xbf16>
    %swap3A = arith.constant 0 : index
    %swap3A_23 = arith.constant 0 : index
    %swap3A_24 = vector.load %arg5[%swap3A, %swap3A_23] : memref<1000x128xbf16, #tpu.memory_space<vmem>>, vector<1000x128xbf16>
    tpu.vector_store %arg5[%swap3A, %swap3A_23], %convert_element_type3A {strides = array<i32>} : memref<1000x128xbf16, #tpu.memory_space<vmem>>, vector<1000x128xbf16>,
    return
  }
  func.func @transform_0(%arg0: i32) -> (i32, i32) {
    %c0_i32 = arith.constant 0 : i32
    %c0_i32_0 = arith.constant 0 : i32
    return %arg0, %c0_i32 : i32, i32
  }
  func.func @transform_1(%arg0: i32) -> (i32, i32, i32, i32) {
    %c0_i32 = arith.constant 0 : i32
    %c0_i32_0 = arith.constant 0 : i32
    %c0_i32_1 = arith.constant 0 : i32
    %c0_i32_2 = arith.constant 0 : i32
    return %c0_i32, %c0_i32_0, %arg0, %c0_i32_1 : i32, i32, i32, i32
  }
  func.func @transform_2(%arg0: i32) -> (i32, i32, i32, i32) {
    %c1_i32 = arith.constant 1 : i32
    %c0_i32 = arith.constant 0 : i32
    %c0_i32_0 = arith.constant 0 : i32
    %c0_i32_1 = arith.constant 0 : i32
    return %c1_i32, %c0_i32, %arg0, %c0_i32_0 : i32, i32, i32, i32
  }
  func.func @transform_3(%arg0: i32) -> (i32, i32) {
    %c0_i32 = arith.constant 0 : i32
    %c0_i32_0 = arith.constant 0 : i32
    %c0_i32_1 = arith.constant 0 : i32
    return %c0_i32, %c0_i32_0 : i32, i32
  }
  func.func @transform_4(%arg0: i32) -> (i32, i32) {
    %c0_i32 = arith.constant 0 : i32
    %c0_i32_0 = arith.constant 0 : i32
    return %arg0, %c0_i32 : i32, i32
  }
}

module attributes {stable_mosaic.version = 14 : i64} {
  func.func @body(%arg0: i32, %arg1: memref<1x1000x128xbf16, #tpu.memory_space<vmem>>, %arg2: memref<1x1000x128xbf16, #tpu.memory_space<vmem>>, %arg3: memref<1x1x1000x16xf32, #tpu.memory_space<vmem>>, %arg4: memref<1x1x1000x16xf32, #tpu.memory_space<vmem>>, %arg5: memref<1x1x1000x16xf32, #tpu.memory_space<vmem>>, %arg6: memref<1x1x1000x16xf32, #tpu.memory_space<vmem>>, %arg7: memref<1x128xf32, #tpu.memory_space<vmem>>, %arg8: memref<128x128xf32, #tpu.memory_space<vmem>>, %arg9: memref<1000x128xbf16, #tpu.memory_space<vmem>>) attributes {dimension_semantics = [#tpu.dimension_semantics<arbitrary>], iteration_bounds = array<i64: 10>, scalar_prefetch = 0 : i64, scratch_operands = 0 : i64, tpu.core_type = #tpu.core_type<tc>, window_params = [{transform_indices = @transform_0, window_bounds = array<i64: 1, 1000, 128>}, {transform_indices = @transform_1, window_bounds = array<i64: 1, 1000, 128>}, {transform_indices = @transform_2, window_bounds = array<i64: 1, 1, 1000, 16>}, {transform_indices = @transform_3, window_bounds = array<i64: 1, 1, 1000, 16>}, {transform_indices = @transform_4, window_bounds = array<i64: 1, 1, 1000, 16>}, {transform_indices = @transform_5, window_bounds = array<i64: 1, 1, 1000, 16>}, {pipeline_mode = #tpu.pipeline_mode<synchronous>, transform_indices = @transform_6, window_bounds = array<i64: 1, 128>}, {pipeline_mode = #tpu.pipeline_mode<synchronous>, transform_indices = @transform_7, window_bounds = array<i64: 128, 128>}, {transform_indices = @transform_8, window_bounds = array<i64: 1000, 128>}]} {
    %get3A = arith.constant 0 : index
    %get3A_0 = arith.constant 0 : index
    %get3A_1 = arith.constant 0 : index
    %get3A_2 = arith.constant 0 : index
    %get3A_3 = vector.load %arg3[%get3A, %get3A_0, %get3A_1, %get3A_2] : memref<1x1x1000x16xf32, #tpu.memory_space<vmem>>, vector<1x1x1000x16xf32>
    %get3A_4 = vector.shape_cast %get3A_3 : vector<1x1x1000x16xf32> to vector<1000x16xf32>
    %get3A_5 = arith.constant 0 : index
    %get3A_6 = arith.constant 0 : index
    %get3A_7 = arith.constant 0 : index
    %get3A_8 = arith.constant 0 : index
    %get3A_9 = vector.load %arg4[%get3A_5, %get3A_6, %get3A_7, %get3A_8] : memref<1x1x1000x16xf32, #tpu.memory_space<vmem>>, vector<1x1x1000x16xf32>
    %get3A_10 = vector.shape_cast %get3A_9 : vector<1x1x1000x16xf32> to vector<1000x16xf32>
    %add3A = arith.addf %get3A_4, %get3A_10 : vector<1000x16xf32>
    %slice3A = vector.extract_strided_slice %add3A {offsets = [0, 0], sizes = [1000, 1], strides = [1, 1]} : vector<1000x16xf32> to vector<1000x1xf32>
    %gt3A = arith.constant 0.000000e+00 : f32
    %gt3A_11 = vector.broadcast %gt3A : f32 to vector<1000x1xf32>
    %gt3A_12 = arith.cmpf ogt, %slice3A, %gt3A_11 : vector<1000x1xf32>
    %max3A = arith.constant 1.000000e+00 : f32
    %max3A_13 = vector.broadcast %max3A : f32 to vector<1000x1xf32>
    %max3A_14 = arith.maximumf %slice3A, %max3A_13 : vector<1000x1xf32>
    %rsqrt3A = math.rsqrt %max3A_14 : vector<1000x1xf32>
    %jit3A = arith.constant 0.000000e+00 : f32
    %broadcast_in_dim3A = vector.broadcast %jit3A : f32 to vector<1000x1xf32>
    %select_n3A = arith.select %gt3A_12, %rsqrt3A, %broadcast_in_dim3A : vector<1000x1xi1>, vector<1000x1xf32>
    %get3A_15 = arith.constant 0 : index
    %get3A_16 = arith.constant 0 : index
    %get3A_17 = arith.constant 0 : index
    %get3A_18 = arith.constant 0 : index
    %get3A_19 = vector.load %arg5[%get3A_15, %get3A_16, %get3A_17, %get3A_18] : memref<1x1x1000x16xf32, #tpu.memory_space<vmem>>, vector<1x1x1000x16xf32>
    %get3A_20 = vector.shape_cast %get3A_19 : vector<1x1x1000x16xf32> to vector<1000x16xf32>
    %get3A_21 = arith.constant 0 : index
    %get3A_22 = arith.constant 0 : index
    %get3A_23 = arith.constant 0 : index
    %get3A_24 = arith.constant 0 : index
    %get3A_25 = vector.load %arg6[%get3A_21, %get3A_22, %get3A_23, %get3A_24] : memref<1x1x1000x16xf32, #tpu.memory_space<vmem>>, vector<1x1x1000x16xf32>
    %get3A_26 = vector.shape_cast %get3A_25 : vector<1x1x1000x16xf32> to vector<1000x16xf32>
    %add3A_27 = arith.addf %get3A_20, %get3A_26 : vector<1000x16xf32>
    %slice3A_28 = vector.extract_strided_slice %add3A_27 {offsets = [0, 0], sizes = [1000, 1], strides = [1, 1]} : vector<1000x16xf32> to vector<1000x1xf32>
    %gt3A_29 = arith.constant 0.000000e+00 : f32
    %gt3A_30 = vector.broadcast %gt3A_29 : f32 to vector<1000x1xf32>
    %gt3A_31 = arith.cmpf ogt, %slice3A_28, %gt3A_30 : vector<1000x1xf32>
    %max3A_32 = arith.constant 1.000000e+00 : f32
    %max3A_33 = vector.broadcast %max3A_32 : f32 to vector<1000x1xf32>
    %max3A_34 = arith.maximumf %slice3A_28, %max3A_33 : vector<1000x1xf32>
    %rsqrt3A_35 = math.rsqrt %max3A_34 : vector<1000x1xf32>
    %jit3A_36 = arith.constant 0.000000e+00 : f32
    %broadcast_in_dim3A_37 = vector.broadcast %jit3A_36 : f32 to vector<1000x1xf32>
    %select_n3A_38 = arith.select %gt3A_31, %rsqrt3A_35, %broadcast_in_dim3A_37 : vector<1000x1xi1>, vector<1000x1xf32>
    %get3A_39 = arith.constant 0 : index
    %get3A_40 = arith.constant 0 : index
    %get3A_41 = arith.constant 0 : index
    %get3A_42 = vector.load %arg1[%get3A_39, %get3A_40, %get3A_41] : memref<1x1000x128xbf16, #tpu.memory_space<vmem>>, vector<1x1000x128xbf16>
    %get3A_43 = vector.shape_cast %get3A_42 : vector<1x1000x128xbf16> to vector<1000x128xbf16>
    %convert_element_type3A = arith.extf %get3A_43 : vector<1000x128xbf16> to vector<1000x128xf32>
    %get3A_44 = arith.constant 0 : index
    %get3A_45 = arith.constant 0 : index
    %get3A_46 = arith.constant 0 : index
    %get3A_47 = vector.load %arg2[%get3A_44, %get3A_45, %get3A_46] : memref<1x1000x128xbf16, #tpu.memory_space<vmem>>, vector<1x1000x128xbf16>
    %get3A_48 = vector.shape_cast %get3A_47 : vector<1x1000x128xbf16> to vector<1000x128xbf16>
    %convert_element_type3A_49 = arith.extf %get3A_48 : vector<1000x128xbf16> to vector<1000x128xf32>
    %add3A_50 = arith.addf %convert_element_type3A, %convert_element_type3A_49 : vector<1000x128xf32>
    %mul3A = vector.broadcast %select_n3A : vector<1000x1xf32> to vector<1000x128xf32>
    %mul3A_51 = arith.mulf %add3A_50, %mul3A : vector<1000x128xf32>
    %get3A_52 = arith.constant 0 : index
    %get3A_53 = arith.constant 0 : index
    %get3A_54 = vector.load %arg7[%get3A_52, %get3A_53] : memref<1x128xf32, #tpu.memory_space<vmem>>, vector<1x128xf32>
    %add3A_55 = vector.broadcast %get3A_54 : vector<1x128xf32> to vector<1000x128xf32>
    %add3A_56 = arith.addf %mul3A_51, %add3A_55 : vector<1000x128xf32>
    %max3A_57 = arith.constant 0.000000e+00 : f32
    %max3A_58 = vector.broadcast %max3A_57 : f32 to vector<1000x128xf32>
    %max3A_59 = arith.maximumf %add3A_56, %max3A_58 : vector<1000x128xf32>
    %mul3A_60 = vector.broadcast %select_n3A_38 : vector<1000x1xf32> to vector<1000x128xf32>
    %mul3A_61 = arith.mulf %max3A_59, %mul3A_60 : vector<1000x128xf32>
    %get3A_62 = arith.constant 0 : index
    %get3A_63 = arith.constant 0 : index
    %get3A_64 = vector.load %arg8[%get3A_62, %get3A_63] : memref<128x128xf32, #tpu.memory_space<vmem>>, vector<128x128xf32>
    %dot_general3A = arith.constant dense<0.000000e+00> : vector<1000x128xf32>
    %dot_general3A_65 = tpu.matmul %mul3A_61, %get3A_64, %dot_general3A {dimension_numbers = #tpu.dot_dimension_numbers<[1], [0], [0], [1], [0, 0, 1, 1], [], []>, transpose_lhs_hint = false} : vector<1000x128xf32>, vector<128x128xf32>, vector<1000x128xf32> -> vector<1000x128xf32>
    %convert_element_type3A_66 = arith.truncf %dot_general3A_65 : vector<1000x128xf32> to vector<1000x128xbf16>
    %swap3A = arith.constant 0 : index
    %swap3A_67 = arith.constant 0 : index
    %swap3A_68 = vector.load %arg9[%swap3A, %swap3A_67] : memref<1000x128xbf16, #tpu.memory_space<vmem>>, vector<1000x128xbf16>
    tpu.vector_store %arg9[%swap3A, %swap3A_67], %convert_element_type3A_66 {strides = array<i32>} : memref<1000x128xbf16, #tpu.memory_space<vmem>>, vector<1000x128xbf16>,
    return
  }
  func.func @transform_0(%arg0: i32) -> (i32, i32, i32) {
    %c0_i32 = arith.constant 0 : i32
    %c0_i32_0 = arith.constant 0 : i32
    %c0_i32_1 = arith.constant 0 : i32
    return %c0_i32, %arg0, %c0_i32_0 : i32, i32, i32
  }
  func.func @transform_1(%arg0: i32) -> (i32, i32, i32) {
    %c1_i32 = arith.constant 1 : i32
    %c0_i32 = arith.constant 0 : i32
    %c0_i32_0 = arith.constant 0 : i32
    return %c1_i32, %arg0, %c0_i32 : i32, i32, i32
  }
  func.func @transform_2(%arg0: i32) -> (i32, i32, i32, i32) {
    %c0_i32 = arith.constant 0 : i32
    %c1_i32 = arith.constant 1 : i32
    %c0_i32_0 = arith.constant 0 : i32
    %c0_i32_1 = arith.constant 0 : i32
    return %c0_i32, %c1_i32, %arg0, %c0_i32_0 : i32, i32, i32, i32
  }
  func.func @transform_3(%arg0: i32) -> (i32, i32, i32, i32) {
    %c1_i32 = arith.constant 1 : i32
    %c1_i32_0 = arith.constant 1 : i32
    %c0_i32 = arith.constant 0 : i32
    %c0_i32_1 = arith.constant 0 : i32
    return %c1_i32, %c1_i32_0, %arg0, %c0_i32 : i32, i32, i32, i32
  }
  func.func @transform_4(%arg0: i32) -> (i32, i32, i32, i32) {
    %c0_i32 = arith.constant 0 : i32
    %c0_i32_0 = arith.constant 0 : i32
    %c0_i32_1 = arith.constant 0 : i32
    %c0_i32_2 = arith.constant 0 : i32
    return %c0_i32, %c0_i32_0, %arg0, %c0_i32_1 : i32, i32, i32, i32
  }
  func.func @transform_5(%arg0: i32) -> (i32, i32, i32, i32) {
    %c1_i32 = arith.constant 1 : i32
    %c0_i32 = arith.constant 0 : i32
    %c0_i32_0 = arith.constant 0 : i32
    %c0_i32_1 = arith.constant 0 : i32
    return %c1_i32, %c0_i32, %arg0, %c0_i32_0 : i32, i32, i32, i32
  }
  func.func @transform_6(%arg0: i32) -> (i32, i32) {
    %c0_i32 = arith.constant 0 : i32
    %c0_i32_0 = arith.constant 0 : i32
    %c0_i32_1 = arith.constant 0 : i32
    return %c0_i32, %c0_i32_0 : i32, i32
  }
  func.func @transform_7(%arg0: i32) -> (i32, i32) {
    %c0_i32 = arith.constant 0 : i32
    %c0_i32_0 = arith.constant 0 : i32
    %c0_i32_1 = arith.constant 0 : i32
    return %c0_i32, %c0_i32_0 : i32, i32
  }
  func.func @transform_8(%arg0: i32) -> (i32, i32) {
    %c0_i32 = arith.constant 0 : i32
    %c0_i32_0 = arith.constant 0 : i32
    return %arg0, %c0_i32 : i32, i32
  }
}

module attributes {stable_mosaic.version = 14 : i64} {
  func.func @body(%arg0: i32, %arg1: memref<1x1000x128xbf16, #tpu.memory_space<vmem>>, %arg2: memref<1x1000x128xbf16, #tpu.memory_space<vmem>>, %arg3: memref<1x1x1000x16xf32, #tpu.memory_space<vmem>>, %arg4: memref<1x1x1000x16xf32, #tpu.memory_space<vmem>>, %arg5: memref<1x128xf32, #tpu.memory_space<vmem>>, %arg6: memref<128x128xf32, #tpu.memory_space<vmem>>, %arg7: memref<1x128xf32, #tpu.memory_space<vmem>>, %arg8: memref<128x128xf32, #tpu.memory_space<vmem>>, %arg9: memref<1x128xf32, #tpu.memory_space<vmem>>, %arg10: memref<128x16xf32, #tpu.memory_space<vmem>>, %arg11: memref<1x16xf32, #tpu.memory_space<vmem>>, %arg12: memref<1x16xf32, #tpu.memory_space<vmem>>, %arg13: memref<1x128xf32, #tpu.memory_space<vmem>>) attributes {dimension_semantics = [#tpu.dimension_semantics<arbitrary>], iteration_bounds = array<i64: 10>, scalar_prefetch = 0 : i64, scratch_operands = 1 : i64, tpu.core_type = #tpu.core_type<tc>, window_params = [{transform_indices = @transform_0, window_bounds = array<i64: 1, 1000, 128>}, {transform_indices = @transform_1, window_bounds = array<i64: 1, 1000, 128>}, {transform_indices = @transform_2, window_bounds = array<i64: 1, 1, 1000, 16>}, {transform_indices = @transform_3, window_bounds = array<i64: 1, 1, 1000, 16>}, {pipeline_mode = #tpu.pipeline_mode<synchronous>, transform_indices = @transform_4, window_bounds = array<i64: 1, 128>}, {pipeline_mode = #tpu.pipeline_mode<synchronous>, transform_indices = @transform_5, window_bounds = array<i64: 128, 128>}, {pipeline_mode = #tpu.pipeline_mode<synchronous>, transform_indices = @transform_6, window_bounds = array<i64: 1, 128>}, {pipeline_mode = #tpu.pipeline_mode<synchronous>, transform_indices = @transform_7, window_bounds = array<i64: 128, 128>}, {pipeline_mode = #tpu.pipeline_mode<synchronous>, transform_indices = @transform_8, window_bounds = array<i64: 1, 128>}, {pipeline_mode = #tpu.pipeline_mode<synchronous>, transform_indices = @transform_9, window_bounds = array<i64: 128, 16>}, {pipeline_mode = #tpu.pipeline_mode<synchronous>, transform_indices = @transform_10, window_bounds = array<i64: 1, 16>}, {pipeline_mode = #tpu.pipeline_mode<synchronous>, transform_indices = @transform_11, window_bounds = array<i64: 1, 16>}]} {
    %get3A = arith.constant 0 : index
    %get3A_0 = arith.constant 0 : index
    %get3A_1 = arith.constant 0 : index
    %get3A_2 = arith.constant 0 : index
    %get3A_3 = vector.load %arg3[%get3A, %get3A_0, %get3A_1, %get3A_2] : memref<1x1x1000x16xf32, #tpu.memory_space<vmem>>, vector<1x1x1000x16xf32>
    %get3A_4 = vector.shape_cast %get3A_3 : vector<1x1x1000x16xf32> to vector<1000x16xf32>
    %get3A_5 = arith.constant 0 : index
    %get3A_6 = arith.constant 0 : index
    %get3A_7 = arith.constant 0 : index
    %get3A_8 = arith.constant 0 : index
    %get3A_9 = vector.load %arg4[%get3A_5, %get3A_6, %get3A_7, %get3A_8] : memref<1x1x1000x16xf32, #tpu.memory_space<vmem>>, vector<1x1x1000x16xf32>
    %get3A_10 = vector.shape_cast %get3A_9 : vector<1x1x1000x16xf32> to vector<1000x16xf32>
    %add3A = arith.addf %get3A_4, %get3A_10 : vector<1000x16xf32>
    %slice3A = vector.extract_strided_slice %add3A {offsets = [0, 0], sizes = [1000, 1], strides = [1, 1]} : vector<1000x16xf32> to vector<1000x1xf32>
    %gt3A = arith.constant 0.000000e+00 : f32
    %gt3A_11 = vector.broadcast %gt3A : f32 to vector<1000x1xf32>
    %gt3A_12 = arith.cmpf ogt, %slice3A, %gt3A_11 : vector<1000x1xf32>
    %max3A = arith.constant 1.000000e+00 : f32
    %max3A_13 = vector.broadcast %max3A : f32 to vector<1000x1xf32>
    %max3A_14 = arith.maximumf %slice3A, %max3A_13 : vector<1000x1xf32>
    %rsqrt3A = math.rsqrt %max3A_14 : vector<1000x1xf32>
    %jit3A = arith.constant 0.000000e+00 : f32
    %broadcast_in_dim3A = vector.broadcast %jit3A : f32 to vector<1000x1xf32>
    %select_n3A = arith.select %gt3A_12, %rsqrt3A, %broadcast_in_dim3A : vector<1000x1xi1>, vector<1000x1xf32>
    %get3A_15 = arith.constant 0 : index
    %get3A_16 = arith.constant 0 : index
    %get3A_17 = arith.constant 0 : index
    %get3A_18 = vector.load %arg1[%get3A_15, %get3A_16, %get3A_17] : memref<1x1000x128xbf16, #tpu.memory_space<vmem>>, vector<1x1000x128xbf16>
    %get3A_19 = vector.shape_cast %get3A_18 : vector<1x1000x128xbf16> to vector<1000x128xbf16>
    %convert_element_type3A = arith.extf %get3A_19 : vector<1000x128xbf16> to vector<1000x128xf32>
    %get3A_20 = arith.constant 0 : index
    %get3A_21 = arith.constant 0 : index
    %get3A_22 = arith.constant 0 : index
    %get3A_23 = vector.load %arg2[%get3A_20, %get3A_21, %get3A_22] : memref<1x1000x128xbf16, #tpu.memory_space<vmem>>, vector<1x1000x128xbf16>
    %get3A_24 = vector.shape_cast %get3A_23 : vector<1x1000x128xbf16> to vector<1000x128xbf16>
    %convert_element_type3A_25 = arith.extf %get3A_24 : vector<1000x128xbf16> to vector<1000x128xf32>
    %add3A_26 = arith.addf %convert_element_type3A, %convert_element_type3A_25 : vector<1000x128xf32>
    %mul3A = vector.broadcast %select_n3A : vector<1000x1xf32> to vector<1000x128xf32>
    %mul3A_27 = arith.mulf %add3A_26, %mul3A : vector<1000x128xf32>
    %get3A_28 = arith.constant 0 : index
    %get3A_29 = arith.constant 0 : index
    %get3A_30 = vector.load %arg5[%get3A_28, %get3A_29] : memref<1x128xf32, #tpu.memory_space<vmem>>, vector<1x128xf32>
    %add3A_31 = vector.broadcast %get3A_30 : vector<1x128xf32> to vector<1000x128xf32>
    %add3A_32 = arith.addf %mul3A_27, %add3A_31 : vector<1000x128xf32>
    %max3A_33 = arith.constant 0.000000e+00 : f32
    %max3A_34 = vector.broadcast %max3A_33 : f32 to vector<1000x128xf32>
    %max3A_35 = arith.maximumf %add3A_32, %max3A_34 : vector<1000x128xf32>
    %reduce_sum3A = arith.constant dense<0.000000e+00> : vector<128xf32>
    %reduce_sum3A_36 = vector.multi_reduction <add>, %max3A_35, %reduce_sum3A [0] : vector<1000x128xf32> to vector<128xf32>
    %broadcast_in_dim3A_37 = vector.shape_cast %reduce_sum3A_36 : vector<128xf32> to vector<1x128xf32>
    %eq3A = arith.constant 0 : i32
    %eq3A_38 = arith.cmpi eq, %arg0, %eq3A : i32
    %convert_element_type3A_39 = arith.extui %eq3A_38 : i1 to i32
    %cond3A = arith.constant 0 : i32
    %cond3A_40 = arith.cmpi ne, %convert_element_type3A_39, %cond3A : i32
    scf.if %cond3A_40 {
      %swap3A = arith.constant 0 : index
      %swap3A_51 = arith.constant 0 : index
      %swap3A_52 = vector.load %arg13[%swap3A, %swap3A_51] : memref<1x128xf32, #tpu.memory_space<vmem>>, vector<1x128xf32>
      tpu.vector_store %arg13[%swap3A, %swap3A_51], %broadcast_in_dim3A_37 {strides = array<i32>} : memref<1x128xf32, #tpu.memory_space<vmem>>, vector<1x128xf32>,
    } else {
    }
    %gt3A_41 = arith.constant 0 : i32
    %gt3A_42 = arith.cmpi sgt, %arg0, %gt3A_41 : i32
    %convert_element_type3A_43 = arith.extui %gt3A_42 : i1 to i32
    %cond3A_44 = arith.constant 0 : i32
    %cond3A_45 = arith.cmpi ne, %convert_element_type3A_43, %cond3A_44 : i32
    scf.if %cond3A_45 {
      %get3A_51 = arith.constant 0 : index
      %get3A_52 = arith.constant 0 : index
      %get3A_53 = vector.load %arg13[%get3A_51, %get3A_52] : memref<1x128xf32, #tpu.memory_space<vmem>>, vector<1x128xf32>
      %add3A_54 = arith.addf %get3A_53, %broadcast_in_dim3A_37 : vector<1x128xf32>
      %swap3A = arith.constant 0 : index
      %swap3A_55 = arith.constant 0 : index
      %swap3A_56 = vector.load %arg13[%swap3A, %swap3A_55] : memref<1x128xf32, #tpu.memory_space<vmem>>, vector<1x128xf32>
      tpu.vector_store %arg13[%swap3A, %swap3A_55], %add3A_54 {strides = array<i32>} : memref<1x128xf32, #tpu.memory_space<vmem>>, vector<1x128xf32>,
    } else {
    }
    %eq3A_46 = arith.constant 9 : i32
    %eq3A_47 = arith.cmpi eq, %arg0, %eq3A_46 : i32
    %convert_element_type3A_48 = arith.extui %eq3A_47 : i1 to i32
    %cond3A_49 = arith.constant 0 : i32
    %cond3A_50 = arith.cmpi ne, %convert_element_type3A_48, %cond3A_49 : i32
    scf.if %cond3A_50 {
      %get3A_51 = arith.constant 0 : index
      %get3A_52 = arith.constant 0 : index
      %get3A_53 = vector.load %arg13[%get3A_51, %get3A_52] : memref<1x128xf32, #tpu.memory_space<vmem>>, vector<1x128xf32>
      %mul3A_54 = arith.constant 9.99999974E-5 : f32
      %mul3A_55 = vector.broadcast %mul3A_54 : f32 to vector<1x128xf32>
      %mul3A_56 = arith.mulf %get3A_53, %mul3A_55 : vector<1x128xf32>
      %get3A_57 = arith.constant 0 : index
      %get3A_58 = arith.constant 0 : index
      %get3A_59 = vector.load %arg6[%get3A_57, %get3A_58] : memref<128x128xf32, #tpu.memory_space<vmem>>, vector<128x128xf32>
      %dot_general3A = arith.constant dense<0.000000e+00> : vector<1x128xf32>
      %dot_general3A_60 = tpu.matmul %mul3A_56, %get3A_59, %dot_general3A {dimension_numbers = #tpu.dot_dimension_numbers<[1], [0], [0], [1], [0, 0, 1, 1], [], []>, transpose_lhs_hint = false} : vector<1x128xf32>, vector<128x128xf32>, vector<1x128xf32> -> vector<1x128xf32>
      %get3A_61 = arith.constant 0 : index
      %get3A_62 = arith.constant 0 : index
      %get3A_63 = vector.load %arg7[%get3A_61, %get3A_62] : memref<1x128xf32, #tpu.memory_space<vmem>>, vector<1x128xf32>
      %add3A_64 = arith.addf %dot_general3A_60, %get3A_63 : vector<1x128xf32>
      %max3A_65 = arith.constant 0.000000e+00 : f32
      %max3A_66 = vector.broadcast %max3A_65 : f32 to vector<1x128xf32>
      %max3A_67 = arith.maximumf %add3A_64, %max3A_66 : vector<1x128xf32>
      %get3A_68 = arith.constant 0 : index
      %get3A_69 = arith.constant 0 : index
      %get3A_70 = vector.load %arg8[%get3A_68, %get3A_69] : memref<128x128xf32, #tpu.memory_space<vmem>>, vector<128x128xf32>
      %dot_general3A_71 = arith.constant dense<0.000000e+00> : vector<1x128xf32>
      %dot_general3A_72 = tpu.matmul %max3A_67, %get3A_70, %dot_general3A_71 {dimension_numbers = #tpu.dot_dimension_numbers<[1], [0], [0], [1], [0, 0, 1, 1], [], []>, transpose_lhs_hint = false} : vector<1x128xf32>, vector<128x128xf32>, vector<1x128xf32> -> vector<1x128xf32>
      %get3A_73 = arith.constant 0 : index
      %get3A_74 = arith.constant 0 : index
      %get3A_75 = vector.load %arg9[%get3A_73, %get3A_74] : memref<1x128xf32, #tpu.memory_space<vmem>>, vector<1x128xf32>
      %add3A_76 = arith.addf %dot_general3A_72, %get3A_75 : vector<1x128xf32>
      %max3A_77 = arith.constant 0.000000e+00 : f32
      %max3A_78 = vector.broadcast %max3A_77 : f32 to vector<1x128xf32>
      %max3A_79 = arith.maximumf %add3A_76, %max3A_78 : vector<1x128xf32>
      %get3A_80 = arith.constant 0 : index
      %get3A_81 = arith.constant 0 : index
      %get3A_82 = vector.load %arg10[%get3A_80, %get3A_81] : memref<128x16xf32, #tpu.memory_space<vmem>>, vector<128x16xf32>
      %dot_general3A_83 = arith.constant dense<0.000000e+00> : vector<1x16xf32>
      %dot_general3A_84 = tpu.matmul %max3A_79, %get3A_82, %dot_general3A_83 {dimension_numbers = #tpu.dot_dimension_numbers<[1], [0], [0], [1], [0, 0, 1, 1], [], []>, transpose_lhs_hint = false} : vector<1x128xf32>, vector<128x16xf32>, vector<1x16xf32> -> vector<1x16xf32>
      %get3A_85 = arith.constant 0 : index
      %get3A_86 = arith.constant 0 : index
      %get3A_87 = vector.load %arg11[%get3A_85, %get3A_86] : memref<1x16xf32, #tpu.memory_space<vmem>>, vector<1x16xf32>
      %add3A_88 = arith.addf %dot_general3A_84, %get3A_87 : vector<1x16xf32>
      %swap3A = arith.constant 0 : index
      %swap3A_89 = arith.constant 0 : index
      %swap3A_90 = vector.load %arg12[%swap3A, %swap3A_89] : memref<1x16xf32, #tpu.memory_space<vmem>>, vector<1x16xf32>
      tpu.vector_store %arg12[%swap3A, %swap3A_89], %add3A_88 {strides = array<i32>} : memref<1x16xf32, #tpu.memory_space<vmem>>, vector<1x16xf32>,
    } else {
    }
    return
  }
  func.func @transform_0(%arg0: i32) -> (i32, i32, i32) {
    %c0_i32 = arith.constant 0 : i32
    %c0_i32_0 = arith.constant 0 : i32
    %c0_i32_1 = arith.constant 0 : i32
    return %c0_i32, %arg0, %c0_i32_0 : i32, i32, i32
  }
  func.func @transform_1(%arg0: i32) -> (i32, i32, i32) {
    %c1_i32 = arith.constant 1 : i32
    %c0_i32 = arith.constant 0 : i32
    %c0_i32_0 = arith.constant 0 : i32
    return %c1_i32, %arg0, %c0_i32 : i32, i32, i32
  }
  func.func @transform_2(%arg0: i32) -> (i32, i32, i32, i32) {
    %c0_i32 = arith.constant 0 : i32
    %c1_i32 = arith.constant 1 : i32
    %c0_i32_0 = arith.constant 0 : i32
    %c0_i32_1 = arith.constant 0 : i32
    return %c0_i32, %c1_i32, %arg0, %c0_i32_0 : i32, i32, i32, i32
  }
  func.func @transform_3(%arg0: i32) -> (i32, i32, i32, i32) {
    %c1_i32 = arith.constant 1 : i32
    %c1_i32_0 = arith.constant 1 : i32
    %c0_i32 = arith.constant 0 : i32
    %c0_i32_1 = arith.constant 0 : i32
    return %c1_i32, %c1_i32_0, %arg0, %c0_i32 : i32, i32, i32, i32
  }
  func.func @transform_4(%arg0: i32) -> (i32, i32) {
    %c0_i32 = arith.constant 0 : i32
    %c0_i32_0 = arith.constant 0 : i32
    %c0_i32_1 = arith.constant 0 : i32
    return %c0_i32, %c0_i32_0 : i32, i32
  }
  func.func @transform_5(%arg0: i32) -> (i32, i32) {
    %c0_i32 = arith.constant 0 : i32
    %c0_i32_0 = arith.constant 0 : i32
    %c0_i32_1 = arith.constant 0 : i32
    return %c0_i32, %c0_i32_0 : i32, i32
  }
  func.func @transform_6(%arg0: i32) -> (i32, i32) {
    %c0_i32 = arith.constant 0 : i32
    %c0_i32_0 = arith.constant 0 : i32
    %c0_i32_1 = arith.constant 0 : i32
    return %c0_i32, %c0_i32_0 : i32, i32
  }
  func.func @transform_7(%arg0: i32) -> (i32, i32) {
    %c0_i32 = arith.constant 0 : i32
    %c0_i32_0 = arith.constant 0 : i32
    %c0_i32_1 = arith.constant 0 : i32
    return %c0_i32, %c0_i32_0 : i32, i32
  }
  func.func @transform_8(%arg0: i32) -> (i32, i32) {
    %c0_i32 = arith.constant 0 : i32
    %c0_i32_0 = arith.constant 0 : i32
    %c0_i32_1 = arith.constant 0 : i32
    return %c0_i32, %c0_i32_0 : i32, i32
  }
  func.func @transform_9(%arg0: i32) -> (i32, i32) {
    %c0_i32 = arith.constant 0 : i32
    %c0_i32_0 = arith.constant 0 : i32
    %c0_i32_1 = arith.constant 0 : i32
    return %c0_i32, %c0_i32_0 : i32, i32
  }
  func.func @transform_10(%arg0: i32) -> (i32, i32) {
    %c0_i32 = arith.constant 0 : i32
    %c0_i32_0 = arith.constant 0 : i32
    %c0_i32_1 = arith.constant 0 : i32
    return %c0_i32, %c0_i32_0 : i32, i32
  }
  func.func @transform_11(%arg0: i32) -> (i32, i32) {
    %c0_i32 = arith.constant 0 : i32
    %c0_i32_0 = arith.constant 0 : i32
    %c0_i32_1 = arith.constant 0 : i32
    return %c0_i32, %c0_i32_0 : i32, i32
  }
}

</mosaic_0001>

<sc_bundles>
// kernel: kernel.11.cloned.1.call-start
scs
__scs_entry_jumppad:
0x0: {  	(pc) =	sbr.rel $0x88, $3  }
0x1: {  	(tag) =	ssettag $0x0;
	lr =	simm.s32 $0x1  }
0x2: {  	[smem:$0x3F95] =	sst lr;
	_ =	strace $0xD0000000  }
0x3: {  	_ = 	snop  }
0x4: {  	_ = 	snop  }
0x5: {  	_ = 	snop  }
0x6: {  	_ = 	snop  }
0x7: {  	_ = 	snop  }
__scs_overlays_trampoline_lowered:
0x8: {  	[smem:$0x3FA4] =	sst s0  }
0x9: {  	[smem:$0x3FA5] =	sst s1  }
0xa: {  	[smem:$0x3FA6] =	sst s2  }
0xb: {  	[smem:$0x3FA7] =	sst s3  }
0xc: {  	[smem:$0x3FA8] =	sst s4  }
0xd: {  	[smem:$0x3FA9] =	sst s5  }
0xe: {  	[smem:$0x3FAA] =	sst s6  }
0xf: {  	[smem:$0x3FAB] =	sst s7  }
0x10: {  	[smem:$0x3FAC] =	sst s8  }
0x11: {  	[smem:$0x3FAD] =	sst s9;
	s0 =	simm.s32 @!p0 $0x0  }
0x12: {  	s1 =	sld [smem:$0x3F93];
	s0 =	simm.s32 @p0 $0x1  }
0x13: {  	[smem:$0x3FAE] =	sst s0;
	s0 =	simm.s32 @!p1 $0x0  }
0x14: {  	s2 =	sld [smem:$0x3F92];
	s0 =	simm.s32 @p1 $0x1  }
0x15: {  	[smem:$0x3FAF] =	sst s0;
	s0 =	simm.s32 @!p2 $0x0  }
0x16: {  	s3 =	sld [smem:$0x3FDB];
	s0 =	simm.s32 @p2 $0x1  }
0x17: {  	s4 =	simm.s32 $0x1BF5;
	[smem:$0x3FB1] =	sst s0  }
0x18: {  	s0 =	sld [smem:$0x3F94];
	_ =	swait.ge [sflag:s4], $0x0  }
0x19: {  	s7 =	sld [smem:$0x3F95]  }
0x1a: {  	s8 =	sadd.s32 $0xFFFFE003, lr  }
0x1b: {  	s9 =	sadd.s32 $0xFFFFFEF7, lr;
	s5 =	simm.s32 $0xFFFFFFFF;
	p2 =	slt.u32 s8, $0xFFFFF086  }
0x1c: {  	p1 =	slt.u32 s9, $0xF7A;
	s5 =	simm.s32 @!p2 $0x0  }
0x1d: {  	s5 =	simm.s32 @p1 $0x1;
	p0 =	seq.s32 s7, s2  }
0x1e: {  	s7 =	smul.u32 @!p0 $0xF7A, s2;
	p2 =	seq.s32 @!p0 s5, $0x0  }
0x1f: {  	s9 =	smul.u32 $0xF7A, s1;
	s8 =	simm.s32 @!p0 $0x1BF5;
	p2 =	por !p2, p0  }
0x20: {  	[sflag:s8] =	ssyncset.s32 @!p0 $0xFFFFF086;
	s6 =	sadd.s32 @!p0 s3, s7;
	s7 =	simm.s32 @!p0 $0x108  }
0x21: {  	s3 =	sadd.s32 s3, s9;
	s6 =	sadd.s32 @!p0 $0x88, s6;
	s7 =	simm.s32 @p2 $0x1082  }
0x22: {  	[simem:s7], [sflag:s8] =	dma.local @!p0 [hbm:s6], $0xF7A  }
0x23: {  	s9 =	sor.u32 $0xD0000000, s2;
	s6 =	simm.s32 $0x108;
	_ =	swait.ge @!p0 [sflag:s8], $0x0  }
0x24: {  	s3 =	sadd.s32 $0x88, s3;
	s6 =	simm.s32 @!p1 $0x1082;
	[sflag:s4] =	ssyncset.s32 $0xFFFFF086  }
0x25: {  	[simem:s6], [sflag:s4] =	dma.local [hbm:s3], $0xF7A  }
0x26: {  	[smem:$0x3F95] =	sst s1;
	(tag) =	ssettag s2;
	_ =	strace s9  }
0x27: {  	s1 =	sld [smem:$0x3FA5]  }
0x28: {  	s2 =	sld [smem:$0x3FA6]  }
0x29: {  	s4 =	sld [smem:$0x3FA8]  }
0x2a: {  	p0 =	seq.s32 s5, $0x0;
	s5 =	sld [smem:$0x3FA9]  }
0x2b: {  	s6 =	sld [smem:$0x3FAA]  }
0x2c: {  	s7 =	sld [smem:$0x3FAB]  }
0x2d: {  	s3 =	simm.s32 $0x108;
	s8 =	sld [smem:$0x3FAC]  }
0x2e: {  	s3 =	simm.s32 @!p0 $0x1082;
	s9 =	sld [smem:$0x3FAD]  }
0x2f: {  	lr =	sadd.s32 s0, s3;
	s0 =	sld [smem:$0x3FA4]  }
0x30: {  	s3 =	sld [smem:$0x3FA7]  }
0x31: {  	[smem:$0x3FB0] =	sst s10  }
0x32: {  	s10 =	sld [smem:$0x3FAE];
	_ =	sdelay $0x3  }
0x33: {  	p0 =	seq.s32 s10, $0x1;
	s10 =	sld [smem:$0x3FB0];
	_ =	sdelay $0x3  }
0x34: {  	[smem:$0x3FB0] =	sst s10  }
0x35: {  	s10 =	sld [smem:$0x3FAF];
	_ =	sdelay $0x3  }
0x36: {  	p1 =	seq.s32 s10, $0x1;
	s10 =	sld [smem:$0x3FB0];
	_ =	sdelay $0x3  }
0x37: {  	[smem:$0x3FB0] =	sst s10  }
0x38: {  	s10 =	sld [smem:$0x3FB1]  }
0x39: {  	_ = 	snop;
	(pc) =	sbr.ind lr, $3  }
0x3a: {  	_ = 	snop  }
0x3b: {  	_ = 	snop  }
0x3c: {  	p2 =	seq.s32 s10, $0x1;
	s10 =	sld [smem:$0x3FB0]  }
0x3d: {  	_ =	shalt  }
0x3e: {  	_ =	shalt  }
0x3f: {  	_ =	shalt  }
0x40: {  	_ =	shalt  }
0x41: {  	_ =	shalt  }
0x42: {  	_ =	shalt  }
0x43: {  	_ =	shalt  }
0x44: {  	_ =	shalt  }
0x45: {  	_ =	shalt  }
0x46: {  	_ =	shalt  }
0x47: {  	_ =	shalt  }
0x48: {  	_ =	shalt  }
0x49: {  	_ =	shalt  }
0x4a: {  	_ =	shalt  }
0x4b: {  	_ =	shalt  }
0x4c: {  	_ =	shalt  }
0x4d: {  	_ =	shalt  }
0x4e: {  	_ =	shalt  }
0x4f: {  	_ =	shalt  }
0x50: {  	_ =	shalt  }
0x51: {  	_ =	shalt  }
0x52: {  	_ =	shalt  }
0x53: {  	_ =	shalt  }
0x54: {  	_ =	shalt  }
0x55: {  	_ =	shalt  }
0x56: {  	_ =	shalt  }
0x57: {  	_ =	shalt  }
0x58: {  	_ =	shalt  }
0x59: {  	_ =	shalt  }
0x5a: {  	_ =	shalt  }
0x5b: {  	_ =	shalt  }
0x5c: {  	_ =	shalt  }
0x5d: {  	_ =	shalt  }
0x5e: {  	_ =	shalt  }
0x5f: {  	_ =	shalt  }
0x60: {  	_ =	shalt  }
0x61: {  	_ =	shalt  }
0x62: {  	_ =	shalt  }
0x63: {  	_ =	shalt  }
0x64: {  	_ =	shalt  }
0x65: {  	_ =	shalt  }
0x66: {  	_ =	shalt  }
0x67: {  	_ =	shalt  }
0x68: {  	_ =	shalt  }
0x69: {  	_ =	shalt  }
0x6a: {  	_ =	shalt  }
0x6b: {  	_ =	shalt  }
0x6c: {  	_ =	shalt  }
0x6d: {  	_ =	shalt  }
0x6e: {  	_ =	shalt  }
0x6f: {  	_ =	shalt  }
0x70: {  	_ =	shalt  }
0x71: {  	_ =	shalt  }
0x72: {  	_ =	shalt  }
0x73: {  	_ =	shalt  }
0x74: {  	_ =	shalt  }
0x75: {  	_ =	shalt  }
0x76: {  	_ =	shalt  }
0x77: {  	_ =	shalt  }
0x78: {  	_ =	shalt  }
0x79: {  	_ =	shalt  }
0x7a: {  	_ =	shalt  }
0x7b: {  	_ =	shalt  }
0x7c: {  	_ =	shalt  }
0x7d: {  	_ =	shalt  }
0x7e: {  	_ =	shalt  }
0x7f: {  	_ =	shalt  }
0x80: {  	_ =	shalt  }
0x81: {  	_ =	shalt  }
0x82: {  	_ =	shalt  }
0x83: {  	_ =	shalt  }
0x84: {  	_ =	shalt  }
0x85: {  	_ =	shalt  }
0x86: {  	_ =	shalt  }
0x87: {  	_ =	shalt  }
.Lfunc_end0:
.L_simem_size_0:
called_computation.1_lowered:
.L_overlay_start_0:
0x88: {  	s2 =	sld [smem:$0x3FD9]  }
0x89: {  	s3 =	sld [smem:$0x3FFE];
	_ =	sdelay $0x1  }
0x8a: {  	s1 =	srdreg.scid  }
0x8b: {  	s0 =	sand.u32 $0x1, s1  }
0x8c: {  	s16 =	sshll.u32 s0, $0xA;
	s2 =	sadd.s32 s3, s2  }
0x8d: {  	s2 =	sadd.s32 s2, s16  }
0x8e: {  	[smem:$0x3FBC] =	sst s2  }
0x8f: {  	_ = 	snop  }
0x90: {  	(tm) =	ssettm $0x1  }
0x91: {  	s17 =	sld [smem:$0x3FFB];
	_ =	sdelay $0x3  }
0x92: {  	_ =	strace s17  }
0x93: {  	s2 =	sld [smem:$0x3FFC];
	_ =	sdelay $0x3  }
0x94: {  	_ =	strace s2  }
0x95: {  	s2 =	sld [smem:$0x3FFD];
	_ =	sdelay $0x3  }
0x96: {  	_ =	strace s2  }
0x97: {  	_ =	strace $0x8FFFFFFF  }
0x98: {  	s18 =	sld [smem:$0x3FDB];
	_ =	sdelay $0x1  }
0x99: {  	s19 =	simm.s32 $_scs_section_size  }
0x9a: {  	s4 =	simm.s32 $_size__tile_overlayer_lowered;
	s5 =	simm.s32 $_tile_overlayer_lowered  }
0x9b: {  	s22 =	simm.s32 $0x1BFF;
	s21 =	sshll.u32 s5, $0x1;
	s2 =	sadd.s32 s19, s18  }
0x9c: {  	s6 =	simm.s32 $0x0;
	s20 =	sshll.u32 s4, $0x1;
	s4 =	sadd.s32 s21, s2  }
0x9d: {  	[timem:s6], [sflag:s22] =	dma.local [hbm:s4], s20  }
0x9e: {  	_ =	swait.ge [sflag:s22], s20  }
0x9f: {  	s3 =	ssub.s32 $0x0, s20;
	[sflag:s22] =	ssyncset.done $0x0  }
0xa0: {  	[sflag:s22] =	ssyncadd.s32 s3;
	_ =	sdelay $0x1  }
0xa1: {  	s23 =	simm.s32 $0x1B8B  }
0xa2: {  	_ =	swait.ge [sflag:s23], $0x1  }
0xa3: {  	[sflag:s23] =	ssyncset.done $0x0  }
0xa4: {  	s25 =	simm.s32 $0x1B8E;
	s24 =	sld [smem:$0x3FFE];
	[sflag:s23] =	ssyncadd.s32 $0xFFFFFFFF  }
0xa5: {  	s26 =	simm.s32 $execute0_lowered;
	[smem:$0x3FD2] =	sst s25  }
0xa6: {  	s4 =	sshll.u32 s26, $0x1;
	_ =	strace $0x80000049;
	[dreg:$0x1] =	wrdreg $0xFFFFFFFF  }
0xa7: {  	s28 =	simm.s32 $_size_execute0_lowered;
	s2 =	sadd.s32 s2, s4;
	[dreg:$0x0] =	wrdreg $0x0  }
0xa8: {  	s4 =	sshll.u32 s28, $0x1;
	[dreg:$0x2] =	wrdreg s2  }
0xa9: {  	[dreg:$0x3] =	wrdreg s4  }
0xaa: {  	[dreg:$0x4] =	wrdreg $0xC0  }
0xab: {  	_ =	task [dreg:s6], $0x5FFFF  }
0xac: {  	[dreg:$0x1] =	wrdreg $0xFFFFFFFF  }
0xad: {  	[dreg:$0x0] =	wrdreg $0x60  }
0xae: {  	[dreg:$0x2] =	wrdreg s24  }
0xaf: {  	[dreg:$0x3] =	wrdreg $0x29400  }
0xb0: {  	[dreg:$0x4] =	wrdreg $0x9  }
0xb1: {  	_ =	task.clear_ibuf [dreg:s6], $0x5FFFF;
	_ =	strace $0x90000049  }
0xb2: {  	s29 =	simm.s32 $0x9;
	_ =	strace $0x8000004B  }
0xb3: {  	_ =	swait.ge [sflag:s29], $0x1  }
0xb4: {  	[sflag:s29] =	ssyncadd.s32 $0xFFFFFFFF  }
0xb5: {  	_ =	strace $0x9000004B  }
0xb6: {  	_ =	sfence  }
0xb7: {  	s30 =	sld [smem:$0x0];
	_ =	sdelay $0x2  }
0xb8: {  	s31 =	sshll.u32 s1, $0xD;
	s1 =	sshrl.u32 s1, $0x2  }
0xb9: {  	s3 =	sand.u32 $0x4000, s31;
	s1 =	sadd.s32 s1, s30  }
0xba: {  	s0 =	sor.u32 s3, s0;
	s1 =	sshll.u32 s1, $0x11  }
0xbb: {  	s0 =	sor.u32 s1, s0  }
0xbc: {  	s0 =	sadd.s32 $0x8F2B, s0  }
0xbd: {  	[sflag:s0] =	ssyncadd.remote.s32 $0x1  }
0xbe: {  	_ =	sfence.sel $0xFFFF  }
0xbf: {  	[dreg:$0x0] =	wrdreg $0xFFFFFFFF;
	(pc) =	sbr.abs _section_cstart, $3  }
0xc0: {  	[dreg:$0x1] =	wrdreg $0xFFFFFFFF  }
0xc1: {  	_ =	task.clear_ibuf [dreg:s6], $0x2FFFF;
	_ =	strace $0x9FFFFFFF  }
0xc2: {  	(tm) =	ssettm $0x7FFFFFFF  }
0xc3: {  	_ =	shalt  }
tec
execute0_lowered:
.L_overlay_start_1:
0x0: {  	(tag) =	ssettag $0x1  }
0x1: {  	s0 =	rddreg [dreg:$0x0]  }
0x2: {  	s2 =	rddreg [dreg:$0x1]  }
0x3: {  	s12 =	stileid.u32;
	s1 =	srdreg.scid  }
0x4: {  	s3 =	simm.s32 $0x0;
	s28 =	simm.s32 $0x3;
	s29 =	simm.s32 $0x4  }
0x5: {  	s30 =	simm.s32 $0x1;
	s31 =	simm.s32 $0x2;
	s7 =	smul.u32 $0x14000, s12  }
0x6: {  	s1 =	sand.u32 $0x1, s1;
	[smem:$0x7FF] =	sst s3;
	s4 =	sadd.s32 $0x15C00, s0  }
0x7: {  	s5 =	sadd.s32 $0xBE00, s0;
	s6 =	sadd.s32 $0x2000, s0;
	s16 =	smul.u32 $0x4E20, s12  }
0x8: {  	s10 =	sshll.u32 s12, $0x1;
	s19 =	sshll.u32 s12, $0x6;
	s8 =	smul.u32 $0x140000, s1  }
0x9: {  	_ =	strace $0x8000004A;
	s17 =	ssub.s32 $0x2, s1;
	s10 =	sor.u32 s1, s10  }
0xa: {  	s1 =	smul.u32 $0x2710, s1;
	s9 =	sshrl.u32 s7, $0x4;
	s11 =	sshrl.u32 s17, $0x1  }
0xb: {  	s10 =	smul.u32 $0x2710, s10;
	s8 =	sadd.s32 s7, s8;
	s9 =	sadd.s32 s9, s0  }
0xc: {  	s7 =	sshrl.u32 s7, $0x1;
	s14 =	ssub.s32 s17, s11;
	s24 =	sadd.s32 s1, s16  }
0xd: {  	s8 =	sshrl.u32 s8, $0x4;
	s7 =	sadd.s32 s7, s2;
	s18 =	sadd.s32 $0x2EC00, s9  }
0xe: {  	s15 =	sshrl.u32 s10, $0x3;
	s14 =	smax.u32 s14, $0x1;
	s17 =	sadd.s32 $0xF0, s24  }
0xf: {  	s0 =	sadd.s32 s8, s0;
	[dreg:$0x3] =	wrdreg s18;
	s8 =	sor.u32 $0x1C05, s19  }
0x10: {  	s20 =	sadd.s32 $0xA, s15;
	s21 =	sadd.s32 s5, s15;
	s22 =	sadd.s32 s6, s15  }
0x11: {  	s25 =	sadd.s32 $0x4D8, s15;
	s26 =	sshrl.u32 s17, $0x3;
	[dreg:$0x4] =	wrdreg s21  }
0x12: {  	s19 =	sadd.s32 $0xA0, s24;
	s24 =	simm.s32 $0xA0;
	[dreg:$0x5] =	wrdreg s22  }
0x13: {  	s23 =	sadd.s32 s5, s20;
	s12 =	sadd.s32 s6, s20;
	s13 =	sadd.s32 $0xE2C00, s0  }
0x14: {  	s15 =	sadd.s32 s5, s25;
	s16 =	sadd.s32 s6, s25;
	s17 =	sadd.s32 s26, s6  }
0x15: {  	s18 =	sadd.s32 s26, s5;
	s20 =	sshrl.u32 s7, $0x3;
	s21 =	simm.s32 $0x5  }
0x16: {  	s22 =	simm.s32 $0x50;
	s25 =	simm.s32 $0xF0;
	s26 =	simm.s32 $0x1540  }
0x17: {  	s0 =	simm.s32 $0x0;
	[dreg:$0x6] =	wrdreg s23;
	s23 =	simm.s32 $0x140  }
.LBB2_1:
0x18: {  	s1 =	rddreg [dreg:$0x3]  }
0x19: {  	[spmem:s20], [sflag:s8] =	dma.local [hbm:s1], $0x1400  }
0x1a: {  	_ =	swait.ge [sflag:s21], $0x1400  }
0x1b: {  	[sflag:s21] =	ssyncset.done $0x0  }
0x1c: {  	[sflag:s21] =	ssyncadd.s32 $0xFFFFEC00  }
0x1d: {  	[bflag:$0x0] =	sbarrier.arrive $0xFFFF  }
0x1e: {  	s10 =	rddreg [dreg:$0x4]  }
0x1f: {  	[tilespmem:s3], [sflag:$0x5] =	stream.linear.gather [hbm4b:s10+s3], $0x50, $0x38;
	[tilespmem:$0xC940] =	vst v63  }
0x20: {  	_ =	swait.ge [sflag:s21], $0x50  }
0x21: {  	[sflag:s21] =	ssyncset.done $0x0  }
0x22: {  	s11 =	rddreg [dreg:$0x5];
	[sflag:s21] =	ssyncadd.s32 $0xFFFFFFB0  }
0x23: {  	[tilespmem:s22], [sflag:$0x5] =	stream.linear.gather [hbm4b:s11+s3], $0x50, $0x38;
	[tilespmem:$0xC940] =	vst v63  }
0x24: {  	_ =	swait.ge [sflag:s21], $0x50  }
0x25: {  	[sflag:s21] =	ssyncset.done $0x0  }
0x26: {  	[sflag:s21] =	ssyncadd.s32 $0xFFFFFFB0  }
0x27: {  	[tilespmem:s23], [sflag:$0x3] =	stream.indirect.gather [hbm4b:s4+s22], $0x40, s3, s22, $0xb8;
	[tilespmem:$0xC940] =	vst v63  }
0x28: {  	s7 =	rddreg [dreg:$0x6]  }
0x29: {  	[tilespmem:s24], [sflag:$0x5] =	stream.linear.gather [hbm4b:s7+s3], $0x50, $0x38;
	[tilespmem:$0xC940] =	vst v63  }
0x2a: {  	_ =	swait.ge [sflag:s21], $0x50  }
0x2b: {  	[sflag:s21] =	ssyncset.done $0x0  }
0x2c: {  	[sflag:s21] =	ssyncadd.s32 $0xFFFFFFB0  }
0x2d: {  	[tilespmem:s25], [sflag:$0x5] =	stream.linear.gather [hbm4b:s12+s3], $0x50, $0x38;
	[tilespmem:$0xC940] =	vst v63  }
0x2e: {  	_ =	swait.ge [sflag:s21], $0x50  }
0x2f: {  	[sflag:s21] =	ssyncset.done $0x0  }
0x30: {  	[sflag:s21] =	ssyncadd.s32 $0xFFFFFFB0  }
0x31: {  	[tilespmem:s26], [sflag:$0x4] =	stream.indirect.gather [hbm4b:s4+s22], $0x40, s24, s22, $0xb8;
	[tilespmem:$0xC940] =	vst v63  }
0x32: {  	_ =	swait.ge [sflag:s28], $0x1400  }
0x33: {  	[sflag:s28] =	ssyncset.done $0x0  }
0x34: {  	[sflag:s28] =	ssyncadd.s32 $0xFFFFEC00  }
0x35: {  	[spmem:s2] =	stream.indirect.scatter.add.bf16 [tilespmem:s23], [sflag:$0x5], $0x40, s22, s22, $0xb8;
	[tilespmem:$0xC940] =	vst v63  }
0x36: {  	_ =	swait.ge [sflag:s21], $0x1400  }
0x37: {  	s9 =	sshrl.u32 s19, $0x3;
	[sflag:s21] =	ssyncset.done $0x0  }
0x38: {  	s7 =	sadd.s32 s5, s9;
	[sflag:s21] =	ssyncadd.s32 $0xFFFFEC00  }
0x39: {  	[tilespmem:s3], [sflag:$0x1] =	stream.linear.gather [hbm4b:s7+s3], $0x50, $0x38;
	[tilespmem:$0xC940] =	vst v63  }
0x3a: {  	s1 =	sadd.s32 s6, s9  }
0x3b: {  	[tilespmem:s22], [sflag:$0x1] =	stream.linear.gather [hbm4b:s1+s3], $0x50, $0x38;
	[tilespmem:$0xC940] =	vst v63  }
0x3c: {  	_ =	swait.ge [sflag:s29], $0x1400  }
0x3d: {  	[sflag:s29] =	ssyncset.done $0x0  }
0x3e: {  	[sflag:s29] =	ssyncadd.s32 $0xFFFFEC00  }
0x3f: {  	[spmem:s2] =	stream.indirect.scatter.add.bf16 [tilespmem:s26], [sflag:$0x5], $0x40, s25, s22, $0xb8;
	[tilespmem:$0xC940] =	vst v63  }
0x40: {  	_ =	swait.ge [sflag:s21], $0x1400  }
0x41: {  	[sflag:s21] =	ssyncset.done $0x0  }
0x42: {  	s10 =	sadd.s32 $0x0, s18;
	[sflag:s21] =	ssyncadd.s32 $0xFFFFEC00  }
0x43: {  	[tilespmem:s24], [sflag:$0x2] =	stream.linear.gather [hbm4b:s10+s3], $0x50, $0x38;
	[tilespmem:$0xC940] =	vst v63  }
0x44: {  	s11 =	sadd.s32 $0x0, s17  }
0x45: {  	[tilespmem:s25], [sflag:$0x2] =	stream.linear.gather [hbm4b:s11+s3], $0x50, $0x38;
	[tilespmem:$0xC940] =	vst v63  }
0x46: {  	_ =	swait.ge [sflag:s30], $0x50  }
0x47: {  	[sflag:s30] =	ssyncset.done $0x0  }
0x48: {  	[sflag:s30] =	ssyncadd.s32 $0xFFFFFFB0  }
0x49: {  	_ =	swait.ge [sflag:s30], $0x50  }
0x4a: {  	[sflag:s30] =	ssyncset.done $0x0  }
0x4b: {  	[sflag:s30] =	ssyncadd.s32 $0xFFFFFFB0  }
0x4c: {  	[tilespmem:s23], [sflag:$0x3] =	stream.indirect.gather [hbm4b:s4+s22], $0x40, s3, s22, $0xb8;
	[tilespmem:$0xC940] =	vst v63  }
0x4d: {  	_ =	swait.ge [sflag:s31], $0x50  }
0x4e: {  	[sflag:s31] =	ssyncset.done $0x0  }
0x4f: {  	[sflag:s31] =	ssyncadd.s32 $0xFFFFFFB0  }
0x50: {  	_ =	swait.ge [sflag:s31], $0x50  }
0x51: {  	[sflag:s31] =	ssyncset.done $0x0  }
0x52: {  	s7 =	sadd.s32 $0xA0, s19;
	s1 =	simm.s32 $0x14;
	[sflag:s31] =	ssyncadd.s32 $0xFFFFFFB0  }
.LBB2_2:
0x53: {  	[tilespmem:s26], [sflag:$0x4] =	stream.indirect.gather [hbm4b:s4+s22], $0x40, s24, s22, $0xb8;
	[tilespmem:$0xC940] =	vst v63  }
0x54: {  	s9 =	smov.u32 s1  }
0x55: {  	p0 =	sne.s32 s1, $0x4B0;
	s1 =	sadd.s32 $0x14, s1;
	_ =	swait.ge [sflag:s28], $0x1400  }
0x56: {  	[sflag:s28] =	ssyncset.done $0x0  }
0x57: {  	[sflag:s28] =	ssyncadd.s32 $0xFFFFEC00  }
0x58: {  	[spmem:s2] =	stream.indirect.scatter.add.bf16 [tilespmem:s23], [sflag:$0x5], $0x40, s22, s22, $0xb8;
	[tilespmem:$0xC940] =	vst v63  }
0x59: {  	_ =	swait.ge [sflag:s21], $0x1400  }
0x5a: {  	s10 =	sshrl.u32 s7, $0x3;
	[sflag:s21] =	ssyncset.done $0x0  }
0x5b: {  	s11 =	sadd.s32 s5, s10;
	[sflag:s21] =	ssyncadd.s32 $0xFFFFEC00  }
0x5c: {  	[tilespmem:s3], [sflag:$0x1] =	stream.linear.gather [hbm4b:s11+s3], $0x50, $0x38;
	[tilespmem:$0xC940] =	vst v63  }
0x5d: {  	s10 =	sadd.s32 s6, s10  }
0x5e: {  	[tilespmem:s22], [sflag:$0x1] =	stream.linear.gather [hbm4b:s10+s3], $0x50, $0x38;
	[tilespmem:$0xC940] =	vst v63  }
0x5f: {  	_ =	swait.ge [sflag:s29], $0x1400  }
0x60: {  	[sflag:s29] =	ssyncset.done $0x0  }
0x61: {  	[sflag:s29] =	ssyncadd.s32 $0xFFFFEC00  }
0x62: {  	[spmem:s2] =	stream.indirect.scatter.add.bf16 [tilespmem:s26], [sflag:$0x5], $0x40, s25, s22, $0xb8;
	[tilespmem:$0xC940] =	vst v63  }
0x63: {  	_ =	swait.ge [sflag:s21], $0x1400  }
0x64: {  	[sflag:s21] =	ssyncset.done $0x0  }
0x65: {  	s10 =	sadd.s32 s9, s18;
	[sflag:s21] =	ssyncadd.s32 $0xFFFFEC00  }
0x66: {  	[tilespmem:s24], [sflag:$0x2] =	stream.linear.gather [hbm4b:s10+s3], $0x50, $0x38;
	[tilespmem:$0xC940] =	vst v63  }
0x67: {  	s9 =	sadd.s32 s9, s17  }
0x68: {  	[tilespmem:s25], [sflag:$0x2] =	stream.linear.gather [hbm4b:s9+s3], $0x50, $0x38;
	[tilespmem:$0xC940] =	vst v63  }
0x69: {  	_ =	swait.ge [sflag:s30], $0x50  }
0x6a: {  	[sflag:s30] =	ssyncset.done $0x0  }
0x6b: {  	[sflag:s30] =	ssyncadd.s32 $0xFFFFFFB0  }
0x6c: {  	_ =	swait.ge [sflag:s30], $0x50  }
0x6d: {  	[sflag:s30] =	ssyncset.done $0x0  }
0x6e: {  	[sflag:s30] =	ssyncadd.s32 $0xFFFFFFB0  }
0x6f: {  	[tilespmem:s23], [sflag:$0x3] =	stream.indirect.gather [hbm4b:s4+s22], $0x40, s3, s22, $0xb8;
	[tilespmem:$0xC940] =	vst v63  }
0x70: {  	_ =	swait.ge [sflag:s31], $0x50  }
.Ltmp0:
0x71: {  	[sflag:s31] =	ssyncset.done $0x0;
	(pc) =	sbr.rel @p0 .LBB2_2-.Ltmp0, $4  }
0x72: {  	[sflag:s31] =	ssyncadd.s32 $0xFFFFFFB0  }
0x73: {  	_ =	swait.ge [sflag:s31], $0x50  }
0x74: {  	[sflag:s31] =	ssyncset.done $0x0  }
0x75: {  	s7 =	sadd.s32 $0xA0, s7;
	[sflag:s31] =	ssyncadd.s32 $0xFFFFFFB0  }
0x76: {  	[tilespmem:s26], [sflag:$0x4] =	stream.indirect.gather [hbm4b:s4+s22], $0x40, s24, s22, $0xb8;
	[tilespmem:$0xC940] =	vst v63  }
0x77: {  	_ =	swait.ge [sflag:s28], $0x1400  }
0x78: {  	[sflag:s28] =	ssyncset.done $0x0  }
0x79: {  	[sflag:s28] =	ssyncadd.s32 $0xFFFFEC00  }
0x7a: {  	[spmem:s2] =	stream.indirect.scatter.add.bf16 [tilespmem:s23], [sflag:$0x5], $0x40, s22, s22, $0xb8;
	[tilespmem:$0xC940] =	vst v63  }
0x7b: {  	_ =	swait.ge [sflag:s21], $0x1400  }
0x7c: {  	[sflag:s21] =	ssyncset.done $0x0  }
0x7d: {  	[sflag:s21] =	ssyncadd.s32 $0xFFFFEC00  }
0x7e: {  	[tilespmem:s3], [sflag:$0x1] =	stream.linear.gather [hbm4b:s15+s3], $0x50, $0x38;
	[tilespmem:$0xC940] =	vst v63  }
0x7f: {  	_ = 	snop  }
0x80: {  	[tilespmem:s22], [sflag:$0x1] =	stream.linear.gather [hbm4b:s16+s3], $0x50, $0x38;
	[tilespmem:$0xC940] =	vst v63  }
0x81: {  	_ =	swait.ge [sflag:s29], $0x1400  }
0x82: {  	[sflag:s29] =	ssyncset.done $0x0  }
0x83: {  	[sflag:s29] =	ssyncadd.s32 $0xFFFFEC00  }
0x84: {  	[spmem:s2] =	stream.indirect.scatter.add.bf16 [tilespmem:s26], [sflag:$0x5], $0x40, s25, s22, $0xb8;
	[tilespmem:$0xC940] =	vst v63  }
0x85: {  	_ =	swait.ge [sflag:s21], $0x1400  }
0x86: {  	[sflag:s21] =	ssyncset.done $0x0  }
0x87: {  	[sflag:s21] =	ssyncadd.s32 $0xFFFFEC00  }
0x88: {  	_ =	swait.ge [sflag:s30], $0x50  }
0x89: {  	[sflag:s30] =	ssyncset.done $0x0  }
0x8a: {  	[sflag:s30] =	ssyncadd.s32 $0xFFFFFFB0  }
0x8b: {  	_ =	swait.ge [sflag:s30], $0x50  }
0x8c: {  	[sflag:s30] =	ssyncset.done $0x0  }
0x8d: {  	[sflag:s30] =	ssyncadd.s32 $0xFFFFFFB0  }
0x8e: {  	[tilespmem:s23], [sflag:$0x3] =	stream.indirect.gather [hbm4b:s4+s22], $0x40, s3, s22, $0xb8;
	[tilespmem:$0xC940] =	vst v63  }
0x8f: {  	_ =	swait.ge [sflag:s28], $0x1400  }
0x90: {  	[sflag:s28] =	ssyncset.done $0x0  }
0x91: {  	[sflag:s28] =	ssyncadd.s32 $0xFFFFEC00  }
0x92: {  	[spmem:s2] =	stream.indirect.scatter.add.bf16 [tilespmem:s23], [sflag:$0x5], $0x40, s22, s22, $0xb8;
	[tilespmem:$0xC940] =	vst v63  }
0x93: {  	_ =	swait.ge [sflag:s21], $0x1400  }
0x94: {  	s0 =	sadd.s32 $0x1, s0;
	[sflag:s21] =	ssyncset.done $0x0  }
0x95: {  	p0 =	sne.s32 s0, s14;
	[sflag:s21] =	ssyncadd.s32 $0xFFFFEC00  }
.Ltmp1:
0x96: {  	[bflag:$0x0] =	sbarrier.arrive $0xFFFF;
	(pc) =	sbr.rel @p0 .LBB2_1-.Ltmp1, $4  }
0x97: {  	[hbm:s13], [sflag:s8] =	dma.local [spmem:s20], $0x1400  }
0x98: {  	_ =	swait.ge [sflag:s21], $0x1400  }
0x99: {  	[sflag:s21] =	ssyncset.done $0x0  }
0x9a: {  	[sflag:s21] =	ssyncadd.s32 $0xFFFFEC00  }
0x9b: {  	_ =	sfence.sel $0x180000  }
0x9c: {  	[bflag:$0x0] =	sbarrier.arrive $0xFFFF  }
0x9d: {  	_ =	strace $0x9000004A  }
0x9e: {  	s0 =	stileid.u32;
	[bflag:$0x2] =	sbarrier.arrive $0xFFFF  }
0x9f: {  	p0 =	sne.s32 s0, $0x0;
	s0 =	rddreg [dreg:$0x2]  }
0xa0: {  	s0 =	sadd.s32 @!p0 $0x100000, s0  }
0xa1: {  	[sflag:s0] =	ssyncadd.tile.s32 @!p0 $0x1;
	_ =	shalt  }
.Lfunc_end2:
_tile_overlayer_lowered:
.L_overlay_start_2:
0xa2: {  	(tag) =	ssettag $0x2  }
0xa3: {  	s0 =	rddreg [dreg:$0x0];
	s2 =	stileid.u32  }
0xa4: {  	s1 =	rddreg [dreg:$0x1];
	p0 =	sne.s32 s2, $0x0  }
0xa5: {  	s3 =	rddreg [dreg:$0x2];
	[bflag:$0x3] =	sbarrier.arrive $0xFFFF;
	s2 =	simm.s32 @!p0 $0x1C05  }
0xa6: {  	[timem:s3], [sflag:s2] =	dma.local @!p0 [hbm:s0], s1  }
0xa7: {  	s0 =	simm.s32 @!p0 $0x5  }
0xa8: {  	_ =	swait.ge @!p0 [sflag:s0], s1  }
0xa9: {  	s1 =	ssub.s32 @!p0 $0x0, s1;
	[sflag:s0] =	ssyncset.done @!p0 $0x0  }
0xaa: {  	[sflag:s0] =	ssyncadd.s32 @!p0 s1  }
0xab: {  	[bflag:$0x3] =	sbarrier.arrive $0xFFFF  }
0xac: {  	_ =	shalt  }

// kernel: kernel.14.cloned.1.call-start
scs
__scs_entry_jumppad:
0x0: {  	(pc) =	sbr.rel $0x88, $3  }
0x1: {  	(tag) =	ssettag $0x0;
	lr =	simm.s32 $0x1  }
0x2: {  	[smem:$0x3F95] =	sst lr;
	_ =	strace $0xD0000000  }
0x3: {  	_ = 	snop  }
0x4: {  	_ = 	snop  }
0x5: {  	_ = 	snop  }
0x6: {  	_ = 	snop  }
0x7: {  	_ = 	snop  }
__scs_overlays_trampoline_lowered:
0x8: {  	[smem:$0x3FA4] =	sst s0  }
0x9: {  	[smem:$0x3FA5] =	sst s1  }
0xa: {  	[smem:$0x3FA6] =	sst s2  }
0xb: {  	[smem:$0x3FA7] =	sst s3  }
0xc: {  	[smem:$0x3FA8] =	sst s4  }
0xd: {  	[smem:$0x3FA9] =	sst s5  }
0xe: {  	[smem:$0x3FAA] =	sst s6  }
0xf: {  	[smem:$0x3FAB] =	sst s7  }
0x10: {  	[smem:$0x3FAC] =	sst s8  }
0x11: {  	[smem:$0x3FAD] =	sst s9;
	s0 =	simm.s32 @!p0 $0x0  }
0x12: {  	s1 =	sld [smem:$0x3F93];
	s0 =	simm.s32 @p0 $0x1  }
0x13: {  	[smem:$0x3FAE] =	sst s0;
	s0 =	simm.s32 @!p1 $0x0  }
0x14: {  	s2 =	sld [smem:$0x3F92];
	s0 =	simm.s32 @p1 $0x1  }
0x15: {  	[smem:$0x3FAF] =	sst s0;
	s0 =	simm.s32 @!p2 $0x0  }
0x16: {  	s3 =	sld [smem:$0x3FDB];
	s0 =	simm.s32 @p2 $0x1  }
0x17: {  	s4 =	simm.s32 $0x1BF5;
	[smem:$0x3FB1] =	sst s0  }
0x18: {  	s0 =	sld [smem:$0x3F94];
	_ =	swait.ge [sflag:s4], $0x0  }
0x19: {  	s7 =	sld [smem:$0x3F95]  }
0x1a: {  	s8 =	sadd.s32 $0xFFFFE003, lr  }
0x1b: {  	s9 =	sadd.s32 $0xFFFFFEF7, lr;
	s5 =	simm.s32 $0xFFFFFFFF;
	p2 =	slt.u32 s8, $0xFFFFF086  }
0x1c: {  	p1 =	slt.u32 s9, $0xF7A;
	s5 =	simm.s32 @!p2 $0x0  }
0x1d: {  	s5 =	simm.s32 @p1 $0x1;
	p0 =	seq.s32 s7, s2  }
0x1e: {  	s7 =	smul.u32 @!p0 $0xF7A, s2;
	p2 =	seq.s32 @!p0 s5, $0x0  }
0x1f: {  	s9 =	smul.u32 $0xF7A, s1;
	s8 =	simm.s32 @!p0 $0x1BF5;
	p2 =	por !p2, p0  }
0x20: {  	[sflag:s8] =	ssyncset.s32 @!p0 $0xFFFFF086;
	s6 =	sadd.s32 @!p0 s3, s7;
	s7 =	simm.s32 @!p0 $0x108  }
0x21: {  	s3 =	sadd.s32 s3, s9;
	s6 =	sadd.s32 @!p0 $0x88, s6;
	s7 =	simm.s32 @p2 $0x1082  }
0x22: {  	[simem:s7], [sflag:s8] =	dma.local @!p0 [hbm:s6], $0xF7A  }
0x23: {  	s9 =	sor.u32 $0xD0000000, s2;
	s6 =	simm.s32 $0x108;
	_ =	swait.ge @!p0 [sflag:s8], $0x0  }
0x24: {  	s3 =	sadd.s32 $0x88, s3;
	s6 =	simm.s32 @!p1 $0x1082;
	[sflag:s4] =	ssyncset.s32 $0xFFFFF086  }
0x25: {  	[simem:s6], [sflag:s4] =	dma.local [hbm:s3], $0xF7A  }
0x26: {  	[smem:$0x3F95] =	sst s1;
	(tag) =	ssettag s2;
	_ =	strace s9  }
0x27: {  	s1 =	sld [smem:$0x3FA5]  }
0x28: {  	s2 =	sld [smem:$0x3FA6]  }
0x29: {  	s4 =	sld [smem:$0x3FA8]  }
0x2a: {  	p0 =	seq.s32 s5, $0x0;
	s5 =	sld [smem:$0x3FA9]  }
0x2b: {  	s6 =	sld [smem:$0x3FAA]  }
0x2c: {  	s7 =	sld [smem:$0x3FAB]  }
0x2d: {  	s3 =	simm.s32 $0x108;
	s8 =	sld [smem:$0x3FAC]  }
0x2e: {  	s3 =	simm.s32 @!p0 $0x1082;
	s9 =	sld [smem:$0x3FAD]  }
0x2f: {  	lr =	sadd.s32 s0, s3;
	s0 =	sld [smem:$0x3FA4]  }
0x30: {  	s3 =	sld [smem:$0x3FA7]  }
0x31: {  	[smem:$0x3FB0] =	sst s10  }
0x32: {  	s10 =	sld [smem:$0x3FAE];
	_ =	sdelay $0x3  }
0x33: {  	p0 =	seq.s32 s10, $0x1;
	s10 =	sld [smem:$0x3FB0];
	_ =	sdelay $0x3  }
0x34: {  	[smem:$0x3FB0] =	sst s10  }
0x35: {  	s10 =	sld [smem:$0x3FAF];
	_ =	sdelay $0x3  }
0x36: {  	p1 =	seq.s32 s10, $0x1;
	s10 =	sld [smem:$0x3FB0];
	_ =	sdelay $0x3  }
0x37: {  	[smem:$0x3FB0] =	sst s10  }
0x38: {  	s10 =	sld [smem:$0x3FB1]  }
0x39: {  	_ = 	snop;
	(pc) =	sbr.ind lr, $3  }
0x3a: {  	_ = 	snop  }
0x3b: {  	_ = 	snop  }
0x3c: {  	p2 =	seq.s32 s10, $0x1;
	s10 =	sld [smem:$0x3FB0]  }
0x3d: {  	_ =	shalt  }
0x3e: {  	_ =	shalt  }
0x3f: {  	_ =	shalt  }
0x40: {  	_ =	shalt  }
0x41: {  	_ =	shalt  }
0x42: {  	_ =	shalt  }
0x43: {  	_ =	shalt  }
0x44: {  	_ =	shalt  }
0x45: {  	_ =	shalt  }
0x46: {  	_ =	shalt  }
0x47: {  	_ =	shalt  }
0x48: {  	_ =	shalt  }
0x49: {  	_ =	shalt  }
0x4a: {  	_ =	shalt  }
0x4b: {  	_ =	shalt  }
0x4c: {  	_ =	shalt  }
0x4d: {  	_ =	shalt  }
0x4e: {  	_ =	shalt  }
0x4f: {  	_ =	shalt  }
0x50: {  	_ =	shalt  }
0x51: {  	_ =	shalt  }
0x52: {  	_ =	shalt  }
0x53: {  	_ =	shalt  }
0x54: {  	_ =	shalt  }
0x55: {  	_ =	shalt  }
0x56: {  	_ =	shalt  }
0x57: {  	_ =	shalt  }
0x58: {  	_ =	shalt  }
0x59: {  	_ =	shalt  }
0x5a: {  	_ =	shalt  }
0x5b: {  	_ =	shalt  }
0x5c: {  	_ =	shalt  }
0x5d: {  	_ =	shalt  }
0x5e: {  	_ =	shalt  }
0x5f: {  	_ =	shalt  }
0x60: {  	_ =	shalt  }
0x61: {  	_ =	shalt  }
0x62: {  	_ =	shalt  }
0x63: {  	_ =	shalt  }
0x64: {  	_ =	shalt  }
0x65: {  	_ =	shalt  }
0x66: {  	_ =	shalt  }
0x67: {  	_ =	shalt  }
0x68: {  	_ =	shalt  }
0x69: {  	_ =	shalt  }
0x6a: {  	_ =	shalt  }
0x6b: {  	_ =	shalt  }
0x6c: {  	_ =	shalt  }
0x6d: {  	_ =	shalt  }
0x6e: {  	_ =	shalt  }
0x6f: {  	_ =	shalt  }
0x70: {  	_ =	shalt  }
0x71: {  	_ =	shalt  }
0x72: {  	_ =	shalt  }
0x73: {  	_ =	shalt  }
0x74: {  	_ =	shalt  }
0x75: {  	_ =	shalt  }
0x76: {  	_ =	shalt  }
0x77: {  	_ =	shalt  }
0x78: {  	_ =	shalt  }
0x79: {  	_ =	shalt  }
0x7a: {  	_ =	shalt  }
0x7b: {  	_ =	shalt  }
0x7c: {  	_ =	shalt  }
0x7d: {  	_ =	shalt  }
0x7e: {  	_ =	shalt  }
0x7f: {  	_ =	shalt  }
0x80: {  	_ =	shalt  }
0x81: {  	_ =	shalt  }
0x82: {  	_ =	shalt  }
0x83: {  	_ =	shalt  }
0x84: {  	_ =	shalt  }
0x85: {  	_ =	shalt  }
0x86: {  	_ =	shalt  }
0x87: {  	_ =	shalt  }
.Lfunc_end0:
.L_simem_size_0:
called_computation.2_lowered:
.L_overlay_start_0:
0x88: {  	s2 =	sld [smem:$0x3FD9]  }
0x89: {  	s3 =	sld [smem:$0x3FFE];
	_ =	sdelay $0x1  }
0x8a: {  	s1 =	srdreg.scid  }
0x8b: {  	s0 =	sand.u32 $0x1, s1  }
0x8c: {  	s16 =	sshll.u32 s0, $0xA;
	s2 =	sadd.s32 s3, s2  }
0x8d: {  	s2 =	sadd.s32 s2, s16  }
0x8e: {  	[smem:$0x3FBC] =	sst s2  }
0x8f: {  	_ = 	snop  }
0x90: {  	(tm) =	ssettm $0x1  }
0x91: {  	s17 =	sld [smem:$0x3FFB];
	_ =	sdelay $0x3  }
0x92: {  	_ =	strace s17  }
0x93: {  	s2 =	sld [smem:$0x3FFC];
	_ =	sdelay $0x3  }
0x94: {  	_ =	strace s2  }
0x95: {  	s2 =	sld [smem:$0x3FFD];
	_ =	sdelay $0x3  }
0x96: {  	_ =	strace s2  }
0x97: {  	_ =	strace $0x8FFFFFFF  }
0x98: {  	s18 =	sld [smem:$0x3FDB];
	_ =	sdelay $0x1  }
0x99: {  	s19 =	simm.s32 $_scs_section_size  }
0x9a: {  	s4 =	simm.s32 $_size__tile_overlayer_lowered;
	s5 =	simm.s32 $_tile_overlayer_lowered  }
0x9b: {  	s22 =	simm.s32 $0x1BFF;
	s21 =	sshll.u32 s5, $0x1;
	s2 =	sadd.s32 s19, s18  }
0x9c: {  	s6 =	simm.s32 $0x0;
	s20 =	sshll.u32 s4, $0x1;
	s4 =	sadd.s32 s21, s2  }
0x9d: {  	[timem:s6], [sflag:s22] =	dma.local [hbm:s4], s20  }
0x9e: {  	_ =	swait.ge [sflag:s22], s20  }
0x9f: {  	s3 =	ssub.s32 $0x0, s20;
	[sflag:s22] =	ssyncset.done $0x0  }
0xa0: {  	[sflag:s22] =	ssyncadd.s32 s3;
	_ =	sdelay $0x1  }
0xa1: {  	s23 =	simm.s32 $0x1B8B  }
0xa2: {  	_ =	swait.ge [sflag:s23], $0x1  }
0xa3: {  	[sflag:s23] =	ssyncset.done $0x0  }
0xa4: {  	s25 =	simm.s32 $0x1B8E;
	s24 =	sld [smem:$0x3FFE];
	[sflag:s23] =	ssyncadd.s32 $0xFFFFFFFF  }
0xa5: {  	s26 =	simm.s32 $execute0_lowered;
	[smem:$0x3FD2] =	sst s25  }
0xa6: {  	s4 =	sshll.u32 s26, $0x1;
	_ =	strace $0x8000004C;
	[dreg:$0x1] =	wrdreg $0xFFFFFFFF  }
0xa7: {  	s28 =	simm.s32 $_size_execute0_lowered;
	s2 =	sadd.s32 s2, s4;
	[dreg:$0x0] =	wrdreg $0x0  }
0xa8: {  	s4 =	sshll.u32 s28, $0x1;
	[dreg:$0x2] =	wrdreg s2  }
0xa9: {  	[dreg:$0x3] =	wrdreg s4  }
0xaa: {  	[dreg:$0x4] =	wrdreg $0xC0  }
0xab: {  	_ =	task [dreg:s6], $0x5FFFF  }
0xac: {  	[dreg:$0x1] =	wrdreg $0xFFFFFFFF  }
0xad: {  	[dreg:$0x0] =	wrdreg $0x60  }
0xae: {  	[dreg:$0x2] =	wrdreg s24  }
0xaf: {  	[dreg:$0x3] =	wrdreg $0x29400  }
0xb0: {  	[dreg:$0x4] =	wrdreg $0x9  }
0xb1: {  	_ =	task.clear_ibuf [dreg:s6], $0x5FFFF;
	_ =	strace $0x9000004C  }
0xb2: {  	s29 =	simm.s32 $0x9;
	_ =	strace $0x8000004E  }
0xb3: {  	_ =	swait.ge [sflag:s29], $0x1  }
0xb4: {  	[sflag:s29] =	ssyncadd.s32 $0xFFFFFFFF  }
0xb5: {  	_ =	strace $0x9000004E  }
0xb6: {  	_ =	sfence  }
0xb7: {  	s30 =	sld [smem:$0x0];
	_ =	sdelay $0x2  }
0xb8: {  	s31 =	sshll.u32 s1, $0xD;
	s1 =	sshrl.u32 s1, $0x2  }
0xb9: {  	s3 =	sand.u32 $0x4000, s31;
	s1 =	sadd.s32 s1, s30  }
0xba: {  	s0 =	sor.u32 s3, s0;
	s1 =	sshll.u32 s1, $0x11  }
0xbb: {  	s0 =	sor.u32 s1, s0  }
0xbc: {  	s0 =	sadd.s32 $0x8F2B, s0  }
0xbd: {  	[sflag:s0] =	ssyncadd.remote.s32 $0x1  }
0xbe: {  	_ =	sfence.sel $0xFFFF  }
0xbf: {  	[dreg:$0x0] =	wrdreg $0xFFFFFFFF;
	(pc) =	sbr.abs _section_cstart, $3  }
0xc0: {  	[dreg:$0x1] =	wrdreg $0xFFFFFFFF  }
0xc1: {  	_ =	task.clear_ibuf [dreg:s6], $0x2FFFF;
	_ =	strace $0x9FFFFFFF  }
0xc2: {  	(tm) =	ssettm $0x7FFFFFFF  }
0xc3: {  	_ =	shalt  }
tec
execute0_lowered:
.L_overlay_start_1:
0x0: {  	(tag) =	ssettag $0x1  }
0x1: {  	s0 =	rddreg [dreg:$0x0]  }
0x2: {  	s2 =	rddreg [dreg:$0x1]  }
0x3: {  	s12 =	stileid.u32;
	s1 =	srdreg.scid  }
0x4: {  	s3 =	simm.s32 $0x0;
	s28 =	simm.s32 $0x3;
	s29 =	simm.s32 $0x4  }
0x5: {  	s30 =	simm.s32 $0x1;
	s31 =	simm.s32 $0x2;
	s7 =	smul.u32 $0x14000, s12  }
0x6: {  	s1 =	sand.u32 $0x1, s1;
	[smem:$0x7FF] =	sst s3;
	s4 =	sadd.s32 $0x15C00, s0  }
0x7: {  	s5 =	sadd.s32 $0xBE00, s0;
	s6 =	sadd.s32 $0x2000, s0;
	s16 =	smul.u32 $0x4E20, s12  }
0x8: {  	s10 =	sshll.u32 s12, $0x1;
	s19 =	sshll.u32 s12, $0x6;
	s8 =	smul.u32 $0x140000, s1  }
0x9: {  	_ =	strace $0x8000004D;
	s17 =	ssub.s32 $0x2, s1;
	s10 =	sor.u32 s1, s10  }
0xa: {  	s1 =	smul.u32 $0x2710, s1;
	s9 =	sshrl.u32 s7, $0x4;
	s11 =	sshrl.u32 s17, $0x1  }
0xb: {  	s10 =	smul.u32 $0x2710, s10;
	s8 =	sadd.s32 s7, s8;
	s9 =	sadd.s32 s9, s0  }
0xc: {  	s7 =	sshrl.u32 s7, $0x1;
	s14 =	ssub.s32 s17, s11;
	s24 =	sadd.s32 s1, s16  }
0xd: {  	s8 =	sshrl.u32 s8, $0x4;
	s7 =	sadd.s32 s7, s2;
	s18 =	sadd.s32 $0x2EC00, s9  }
0xe: {  	s15 =	sshrl.u32 s10, $0x3;
	s14 =	smax.u32 s14, $0x1;
	s17 =	sadd.s32 $0xF0, s24  }
0xf: {  	s0 =	sadd.s32 s8, s0;
	[dreg:$0x3] =	wrdreg s18;
	s8 =	sor.u32 $0x1C05, s19  }
0x10: {  	s20 =	sadd.s32 $0xA, s15;
	s21 =	sadd.s32 s5, s15;
	s22 =	sadd.s32 s6, s15  }
0x11: {  	s25 =	sadd.s32 $0x4D8, s15;
	s26 =	sshrl.u32 s17, $0x3;
	[dreg:$0x4] =	wrdreg s21  }
0x12: {  	s19 =	sadd.s32 $0xA0, s24;
	s24 =	simm.s32 $0xA0;
	[dreg:$0x5] =	wrdreg s22  }
0x13: {  	s23 =	sadd.s32 s5, s20;
	s12 =	sadd.s32 s6, s20;
	s13 =	sadd.s32 $0xE2C00, s0  }
0x14: {  	s15 =	sadd.s32 s5, s25;
	s16 =	sadd.s32 s6, s25;
	s17 =	sadd.s32 s26, s6  }
0x15: {  	s18 =	sadd.s32 s26, s5;
	s20 =	sshrl.u32 s7, $0x3;
	s21 =	simm.s32 $0x5  }
0x16: {  	s22 =	simm.s32 $0x50;
	s25 =	simm.s32 $0xF0;
	s26 =	simm.s32 $0x1540  }
0x17: {  	s0 =	simm.s32 $0x0;
	[dreg:$0x6] =	wrdreg s23;
	s23 =	simm.s32 $0x140  }
.LBB2_1:
0x18: {  	s1 =	rddreg [dreg:$0x3]  }
0x19: {  	[spmem:s20], [sflag:s8] =	dma.local [hbm:s1], $0x1400  }
0x1a: {  	_ =	swait.ge [sflag:s21], $0x1400  }
0x1b: {  	[sflag:s21] =	ssyncset.done $0x0  }
0x1c: {  	[sflag:s21] =	ssyncadd.s32 $0xFFFFEC00  }
0x1d: {  	[bflag:$0x0] =	sbarrier.arrive $0xFFFF  }
0x1e: {  	s10 =	rddreg [dreg:$0x4]  }
0x1f: {  	[tilespmem:s3], [sflag:$0x5] =	stream.linear.gather [hbm4b:s10+s3], $0x50, $0x38;
	[tilespmem:$0xC940] =	vst v63  }
0x20: {  	_ =	swait.ge [sflag:s21], $0x50  }
0x21: {  	[sflag:s21] =	ssyncset.done $0x0  }
0x22: {  	s11 =	rddreg [dreg:$0x5];
	[sflag:s21] =	ssyncadd.s32 $0xFFFFFFB0  }
0x23: {  	[tilespmem:s22], [sflag:$0x5] =	stream.linear.gather [hbm4b:s11+s3], $0x50, $0x38;
	[tilespmem:$0xC940] =	vst v63  }
0x24: {  	_ =	swait.ge [sflag:s21], $0x50  }
0x25: {  	[sflag:s21] =	ssyncset.done $0x0  }
0x26: {  	[sflag:s21] =	ssyncadd.s32 $0xFFFFFFB0  }
0x27: {  	[tilespmem:s23], [sflag:$0x3] =	stream.indirect.gather [hbm4b:s4+s22], $0x40, s3, s22, $0xb8;
	[tilespmem:$0xC940] =	vst v63  }
0x28: {  	s7 =	rddreg [dreg:$0x6]  }
0x29: {  	[tilespmem:s24], [sflag:$0x5] =	stream.linear.gather [hbm4b:s7+s3], $0x50, $0x38;
	[tilespmem:$0xC940] =	vst v63  }
0x2a: {  	_ =	swait.ge [sflag:s21], $0x50  }
0x2b: {  	[sflag:s21] =	ssyncset.done $0x0  }
0x2c: {  	[sflag:s21] =	ssyncadd.s32 $0xFFFFFFB0  }
0x2d: {  	[tilespmem:s25], [sflag:$0x5] =	stream.linear.gather [hbm4b:s12+s3], $0x50, $0x38;
	[tilespmem:$0xC940] =	vst v63  }
0x2e: {  	_ =	swait.ge [sflag:s21], $0x50  }
0x2f: {  	[sflag:s21] =	ssyncset.done $0x0  }
0x30: {  	[sflag:s21] =	ssyncadd.s32 $0xFFFFFFB0  }
0x31: {  	[tilespmem:s26], [sflag:$0x4] =	stream.indirect.gather [hbm4b:s4+s22], $0x40, s24, s22, $0xb8;
	[tilespmem:$0xC940] =	vst v63  }
0x32: {  	_ =	swait.ge [sflag:s28], $0x1400  }
0x33: {  	[sflag:s28] =	ssyncset.done $0x0  }
0x34: {  	[sflag:s28] =	ssyncadd.s32 $0xFFFFEC00  }
0x35: {  	[spmem:s2] =	stream.indirect.scatter.add.bf16 [tilespmem:s23], [sflag:$0x5], $0x40, s22, s22, $0xb8;
	[tilespmem:$0xC940] =	vst v63  }
0x36: {  	_ =	swait.ge [sflag:s21], $0x1400  }
0x37: {  	s9 =	sshrl.u32 s19, $0x3;
	[sflag:s21] =	ssyncset.done $0x0  }
0x38: {  	s7 =	sadd.s32 s5, s9;
	[sflag:s21] =	ssyncadd.s32 $0xFFFFEC00  }
0x39: {  	[tilespmem:s3], [sflag:$0x1] =	stream.linear.gather [hbm4b:s7+s3], $0x50, $0x38;
	[tilespmem:$0xC940] =	vst v63  }
0x3a: {  	s1 =	sadd.s32 s6, s9  }
0x3b: {  	[tilespmem:s22], [sflag:$0x1] =	stream.linear.gather [hbm4b:s1+s3], $0x50, $0x38;
	[tilespmem:$0xC940] =	vst v63  }
0x3c: {  	_ =	swait.ge [sflag:s29], $0x1400  }
0x3d: {  	[sflag:s29] =	ssyncset.done $0x0  }
0x3e: {  	[sflag:s29] =	ssyncadd.s32 $0xFFFFEC00  }
0x3f: {  	[spmem:s2] =	stream.indirect.scatter.add.bf16 [tilespmem:s26], [sflag:$0x5], $0x40, s25, s22, $0xb8;
	[tilespmem:$0xC940] =	vst v63  }
0x40: {  	_ =	swait.ge [sflag:s21], $0x1400  }
0x41: {  	[sflag:s21] =	ssyncset.done $0x0  }
0x42: {  	s10 =	sadd.s32 $0x0, s18;
	[sflag:s21] =	ssyncadd.s32 $0xFFFFEC00  }
0x43: {  	[tilespmem:s24], [sflag:$0x2] =	stream.linear.gather [hbm4b:s10+s3], $0x50, $0x38;
	[tilespmem:$0xC940] =	vst v63  }
0x44: {  	s11 =	sadd.s32 $0x0, s17  }
0x45: {  	[tilespmem:s25], [sflag:$0x2] =	stream.linear.gather [hbm4b:s11+s3], $0x50, $0x38;
	[tilespmem:$0xC940] =	vst v63  }
0x46: {  	_ =	swait.ge [sflag:s30], $0x50  }
0x47: {  	[sflag:s30] =	ssyncset.done $0x0  }
0x48: {  	[sflag:s30] =	ssyncadd.s32 $0xFFFFFFB0  }
0x49: {  	_ =	swait.ge [sflag:s30], $0x50  }
0x4a: {  	[sflag:s30] =	ssyncset.done $0x0  }
0x4b: {  	[sflag:s30] =	ssyncadd.s32 $0xFFFFFFB0  }
0x4c: {  	[tilespmem:s23], [sflag:$0x3] =	stream.indirect.gather [hbm4b:s4+s22], $0x40, s3, s22, $0xb8;
	[tilespmem:$0xC940] =	vst v63  }
0x4d: {  	_ =	swait.ge [sflag:s31], $0x50  }
0x4e: {  	[sflag:s31] =	ssyncset.done $0x0  }
0x4f: {  	[sflag:s31] =	ssyncadd.s32 $0xFFFFFFB0  }
0x50: {  	_ =	swait.ge [sflag:s31], $0x50  }
0x51: {  	[sflag:s31] =	ssyncset.done $0x0  }
0x52: {  	s7 =	sadd.s32 $0xA0, s19;
	s1 =	simm.s32 $0x14;
	[sflag:s31] =	ssyncadd.s32 $0xFFFFFFB0  }
.LBB2_2:
0x53: {  	[tilespmem:s26], [sflag:$0x4] =	stream.indirect.gather [hbm4b:s4+s22], $0x40, s24, s22, $0xb8;
	[tilespmem:$0xC940] =	vst v63  }
0x54: {  	s9 =	smov.u32 s1  }
0x55: {  	p0 =	sne.s32 s1, $0x4B0;
	s1 =	sadd.s32 $0x14, s1;
	_ =	swait.ge [sflag:s28], $0x1400  }
0x56: {  	[sflag:s28] =	ssyncset.done $0x0  }
0x57: {  	[sflag:s28] =	ssyncadd.s32 $0xFFFFEC00  }
0x58: {  	[spmem:s2] =	stream.indirect.scatter.add.bf16 [tilespmem:s23], [sflag:$0x5], $0x40, s22, s22, $0xb8;
	[tilespmem:$0xC940] =	vst v63  }
0x59: {  	_ =	swait.ge [sflag:s21], $0x1400  }
0x5a: {  	s10 =	sshrl.u32 s7, $0x3;
	[sflag:s21] =	ssyncset.done $0x0  }
0x5b: {  	s11 =	sadd.s32 s5, s10;
	[sflag:s21] =	ssyncadd.s32 $0xFFFFEC00  }
0x5c: {  	[tilespmem:s3], [sflag:$0x1] =	stream.linear.gather [hbm4b:s11+s3], $0x50, $0x38;
	[tilespmem:$0xC940] =	vst v63  }
0x5d: {  	s10 =	sadd.s32 s6, s10  }
0x5e: {  	[tilespmem:s22], [sflag:$0x1] =	stream.linear.gather [hbm4b:s10+s3], $0x50, $0x38;
	[tilespmem:$0xC940] =	vst v63  }
0x5f: {  	_ =	swait.ge [sflag:s29], $0x1400  }
0x60: {  	[sflag:s29] =	ssyncset.done $0x0  }
0x61: {  	[sflag:s29] =	ssyncadd.s32 $0xFFFFEC00  }
0x62: {  	[spmem:s2] =	stream.indirect.scatter.add.bf16 [tilespmem:s26], [sflag:$0x5], $0x40, s25, s22, $0xb8;
	[tilespmem:$0xC940] =	vst v63  }
0x63: {  	_ =	swait.ge [sflag:s21], $0x1400  }
0x64: {  	[sflag:s21] =	ssyncset.done $0x0  }
0x65: {  	s10 =	sadd.s32 s9, s18;
	[sflag:s21] =	ssyncadd.s32 $0xFFFFEC00  }
0x66: {  	[tilespmem:s24], [sflag:$0x2] =	stream.linear.gather [hbm4b:s10+s3], $0x50, $0x38;
	[tilespmem:$0xC940] =	vst v63  }
0x67: {  	s9 =	sadd.s32 s9, s17  }
0x68: {  	[tilespmem:s25], [sflag:$0x2] =	stream.linear.gather [hbm4b:s9+s3], $0x50, $0x38;
	[tilespmem:$0xC940] =	vst v63  }
0x69: {  	_ =	swait.ge [sflag:s30], $0x50  }
0x6a: {  	[sflag:s30] =	ssyncset.done $0x0  }
0x6b: {  	[sflag:s30] =	ssyncadd.s32 $0xFFFFFFB0  }
0x6c: {  	_ =	swait.ge [sflag:s30], $0x50  }
0x6d: {  	[sflag:s30] =	ssyncset.done $0x0  }
0x6e: {  	[sflag:s30] =	ssyncadd.s32 $0xFFFFFFB0  }
0x6f: {  	[tilespmem:s23], [sflag:$0x3] =	stream.indirect.gather [hbm4b:s4+s22], $0x40, s3, s22, $0xb8;
	[tilespmem:$0xC940] =	vst v63  }
0x70: {  	_ =	swait.ge [sflag:s31], $0x50  }
.Ltmp0:
0x71: {  	[sflag:s31] =	ssyncset.done $0x0;
	(pc) =	sbr.rel @p0 .LBB2_2-.Ltmp0, $4  }
0x72: {  	[sflag:s31] =	ssyncadd.s32 $0xFFFFFFB0  }
0x73: {  	_ =	swait.ge [sflag:s31], $0x50  }
0x74: {  	[sflag:s31] =	ssyncset.done $0x0  }
0x75: {  	s7 =	sadd.s32 $0xA0, s7;
	[sflag:s31] =	ssyncadd.s32 $0xFFFFFFB0  }
0x76: {  	[tilespmem:s26], [sflag:$0x4] =	stream.indirect.gather [hbm4b:s4+s22], $0x40, s24, s22, $0xb8;
	[tilespmem:$0xC940] =	vst v63  }
0x77: {  	_ =	swait.ge [sflag:s28], $0x1400  }
0x78: {  	[sflag:s28] =	ssyncset.done $0x0  }
0x79: {  	[sflag:s28] =	ssyncadd.s32 $0xFFFFEC00  }
0x7a: {  	[spmem:s2] =	stream.indirect.scatter.add.bf16 [tilespmem:s23], [sflag:$0x5], $0x40, s22, s22, $0xb8;
	[tilespmem:$0xC940] =	vst v63  }
0x7b: {  	_ =	swait.ge [sflag:s21], $0x1400  }
0x7c: {  	[sflag:s21] =	ssyncset.done $0x0  }
0x7d: {  	[sflag:s21] =	ssyncadd.s32 $0xFFFFEC00  }
0x7e: {  	[tilespmem:s3], [sflag:$0x1] =	stream.linear.gather [hbm4b:s15+s3], $0x50, $0x38;
	[tilespmem:$0xC940] =	vst v63  }
0x7f: {  	_ = 	snop  }
0x80: {  	[tilespmem:s22], [sflag:$0x1] =	stream.linear.gather [hbm4b:s16+s3], $0x50, $0x38;
	[tilespmem:$0xC940] =	vst v63  }
0x81: {  	_ =	swait.ge [sflag:s29], $0x1400  }
0x82: {  	[sflag:s29] =	ssyncset.done $0x0  }
0x83: {  	[sflag:s29] =	ssyncadd.s32 $0xFFFFEC00  }
0x84: {  	[spmem:s2] =	stream.indirect.scatter.add.bf16 [tilespmem:s26], [sflag:$0x5], $0x40, s25, s22, $0xb8;
	[tilespmem:$0xC940] =	vst v63  }
0x85: {  	_ =	swait.ge [sflag:s21], $0x1400  }
0x86: {  	[sflag:s21] =	ssyncset.done $0x0  }
0x87: {  	[sflag:s21] =	ssyncadd.s32 $0xFFFFEC00  }
0x88: {  	_ =	swait.ge [sflag:s30], $0x50  }
0x89: {  	[sflag:s30] =	ssyncset.done $0x0  }
0x8a: {  	[sflag:s30] =	ssyncadd.s32 $0xFFFFFFB0  }
0x8b: {  	_ =	swait.ge [sflag:s30], $0x50  }
0x8c: {  	[sflag:s30] =	ssyncset.done $0x0  }
0x8d: {  	[sflag:s30] =	ssyncadd.s32 $0xFFFFFFB0  }
0x8e: {  	[tilespmem:s23], [sflag:$0x3] =	stream.indirect.gather [hbm4b:s4+s22], $0x40, s3, s22, $0xb8;
	[tilespmem:$0xC940] =	vst v63  }
0x8f: {  	_ =	swait.ge [sflag:s28], $0x1400  }
0x90: {  	[sflag:s28] =	ssyncset.done $0x0  }
0x91: {  	[sflag:s28] =	ssyncadd.s32 $0xFFFFEC00  }
0x92: {  	[spmem:s2] =	stream.indirect.scatter.add.bf16 [tilespmem:s23], [sflag:$0x5], $0x40, s22, s22, $0xb8;
	[tilespmem:$0xC940] =	vst v63  }
0x93: {  	_ =	swait.ge [sflag:s21], $0x1400  }
0x94: {  	s0 =	sadd.s32 $0x1, s0;
	[sflag:s21] =	ssyncset.done $0x0  }
0x95: {  	p0 =	sne.s32 s0, s14;
	[sflag:s21] =	ssyncadd.s32 $0xFFFFEC00  }
.Ltmp1:
0x96: {  	[bflag:$0x0] =	sbarrier.arrive $0xFFFF;
	(pc) =	sbr.rel @p0 .LBB2_1-.Ltmp1, $4  }
0x97: {  	[hbm:s13], [sflag:s8] =	dma.local [spmem:s20], $0x1400  }
0x98: {  	_ =	swait.ge [sflag:s21], $0x1400  }
0x99: {  	[sflag:s21] =	ssyncset.done $0x0  }
0x9a: {  	[sflag:s21] =	ssyncadd.s32 $0xFFFFEC00  }
0x9b: {  	_ =	sfence.sel $0x180000  }
0x9c: {  	[bflag:$0x0] =	sbarrier.arrive $0xFFFF  }
0x9d: {  	_ =	strace $0x9000004D  }
0x9e: {  	s0 =	stileid.u32;
	[bflag:$0x2] =	sbarrier.arrive $0xFFFF  }
0x9f: {  	p0 =	sne.s32 s0, $0x0;
	s0 =	rddreg [dreg:$0x2]  }
0xa0: {  	s0 =	sadd.s32 @!p0 $0x100000, s0  }
0xa1: {  	[sflag:s0] =	ssyncadd.tile.s32 @!p0 $0x1;
	_ =	shalt  }
.Lfunc_end2:
_tile_overlayer_lowered:
.L_overlay_start_2:
0xa2: {  	(tag) =	ssettag $0x2  }
0xa3: {  	s0 =	rddreg [dreg:$0x0];
	s2 =	stileid.u32  }
0xa4: {  	s1 =	rddreg [dreg:$0x1];
	p0 =	sne.s32 s2, $0x0  }
0xa5: {  	s3 =	rddreg [dreg:$0x2];
	[bflag:$0x3] =	sbarrier.arrive $0xFFFF;
	s2 =	simm.s32 @!p0 $0x1C05  }
0xa6: {  	[timem:s3], [sflag:s2] =	dma.local @!p0 [hbm:s0], s1  }
0xa7: {  	s0 =	simm.s32 @!p0 $0x5  }
0xa8: {  	_ =	swait.ge @!p0 [sflag:s0], s1  }
0xa9: {  	s1 =	ssub.s32 @!p0 $0x0, s1;
	[sflag:s0] =	ssyncset.done @!p0 $0x0  }
0xaa: {  	[sflag:s0] =	ssyncadd.s32 @!p0 s1  }
0xab: {  	[bflag:$0x3] =	sbarrier.arrive $0xFFFF  }
0xac: {  	_ =	shalt  }

// kernel: kernel.8.cloned.1.call-start
scs
__scs_entry_jumppad:
0x0: {  	(pc) =	sbr.rel $0x88, $3  }
0x1: {  	(tag) =	ssettag $0x0;
	lr =	simm.s32 $0x1  }
0x2: {  	[smem:$0x3F95] =	sst lr;
	_ =	strace $0xD0000000  }
0x3: {  	_ = 	snop  }
0x4: {  	_ = 	snop  }
0x5: {  	_ = 	snop  }
0x6: {  	_ = 	snop  }
0x7: {  	_ = 	snop  }
__scs_overlays_trampoline_lowered:
0x8: {  	[smem:$0x3FA4] =	sst s0  }
0x9: {  	[smem:$0x3FA5] =	sst s1  }
0xa: {  	[smem:$0x3FA6] =	sst s2  }
0xb: {  	[smem:$0x3FA7] =	sst s3  }
0xc: {  	[smem:$0x3FA8] =	sst s4  }
0xd: {  	[smem:$0x3FA9] =	sst s5  }
0xe: {  	[smem:$0x3FAA] =	sst s6  }
0xf: {  	[smem:$0x3FAB] =	sst s7  }
0x10: {  	[smem:$0x3FAC] =	sst s8  }
0x11: {  	[smem:$0x3FAD] =	sst s9;
	s0 =	simm.s32 @!p0 $0x0  }
0x12: {  	s1 =	sld [smem:$0x3F93];
	s0 =	simm.s32 @p0 $0x1  }
0x13: {  	[smem:$0x3FAE] =	sst s0;
	s0 =	simm.s32 @!p1 $0x0  }
0x14: {  	s2 =	sld [smem:$0x3F92];
	s0 =	simm.s32 @p1 $0x1  }
0x15: {  	[smem:$0x3FAF] =	sst s0;
	s0 =	simm.s32 @!p2 $0x0  }
0x16: {  	s3 =	sld [smem:$0x3FDB];
	s0 =	simm.s32 @p2 $0x1  }
0x17: {  	s4 =	simm.s32 $0x1BF5;
	[smem:$0x3FB1] =	sst s0  }
0x18: {  	s0 =	sld [smem:$0x3F94];
	_ =	swait.ge [sflag:s4], $0x0  }
0x19: {  	s7 =	sld [smem:$0x3F95]  }
0x1a: {  	s8 =	sadd.s32 $0xFFFFE003, lr  }
0x1b: {  	s9 =	sadd.s32 $0xFFFFFEF7, lr;
	s5 =	simm.s32 $0xFFFFFFFF;
	p2 =	slt.u32 s8, $0xFFFFF086  }
0x1c: {  	p1 =	slt.u32 s9, $0xF7A;
	s5 =	simm.s32 @!p2 $0x0  }
0x1d: {  	s5 =	simm.s32 @p1 $0x1;
	p0 =	seq.s32 s7, s2  }
0x1e: {  	s7 =	smul.u32 @!p0 $0xF7A, s2;
	p2 =	seq.s32 @!p0 s5, $0x0  }
0x1f: {  	s9 =	smul.u32 $0xF7A, s1;
	s8 =	simm.s32 @!p0 $0x1BF5;
	p2 =	por !p2, p0  }
0x20: {  	[sflag:s8] =	ssyncset.s32 @!p0 $0xFFFFF086;
	s6 =	sadd.s32 @!p0 s3, s7;
	s7 =	simm.s32 @!p0 $0x108  }
0x21: {  	s3 =	sadd.s32 s3, s9;
	s6 =	sadd.s32 @!p0 $0x88, s6;
	s7 =	simm.s32 @p2 $0x1082  }
0x22: {  	[simem:s7], [sflag:s8] =	dma.local @!p0 [hbm:s6], $0xF7A  }
0x23: {  	s9 =	sor.u32 $0xD0000000, s2;
	s6 =	simm.s32 $0x108;
	_ =	swait.ge @!p0 [sflag:s8], $0x0  }
0x24: {  	s3 =	sadd.s32 $0x88, s3;
	s6 =	simm.s32 @!p1 $0x1082;
	[sflag:s4] =	ssyncset.s32 $0xFFFFF086  }
0x25: {  	[simem:s6], [sflag:s4] =	dma.local [hbm:s3], $0xF7A  }
0x26: {  	[smem:$0x3F95] =	sst s1;
	(tag) =	ssettag s2;
	_ =	strace s9  }
0x27: {  	s1 =	sld [smem:$0x3FA5]  }
0x28: {  	s2 =	sld [smem:$0x3FA6]  }
0x29: {  	s4 =	sld [smem:$0x3FA8]  }
0x2a: {  	p0 =	seq.s32 s5, $0x0;
	s5 =	sld [smem:$0x3FA9]  }
0x2b: {  	s6 =	sld [smem:$0x3FAA]  }
0x2c: {  	s7 =	sld [smem:$0x3FAB]  }
0x2d: {  	s3 =	simm.s32 $0x108;
	s8 =	sld [smem:$0x3FAC]  }
0x2e: {  	s3 =	simm.s32 @!p0 $0x1082;
	s9 =	sld [smem:$0x3FAD]  }
0x2f: {  	lr =	sadd.s32 s0, s3;
	s0 =	sld [smem:$0x3FA4]  }
0x30: {  	s3 =	sld [smem:$0x3FA7]  }
0x31: {  	[smem:$0x3FB0] =	sst s10  }
0x32: {  	s10 =	sld [smem:$0x3FAE];
	_ =	sdelay $0x3  }
0x33: {  	p0 =	seq.s32 s10, $0x1;
	s10 =	sld [smem:$0x3FB0];
	_ =	sdelay $0x3  }
0x34: {  	[smem:$0x3FB0] =	sst s10  }
0x35: {  	s10 =	sld [smem:$0x3FAF];
	_ =	sdelay $0x3  }
0x36: {  	p1 =	seq.s32 s10, $0x1;
	s10 =	sld [smem:$0x3FB0];
	_ =	sdelay $0x3  }
0x37: {  	[smem:$0x3FB0] =	sst s10  }
0x38: {  	s10 =	sld [smem:$0x3FB1]  }
0x39: {  	_ = 	snop;
	(pc) =	sbr.ind lr, $3  }
0x3a: {  	_ = 	snop  }
0x3b: {  	_ = 	snop  }
0x3c: {  	p2 =	seq.s32 s10, $0x1;
	s10 =	sld [smem:$0x3FB0]  }
0x3d: {  	_ =	shalt  }
0x3e: {  	_ =	shalt  }
0x3f: {  	_ =	shalt  }
0x40: {  	_ =	shalt  }
0x41: {  	_ =	shalt  }
0x42: {  	_ =	shalt  }
0x43: {  	_ =	shalt  }
0x44: {  	_ =	shalt  }
0x45: {  	_ =	shalt  }
0x46: {  	_ =	shalt  }
0x47: {  	_ =	shalt  }
0x48: {  	_ =	shalt  }
0x49: {  	_ =	shalt  }
0x4a: {  	_ =	shalt  }
0x4b: {  	_ =	shalt  }
0x4c: {  	_ =	shalt  }
0x4d: {  	_ =	shalt  }
0x4e: {  	_ =	shalt  }
0x4f: {  	_ =	shalt  }
0x50: {  	_ =	shalt  }
0x51: {  	_ =	shalt  }
0x52: {  	_ =	shalt  }
0x53: {  	_ =	shalt  }
0x54: {  	_ =	shalt  }
0x55: {  	_ =	shalt  }
0x56: {  	_ =	shalt  }
0x57: {  	_ =	shalt  }
0x58: {  	_ =	shalt  }
0x59: {  	_ =	shalt  }
0x5a: {  	_ =	shalt  }
0x5b: {  	_ =	shalt  }
0x5c: {  	_ =	shalt  }
0x5d: {  	_ =	shalt  }
0x5e: {  	_ =	shalt  }
0x5f: {  	_ =	shalt  }
0x60: {  	_ =	shalt  }
0x61: {  	_ =	shalt  }
0x62: {  	_ =	shalt  }
0x63: {  	_ =	shalt  }
0x64: {  	_ =	shalt  }
0x65: {  	_ =	shalt  }
0x66: {  	_ =	shalt  }
0x67: {  	_ =	shalt  }
0x68: {  	_ =	shalt  }
0x69: {  	_ =	shalt  }
0x6a: {  	_ =	shalt  }
0x6b: {  	_ =	shalt  }
0x6c: {  	_ =	shalt  }
0x6d: {  	_ =	shalt  }
0x6e: {  	_ =	shalt  }
0x6f: {  	_ =	shalt  }
0x70: {  	_ =	shalt  }
0x71: {  	_ =	shalt  }
0x72: {  	_ =	shalt  }
0x73: {  	_ =	shalt  }
0x74: {  	_ =	shalt  }
0x75: {  	_ =	shalt  }
0x76: {  	_ =	shalt  }
0x77: {  	_ =	shalt  }
0x78: {  	_ =	shalt  }
0x79: {  	_ =	shalt  }
0x7a: {  	_ =	shalt  }
0x7b: {  	_ =	shalt  }
0x7c: {  	_ =	shalt  }
0x7d: {  	_ =	shalt  }
0x7e: {  	_ =	shalt  }
0x7f: {  	_ =	shalt  }
0x80: {  	_ =	shalt  }
0x81: {  	_ =	shalt  }
0x82: {  	_ =	shalt  }
0x83: {  	_ =	shalt  }
0x84: {  	_ =	shalt  }
0x85: {  	_ =	shalt  }
0x86: {  	_ =	shalt  }
0x87: {  	_ =	shalt  }
.Lfunc_end0:
.L_simem_size_0:
called_computation_lowered:
.L_overlay_start_0:
0x88: {  	s2 =	sld [smem:$0x3FD9]  }
0x89: {  	s3 =	sld [smem:$0x3FFE];
	_ =	sdelay $0x1  }
0x8a: {  	s1 =	srdreg.scid  }
0x8b: {  	s0 =	sand.u32 $0x1, s1  }
0x8c: {  	s16 =	sshll.u32 s0, $0xA;
	s2 =	sadd.s32 s3, s2  }
0x8d: {  	s2 =	sadd.s32 s2, s16  }
0x8e: {  	[smem:$0x3FBC] =	sst s2  }
0x8f: {  	_ = 	snop  }
0x90: {  	(tm) =	ssettm $0x1  }
0x91: {  	s17 =	sld [smem:$0x3FFB];
	_ =	sdelay $0x3  }
0x92: {  	_ =	strace s17  }
0x93: {  	s2 =	sld [smem:$0x3FFC];
	_ =	sdelay $0x3  }
0x94: {  	_ =	strace s2  }
0x95: {  	s2 =	sld [smem:$0x3FFD];
	_ =	sdelay $0x3  }
0x96: {  	_ =	strace s2  }
0x97: {  	_ =	strace $0x8FFFFFFF  }
0x98: {  	s18 =	sld [smem:$0x3FDB];
	_ =	sdelay $0x1  }
0x99: {  	s19 =	simm.s32 $_scs_section_size  }
0x9a: {  	s4 =	simm.s32 $_size__tile_overlayer_lowered;
	s5 =	simm.s32 $_tile_overlayer_lowered  }
0x9b: {  	s22 =	simm.s32 $0x1BFF;
	s21 =	sshll.u32 s5, $0x1;
	s2 =	sadd.s32 s19, s18  }
0x9c: {  	s6 =	simm.s32 $0x0;
	s20 =	sshll.u32 s4, $0x1;
	s4 =	sadd.s32 s21, s2  }
0x9d: {  	[timem:s6], [sflag:s22] =	dma.local [hbm:s4], s20  }
0x9e: {  	_ =	swait.ge [sflag:s22], s20  }
0x9f: {  	s3 =	ssub.s32 $0x0, s20;
	[sflag:s22] =	ssyncset.done $0x0  }
0xa0: {  	[sflag:s22] =	ssyncadd.s32 s3;
	_ =	sdelay $0x1  }
0xa1: {  	s23 =	simm.s32 $0x1B8B  }
0xa2: {  	_ =	swait.ge [sflag:s23], $0x1  }
0xa3: {  	[sflag:s23] =	ssyncset.done $0x0  }
0xa4: {  	s25 =	simm.s32 $0x1B8E;
	s24 =	sld [smem:$0x3FFE];
	[sflag:s23] =	ssyncadd.s32 $0xFFFFFFFF  }
0xa5: {  	s26 =	simm.s32 $execute0_lowered;
	[smem:$0x3FD2] =	sst s25  }
0xa6: {  	s4 =	sshll.u32 s26, $0x1;
	_ =	strace $0x80000046;
	[dreg:$0x1] =	wrdreg $0xFFFFFFFF  }
0xa7: {  	s28 =	simm.s32 $_size_execute0_lowered;
	s2 =	sadd.s32 s2, s4;
	[dreg:$0x0] =	wrdreg $0x0  }
0xa8: {  	s4 =	sshll.u32 s28, $0x1;
	[dreg:$0x2] =	wrdreg s2  }
0xa9: {  	[dreg:$0x3] =	wrdreg s4  }
0xaa: {  	[dreg:$0x4] =	wrdreg $0xC0  }
0xab: {  	_ =	task [dreg:s6], $0x5FFFF  }
0xac: {  	[dreg:$0x1] =	wrdreg $0xFFFFFFFF  }
0xad: {  	[dreg:$0x0] =	wrdreg $0x60  }
0xae: {  	[dreg:$0x2] =	wrdreg s24  }
0xaf: {  	[dreg:$0x3] =	wrdreg $0x6400  }
0xb0: {  	[dreg:$0x4] =	wrdreg $0x2E400  }
0xb1: {  	[dreg:$0x5] =	wrdreg $0x9  }
0xb2: {  	_ =	task.clear_ibuf [dreg:s6], $0x6FFFF;
	_ =	strace $0x90000046  }
0xb3: {  	s29 =	simm.s32 $0x9;
	_ =	strace $0x80000048  }
0xb4: {  	_ =	swait.ge [sflag:s29], $0x1  }
0xb5: {  	[sflag:s29] =	ssyncadd.s32 $0xFFFFFFFF  }
0xb6: {  	_ =	strace $0x90000048  }
0xb7: {  	_ =	sfence  }
0xb8: {  	s30 =	sld [smem:$0x0];
	_ =	sdelay $0x2  }
0xb9: {  	s31 =	sshll.u32 s1, $0xD;
	s1 =	sshrl.u32 s1, $0x2  }
0xba: {  	s3 =	sand.u32 $0x4000, s31;
	s1 =	sadd.s32 s1, s30  }
0xbb: {  	s0 =	sor.u32 s3, s0;
	s1 =	sshll.u32 s1, $0x11  }
0xbc: {  	s0 =	sor.u32 s1, s0  }
0xbd: {  	s0 =	sadd.s32 $0x8F2B, s0  }
0xbe: {  	[sflag:s0] =	ssyncadd.remote.s32 $0x1  }
0xbf: {  	_ =	sfence.sel $0xFFFF  }
0xc0: {  	[dreg:$0x0] =	wrdreg $0xFFFFFFFF;
	(pc) =	sbr.abs _section_cstart, $3  }
0xc1: {  	[dreg:$0x1] =	wrdreg $0xFFFFFFFF  }
0xc2: {  	_ =	task.clear_ibuf [dreg:s6], $0x2FFFF;
	_ =	strace $0x9FFFFFFF  }
0xc3: {  	(tm) =	ssettm $0x7FFFFFFF  }
tec
execute0_lowered:
.L_overlay_start_1:
0x0: {  	(tag) =	ssettag $0x1  }
0x1: {  	s0 =	rddreg [dreg:$0x0]  }
0x2: {  	s2 =	rddreg [dreg:$0x1]  }
0x3: {  	s3 =	rddreg [dreg:$0x2];
	s13 =	stileid.u32;
	s4 =	simm.s32 $0x0  }
0x4: {  	s5 =	srdreg.scid;
	s28 =	simm.s32 $0x140;
	s29 =	simm.s32 $0x1  }
0x5: {  	s30 =	simm.s32 $0x2;
	s31 =	simm.s32 $0x0;
	s1 =	smul.u32 $0x2800, s13  }
0x6: {  	[smem:$0x7FF] =	sst s4;
	s7 =	sand.u32 $0x1, s5;
	s5 =	sadd.s32 $0xBE00, s0  }
0x7: {  	s6 =	sadd.s32 $0x2000, s0;
	s11 =	sshll.u32 s13, $0x1;
	s16 =	smul.u32 $0x4E20, s13  }
0x8: {  	s21 =	sshll.u32 s13, $0x6;
	_ =	strace $0x80000047;
	s9 =	smul.u32 $0x50000, s7  }
0x9: {  	s10 =	ssub.s32 $0x2, s7;
	s11 =	sor.u32 s7, s11;
	s7 =	smul.u32 $0x2710, s7  }
0xa: {  	s8 =	sshrl.u32 s1, $0x3;
	s12 =	sshrl.u32 s10, $0x1;
	s11 =	smul.u32 $0x2710, s11  }
0xb: {  	s20 =	sadd.s32 s1, s2;
	s8 =	sadd.s32 s8, s0;
	s9 =	sadd.s32 s1, s9  }
0xc: {  	s10 =	ssub.s32 s10, s12;
	[dreg:$0x4] =	wrdreg s20;
	s1 =	sadd.s32 s1, s3  }
0xd: {  	s25 =	sadd.s32 s7, s16;
	s9 =	sshrl.u32 s9, $0x3;
	s8 =	sadd.s32 $0x15C00, s8  }
0xe: {  	s17 =	sshrl.u32 s11, $0x3;
	[dreg:$0x5] =	wrdreg s1;
	s7 =	sadd.s32 $0xF0, s25  }
0xf: {  	s0 =	sadd.s32 s9, s0;
	s9 =	sor.u32 $0x1C03, s21;
	s22 =	sadd.s32 $0xA, s17  }
0x10: {  	s11 =	sadd.s32 s5, s17;
	s23 =	sadd.s32 s6, s17;
	s26 =	sadd.s32 $0x4D8, s17  }
0x11: {  	s17 =	smax.u32 s10, $0x1;
	s7 =	sshrl.u32 s7, $0x3;
	[dreg:$0x6] =	wrdreg s11  }
0x12: {  	s10 =	sadd.s32 $0xA0, s25;
	s25 =	simm.s32 $0xA0;
	[dreg:$0x7] =	wrdreg s23  }
0x13: {  	s24 =	sadd.s32 s5, s22;
	s14 =	sadd.s32 s6, s22;
	s15 =	sadd.s32 $0x1AC00, s0  }
0x14: {  	s16 =	sadd.s32 $0x1FC00, s0;
	s18 =	sadd.s32 s5, s26;
	s19 =	sadd.s32 s6, s26  }
0x15: {  	s20 =	sadd.s32 s7, s6;
	s21 =	sadd.s32 s7, s5;
	s23 =	simm.s32 $0x3  }
0x16: {  	v0 =	vimm.f32 $1.000000000e+00;
	s26 =	simm.s32 $0xF0;
	[dreg:$0x8] =	wrdreg s24;
	s24 =	simm.s32 $0x50  }
.LBB2_1:
0x17: {  	s0 =	rddreg [dreg:$0x4]  }
0x18: {  	s0 =	sshrl.u32 s0, $0x3  }
0x19: {  	[spmem:s0], [sflag:s9] =	dma.local [hbm:s8], $0x500  }
0x1a: {  	_ =	swait.ge [sflag:s23], $0x500  }
0x1b: {  	[sflag:s23] =	ssyncset.done $0x0;
	s1 =	rddreg [dreg:$0x5]  }
0x1c: {  	[sflag:s23] =	ssyncadd.s32 $0xFFFFFB00;
	s1 =	sshrl.u32 s1, $0x3  }
0x1d: {  	[spmem:s1], [sflag:s9] =	dma.local [hbm:s8], $0x500  }
0x1e: {  	_ =	swait.ge [sflag:s23], $0x500  }
0x1f: {  	[sflag:s23] =	ssyncset.done $0x0  }
0x20: {  	[sflag:s23] =	ssyncadd.s32 $0xFFFFFB00  }
0x21: {  	[tilespmem:$0x140] =	vst v0  }
0x22: {  	[tilespmem:$0x150] =	vst v0  }
0x23: {  	[tilespmem:$0x160] =	vst v0  }
0x24: {  	[tilespmem:$0x170] =	vst v0  }
0x25: {  	[tilespmem:$0x180] =	vst v0  }
0x26: {  	[tilespmem:$0x190] =	vst v0  }
0x27: {  	[tilespmem:$0x1A0] =	vst v0  }
0x28: {  	[tilespmem:$0x1B0] =	vst v0  }
0x29: {  	[tilespmem:$0x1C0] =	vst v0  }
0x2a: {  	[tilespmem:$0x1D0] =	vst v0  }
0x2b: {  	[tilespmem:$0x1E0] =	vst v0  }
0x2c: {  	[tilespmem:$0x1F0] =	vst v0  }
0x2d: {  	[tilespmem:$0x200] =	vst v0  }
0x2e: {  	[tilespmem:$0x210] =	vst v0  }
0x2f: {  	[tilespmem:$0x220] =	vst v0  }
0x30: {  	[tilespmem:$0x230] =	vst v0  }
0x31: {  	[tilespmem:$0x240] =	vst v0  }
0x32: {  	[tilespmem:$0x250] =	vst v0  }
0x33: {  	[tilespmem:$0x260] =	vst v0  }
0x34: {  	[tilespmem:$0x270] =	vst v0  }
0x35: {  	[tilespmem:$0x280] =	vst v0  }
0x36: {  	[tilespmem:$0x290] =	vst v0  }
0x37: {  	[tilespmem:$0x2A0] =	vst v0  }
0x38: {  	[tilespmem:$0x2B0] =	vst v0  }
0x39: {  	[tilespmem:$0x2C0] =	vst v0  }
0x3a: {  	[tilespmem:$0x2D0] =	vst v0  }
0x3b: {  	[tilespmem:$0x2E0] =	vst v0  }
0x3c: {  	[tilespmem:$0x2F0] =	vst v0  }
0x3d: {  	[tilespmem:$0x300] =	vst v0  }
0x3e: {  	[tilespmem:$0x310] =	vst v0  }
0x3f: {  	[tilespmem:$0x320] =	vst v0  }
0x40: {  	[tilespmem:$0x330] =	vst v0  }
0x41: {  	[tilespmem:$0x340] =	vst v0  }
0x42: {  	[tilespmem:$0x350] =	vst v0  }
0x43: {  	[tilespmem:$0x360] =	vst v0  }
0x44: {  	[tilespmem:$0x370] =	vst v0  }
0x45: {  	[tilespmem:$0x380] =	vst v0  }
0x46: {  	[tilespmem:$0x390] =	vst v0  }
0x47: {  	[tilespmem:$0x3A0] =	vst v0  }
0x48: {  	[tilespmem:$0x3B0] =	vst v0  }
0x49: {  	[tilespmem:$0x3C0] =	vst v0  }
0x4a: {  	[tilespmem:$0x3D0] =	vst v0  }
0x4b: {  	[tilespmem:$0x3E0] =	vst v0  }
0x4c: {  	[tilespmem:$0x3F0] =	vst v0  }
0x4d: {  	[tilespmem:$0x400] =	vst v0  }
0x4e: {  	[tilespmem:$0x410] =	vst v0  }
0x4f: {  	[tilespmem:$0x420] =	vst v0  }
0x50: {  	[tilespmem:$0x430] =	vst v0  }
0x51: {  	[tilespmem:$0x440] =	vst v0  }
0x52: {  	[tilespmem:$0x450] =	vst v0  }
0x53: {  	[tilespmem:$0x460] =	vst v0  }
0x54: {  	[tilespmem:$0x470] =	vst v0  }
0x55: {  	[tilespmem:$0x480] =	vst v0  }
0x56: {  	[tilespmem:$0x490] =	vst v0  }
0x57: {  	[tilespmem:$0x4A0] =	vst v0  }
0x58: {  	[tilespmem:$0x4B0] =	vst v0  }
0x59: {  	[tilespmem:$0x4C0] =	vst v0  }
0x5a: {  	[tilespmem:$0x4D0] =	vst v0  }
0x5b: {  	[tilespmem:$0x4E0] =	vst v0  }
0x5c: {  	[tilespmem:$0x4F0] =	vst v0  }
0x5d: {  	[tilespmem:$0x500] =	vst v0  }
0x5e: {  	[tilespmem:$0x510] =	vst v0  }
0x5f: {  	[tilespmem:$0x520] =	vst v0  }
0x60: {  	[tilespmem:$0x530] =	vst v0  }
0x61: {  	[tilespmem:$0x540] =	vst v0  }
0x62: {  	[tilespmem:$0x550] =	vst v0  }
0x63: {  	[tilespmem:$0x560] =	vst v0  }
0x64: {  	[tilespmem:$0x570] =	vst v0  }
0x65: {  	[tilespmem:$0x580] =	vst v0  }
0x66: {  	[tilespmem:$0x590] =	vst v0  }
0x67: {  	[tilespmem:$0x5A0] =	vst v0  }
0x68: {  	[tilespmem:$0x5B0] =	vst v0  }
0x69: {  	[tilespmem:$0x5C0] =	vst v0  }
0x6a: {  	[tilespmem:$0x5D0] =	vst v0  }
0x6b: {  	[tilespmem:$0x5E0] =	vst v0  }
0x6c: {  	[tilespmem:$0x5F0] =	vst v0  }
0x6d: {  	[tilespmem:$0x600] =	vst v0  }
0x6e: {  	[tilespmem:$0x610] =	vst v0  }
0x6f: {  	[tilespmem:$0x620] =	vst v0  }
0x70: {  	[tilespmem:$0x630] =	vst v0  }
0x71: {  	[bflag:$0x0] =	sbarrier.arrive $0xFFFF  }
0x72: {  	s7 =	rddreg [dreg:$0x6]  }
0x73: {  	[tilespmem:s4], [sflag:$0x3] =	stream.linear.gather [hbm4b:s7+s4], $0x50, $0x38;
	[tilespmem:$0x5640] =	vst v63  }
0x74: {  	_ =	swait.ge [sflag:s23], $0x50  }
0x75: {  	[sflag:s23] =	ssyncset.done $0x0  }
0x76: {  	s22 =	rddreg [dreg:$0x7];
	[sflag:s23] =	ssyncadd.s32 $0xFFFFFFB0  }
0x77: {  	[tilespmem:s24], [sflag:$0x3] =	stream.linear.gather [hbm4b:s22+s4], $0x50, $0x38;
	[tilespmem:$0x5640] =	vst v63  }
0x78: {  	_ =	swait.ge [sflag:s23], $0x50  }
0x79: {  	[sflag:s23] =	ssyncset.done $0x0  }
0x7a: {  	s11 =	rddreg [dreg:$0x8];
	[sflag:s23] =	ssyncadd.s32 $0xFFFFFFB0  }
0x7b: {  	[tilespmem:s25], [sflag:$0x3] =	stream.linear.gather [hbm4b:s11+s4], $0x50, $0x38;
	[tilespmem:$0x5640] =	vst v63  }
0x7c: {  	_ =	swait.ge [sflag:s23], $0x50  }
0x7d: {  	[sflag:s23] =	ssyncset.done $0x0  }
0x7e: {  	[sflag:s23] =	ssyncadd.s32 $0xFFFFFFB0  }
0x7f: {  	[tilespmem:s26], [sflag:$0x3] =	stream.linear.gather [hbm4b:s14+s4], $0x50, $0x38;
	[tilespmem:$0x5640] =	vst v63  }
0x80: {  	_ =	swait.ge [sflag:s23], $0x50  }
0x81: {  	[sflag:s23] =	ssyncset.done $0x0  }
0x82: {  	[sflag:s23] =	ssyncadd.s32 $0xFFFFFFB0  }
0x83: {  	[spmem:s2] =	stream.indirect.scatter.add.f32 [tilespmem:s28], [sflag:$0x3], $0x10, s4, s24, $0xb8;
	[tilespmem:$0x5640] =	vst v63  }
0x84: {  	_ =	swait.ge [sflag:s23], $0x500  }
0x85: {  	[sflag:s23] =	ssyncset.done $0x0  }
0x86: {  	[sflag:s23] =	ssyncadd.s32 $0xFFFFFB00  }
0x87: {  	[spmem:s3] =	stream.indirect.scatter.add.f32 [tilespmem:s28], [sflag:$0x3], $0x10, s24, s24, $0xb8;
	[tilespmem:$0x5640] =	vst v63  }
0x88: {  	_ =	swait.ge [sflag:s23], $0x500  }
0x89: {  	s12 =	sshrl.u32 s10, $0x3;
	[sflag:s23] =	ssyncset.done $0x0  }
0x8a: {  	s22 =	sadd.s32 s5, s12;
	[sflag:s23] =	ssyncadd.s32 $0xFFFFFB00  }
0x8b: {  	[tilespmem:s4], [sflag:$0x1] =	stream.linear.gather [hbm4b:s22+s4], $0x50, $0x38;
	[tilespmem:$0x5640] =	vst v63  }
0x8c: {  	s7 =	sadd.s32 s6, s12  }
0x8d: {  	[tilespmem:s24], [sflag:$0x1] =	stream.linear.gather [hbm4b:s7+s4], $0x50, $0x38;
	[tilespmem:$0x5640] =	vst v63  }
0x8e: {  	_ = 	snop  }
0x8f: {  	[spmem:s2] =	stream.indirect.scatter.add.f32 [tilespmem:s28], [sflag:$0x3], $0x10, s25, s24, $0xb8;
	[tilespmem:$0x5640] =	vst v63  }
0x90: {  	_ =	swait.ge [sflag:s23], $0x500  }
0x91: {  	[sflag:s23] =	ssyncset.done $0x0  }
0x92: {  	[sflag:s23] =	ssyncadd.s32 $0xFFFFFB00  }
0x93: {  	[spmem:s3] =	stream.indirect.scatter.add.f32 [tilespmem:s28], [sflag:$0x3], $0x10, s26, s24, $0xb8;
	[tilespmem:$0x5640] =	vst v63  }
0x94: {  	_ =	swait.ge [sflag:s23], $0x500  }
0x95: {  	[sflag:s23] =	ssyncset.done $0x0  }
0x96: {  	s13 =	sadd.s32 $0x0, s21;
	[sflag:s23] =	ssyncadd.s32 $0xFFFFFB00  }
0x97: {  	[tilespmem:s25], [sflag:$0x2] =	stream.linear.gather [hbm4b:s13+s4], $0x50, $0x38;
	[tilespmem:$0x5640] =	vst v63  }
0x98: {  	s22 =	sadd.s32 $0x0, s20  }
0x99: {  	[tilespmem:s26], [sflag:$0x2] =	stream.linear.gather [hbm4b:s22+s4], $0x50, $0x38;
	[tilespmem:$0x5640] =	vst v63  }
0x9a: {  	_ =	swait.ge [sflag:s29], $0x50  }
0x9b: {  	[sflag:s29] =	ssyncset.done $0x0  }
0x9c: {  	[sflag:s29] =	ssyncadd.s32 $0xFFFFFFB0  }
0x9d: {  	_ =	swait.ge [sflag:s29], $0x50  }
0x9e: {  	[sflag:s29] =	ssyncset.done $0x0  }
0x9f: {  	[sflag:s29] =	ssyncadd.s32 $0xFFFFFFB0  }
0xa0: {  	_ =	swait.ge [sflag:s30], $0x50  }
0xa1: {  	[sflag:s30] =	ssyncset.done $0x0  }
0xa2: {  	[sflag:s30] =	ssyncadd.s32 $0xFFFFFFB0  }
0xa3: {  	_ =	swait.ge [sflag:s30], $0x50  }
0xa4: {  	s7 =	simm.s32 $0x14;
	s22 =	smov.u32 s10;
	[sflag:s30] =	ssyncset.done $0x0  }
.LBB2_2:
0xa5: {  	p0 =	sne.s32 s7, $0x4B0;
	[sflag:s30] =	ssyncadd.s32 $0xFFFFFFB0;
	s22 =	sadd.s32 $0xA0, s22  }
0xa6: {  	[spmem:s2] =	stream.indirect.scatter.add.f32 [tilespmem:s28], [sflag:$0x3], $0x10, s4, s24, $0xb8;
	[tilespmem:$0x5640] =	vst v63  }
0xa7: {  	s11 =	smov.u32 s7;
	s7 =	sadd.s32 $0x14, s7;
	_ =	swait.ge [sflag:s23], $0x500  }
0xa8: {  	[sflag:s23] =	ssyncset.done $0x0  }
0xa9: {  	[sflag:s23] =	ssyncadd.s32 $0xFFFFFB00  }
0xaa: {  	[spmem:s3] =	stream.indirect.scatter.add.f32 [tilespmem:s28], [sflag:$0x3], $0x10, s24, s24, $0xb8;
	[tilespmem:$0x5640] =	vst v63  }
0xab: {  	_ =	swait.ge [sflag:s23], $0x500  }
0xac: {  	s12 =	sshrl.u32 s22, $0x3;
	[sflag:s23] =	ssyncset.done $0x0  }
0xad: {  	s13 =	sadd.s32 s5, s12;
	[sflag:s23] =	ssyncadd.s32 $0xFFFFFB00  }
0xae: {  	[tilespmem:s4], [sflag:$0x1] =	stream.linear.gather [hbm4b:s13+s4], $0x50, $0x38;
	[tilespmem:$0x5640] =	vst v63  }
0xaf: {  	s12 =	sadd.s32 s6, s12  }
0xb0: {  	[tilespmem:s24], [sflag:$0x1] =	stream.linear.gather [hbm4b:s12+s4], $0x50, $0x38;
	[tilespmem:$0x5640] =	vst v63  }
0xb1: {  	_ = 	snop  }
0xb2: {  	[spmem:s2] =	stream.indirect.scatter.add.f32 [tilespmem:s28], [sflag:$0x3], $0x10, s25, s24, $0xb8;
	[tilespmem:$0x5640] =	vst v63  }
0xb3: {  	_ =	swait.ge [sflag:s23], $0x500  }
0xb4: {  	[sflag:s23] =	ssyncset.done $0x0  }
0xb5: {  	[sflag:s23] =	ssyncadd.s32 $0xFFFFFB00  }
0xb6: {  	[spmem:s3] =	stream.indirect.scatter.add.f32 [tilespmem:s28], [sflag:$0x3], $0x10, s26, s24, $0xb8;
	[tilespmem:$0x5640] =	vst v63  }
0xb7: {  	_ =	swait.ge [sflag:s23], $0x500  }
0xb8: {  	[sflag:s23] =	ssyncset.done $0x0  }
0xb9: {  	s12 =	sadd.s32 s11, s21;
	[sflag:s23] =	ssyncadd.s32 $0xFFFFFB00  }
0xba: {  	[tilespmem:s25], [sflag:$0x2] =	stream.linear.gather [hbm4b:s12+s4], $0x50, $0x38;
	[tilespmem:$0x5640] =	vst v63  }
0xbb: {  	s11 =	sadd.s32 s11, s20  }
0xbc: {  	[tilespmem:s26], [sflag:$0x2] =	stream.linear.gather [hbm4b:s11+s4], $0x50, $0x38;
	[tilespmem:$0x5640] =	vst v63  }
0xbd: {  	_ =	swait.ge [sflag:s29], $0x50  }
0xbe: {  	[sflag:s29] =	ssyncset.done $0x0  }
0xbf: {  	[sflag:s29] =	ssyncadd.s32 $0xFFFFFFB0  }
0xc0: {  	_ =	swait.ge [sflag:s29], $0x50  }
0xc1: {  	[sflag:s29] =	ssyncset.done $0x0  }
0xc2: {  	[sflag:s29] =	ssyncadd.s32 $0xFFFFFFB0  }
.Ltmp0:
0xc3: {  	_ =	swait.ge [sflag:s30], $0x50;
	(pc) =	sbr.rel @p0 .LBB2_2-.Ltmp0, $4  }
0xc4: {  	[sflag:s30] =	ssyncset.done $0x0  }
0xc5: {  	[sflag:s30] =	ssyncadd.s32 $0xFFFFFFB0  }
0xc6: {  	_ =	swait.ge [sflag:s30], $0x50  }
0xc7: {  	[sflag:s30] =	ssyncset.done $0x0  }
0xc8: {  	[sflag:s30] =	ssyncadd.s32 $0xFFFFFFB0  }
0xc9: {  	[spmem:s2] =	stream.indirect.scatter.add.f32 [tilespmem:s28], [sflag:$0x3], $0x10, s4, s24, $0xb8;
	[tilespmem:$0x5640] =	vst v63  }
0xca: {  	_ =	swait.ge [sflag:s23], $0x500  }
0xcb: {  	[sflag:s23] =	ssyncset.done $0x0  }
0xcc: {  	[sflag:s23] =	ssyncadd.s32 $0xFFFFFB00  }
0xcd: {  	[spmem:s3] =	stream.indirect.scatter.add.f32 [tilespmem:s28], [sflag:$0x3], $0x10, s24, s24, $0xb8;
	[tilespmem:$0x5640] =	vst v63  }
0xce: {  	_ =	swait.ge [sflag:s23], $0x500  }
0xcf: {  	[sflag:s23] =	ssyncset.done $0x0  }
0xd0: {  	[sflag:s23] =	ssyncadd.s32 $0xFFFFFB00  }
0xd1: {  	[tilespmem:s4], [sflag:$0x1] =	stream.linear.gather [hbm4b:s18+s4], $0x50, $0x38;
	[tilespmem:$0x5640] =	vst v63  }
0xd2: {  	_ = 	snop  }
0xd3: {  	[tilespmem:s24], [sflag:$0x1] =	stream.linear.gather [hbm4b:s19+s4], $0x50, $0x38;
	[tilespmem:$0x5640] =	vst v63  }
0xd4: {  	_ = 	snop  }
0xd5: {  	[spmem:s2] =	stream.indirect.scatter.add.f32 [tilespmem:s28], [sflag:$0x3], $0x10, s25, s24, $0xb8;
	[tilespmem:$0x5640] =	vst v63  }
0xd6: {  	_ =	swait.ge [sflag:s23], $0x500  }
0xd7: {  	[sflag:s23] =	ssyncset.done $0x0  }
0xd8: {  	[sflag:s23] =	ssyncadd.s32 $0xFFFFFB00  }
0xd9: {  	[spmem:s3] =	stream.indirect.scatter.add.f32 [tilespmem:s28], [sflag:$0x3], $0x10, s26, s24, $0xb8;
	[tilespmem:$0x5640] =	vst v63  }
0xda: {  	_ =	swait.ge [sflag:s23], $0x500  }
0xdb: {  	[sflag:s23] =	ssyncset.done $0x0  }
0xdc: {  	[sflag:s23] =	ssyncadd.s32 $0xFFFFFB00  }
0xdd: {  	_ =	swait.ge [sflag:s29], $0x50  }
0xde: {  	[sflag:s29] =	ssyncset.done $0x0  }
0xdf: {  	[sflag:s29] =	ssyncadd.s32 $0xFFFFFFB0  }
0xe0: {  	_ =	swait.ge [sflag:s29], $0x50  }
0xe1: {  	[sflag:s29] =	ssyncset.done $0x0  }
0xe2: {  	[sflag:s29] =	ssyncadd.s32 $0xFFFFFFB0  }
0xe3: {  	[spmem:s2] =	stream.indirect.scatter.add.f32 [tilespmem:s28], [sflag:$0x3], $0x10, s4, s24, $0xb8;
	[tilespmem:$0x5640] =	vst v63  }
0xe4: {  	_ =	swait.ge [sflag:s23], $0x500  }
0xe5: {  	[sflag:s23] =	ssyncset.done $0x0  }
0xe6: {  	[sflag:s23] =	ssyncadd.s32 $0xFFFFFB00  }
0xe7: {  	[spmem:s3] =	stream.indirect.scatter.add.f32 [tilespmem:s28], [sflag:$0x3], $0x10, s24, s24, $0xb8;
	[tilespmem:$0x5640] =	vst v63  }
0xe8: {  	_ =	swait.ge [sflag:s23], $0x500  }
0xe9: {  	[sflag:s23] =	ssyncset.done $0x0  }
0xea: {  	[sflag:s23] =	ssyncadd.s32 $0xFFFFFB00  }
0xeb: {  	[bflag:$0x0] =	sbarrier.arrive $0xFFFF  }
0xec: {  	[hbm:s15], [sflag:s9] =	dma.local [spmem:s0], $0x500  }
0xed: {  	s31 =	sadd.s32 $0x1, s31;
	_ =	swait.ge [sflag:s23], $0x500  }
0xee: {  	p0 =	sne.s32 s31, s17;
	[sflag:s23] =	ssyncset.done $0x0  }
.Ltmp1:
0xef: {  	[sflag:s23] =	ssyncadd.s32 $0xFFFFFB00;
	(pc) =	sbr.rel @p0 .LBB2_1-.Ltmp1, $4  }
0xf0: {  	[hbm:s16], [sflag:s9] =	dma.local [spmem:s1], $0x500  }
0xf1: {  	_ =	swait.ge [sflag:s23], $0x500  }
0xf2: {  	[sflag:s23] =	ssyncset.done $0x0  }
0xf3: {  	[sflag:s23] =	ssyncadd.s32 $0xFFFFFB00  }
0xf4: {  	_ =	sfence.sel $0x180000  }
0xf5: {  	[bflag:$0x0] =	sbarrier.arrive $0xFFFF  }
0xf6: {  	_ =	strace $0x90000047  }
0xf7: {  	s0 =	stileid.u32;
	[bflag:$0x2] =	sbarrier.arrive $0xFFFF  }
0xf8: {  	p0 =	sne.s32 s0, $0x0;
	s0 =	rddreg [dreg:$0x3]  }
0xf9: {  	s0 =	sadd.s32 @!p0 $0x100000, s0  }
0xfa: {  	[sflag:s0] =	ssyncadd.tile.s32 @!p0 $0x1;
	_ =	shalt  }
.Lfunc_end2:
_tile_overlayer_lowered:
.L_overlay_start_2:
0xfb: {  	(tag) =	ssettag $0x2  }
0xfc: {  	s0 =	rddreg [dreg:$0x0];
	s2 =	stileid.u32  }
0xfd: {  	s1 =	rddreg [dreg:$0x1];
	p0 =	sne.s32 s2, $0x0  }
0xfe: {  	s3 =	rddreg [dreg:$0x2];
	[bflag:$0x3] =	sbarrier.arrive $0xFFFF;
	s2 =	simm.s32 @!p0 $0x1C03  }
0xff: {  	[timem:s3], [sflag:s2] =	dma.local @!p0 [hbm:s0], s1  }
0x100: {  	s0 =	simm.s32 @!p0 $0x3  }
0x101: {  	_ =	swait.ge @!p0 [sflag:s0], s1  }
0x102: {  	s1 =	ssub.s32 @!p0 $0x0, s1;
	[sflag:s0] =	ssyncset.done @!p0 $0x0  }
0x103: {  	[sflag:s0] =	ssyncadd.s32 @!p0 s1  }
0x104: {  	[bflag:$0x3] =	sbarrier.arrive $0xFFFF  }
0x105: {  	_ =	shalt  }

</sc_bundles>
